<compile_context>
chip_gen: v7x
topology: tpu7x:2x2x1
jax: 0.10.2.dev20260603
libtpu: 0.0.44.dev20260713+nightly
codegen_flags: <defaults>
</compile_context>

<pallas_src>
import jax
import jax.numpy as jnp
from jax import lax
from jax.experimental import pallas as pl
from jax.experimental.pallas import tpu as pltpu
from jax.experimental.pallas import tpu_sc as plsc

NC = 2
NS = 16
NW = NC * NS

B = 16384
S = 50
V = 1_000_000
D = 32

BPW = B // NW
NSPAIR = S // 2


def _iota16():
    return lax.iota(jnp.int32, 16)


NIT_PW = (S + 7) // 8 * (B // 128) // NW


def _k1_body(idxT, idxf, itile, si, so):
    w = lax.axis_index("s") * NC + lax.axis_index("c")

    def it_fire_in(k, carry):
        t = w + NW * k
        tr = t // 128
        tc = t - tr * 128
        pltpu.async_copy(idxT.at[pl.ds(8 * tr, 8), pl.ds(128 * tc, 128)], itile.at[k], si)
        return carry

    lax.fori_loop(0, 24, it_fire_in, 0)
    for k in range(24, NIT_PW):
        pltpu.async_copy(idxT.at[pl.ds(48, 2), pl.ds(128 * (w + NW * k - 768), 128)],
                         itile.at[k, pl.ds(0, 2)], si)

    def it_drain_in(k, carry):
        pltpu.make_async_copy(idxT.at[pl.ds(0, 8), pl.ds(0, 128)], itile.at[k], si).wait()
        return carry

    lax.fori_loop(0, 24, it_drain_in, 0)
    for k in range(24, NIT_PW):
        pltpu.make_async_copy(idxT.at[pl.ds(0, 2), pl.ds(0, 128)],
                              itile.at[k, pl.ds(0, 2)], si).wait()

    def it_fire_out(k, carry):
        t = w + NW * k
        tr = t // 128
        tc = t - tr * 128
        for e in range(8):
            pltpu.async_copy(itile.at[k, e], idxf.at[(8 * tr + e) * 128 + tc, :], so)
        return carry

    lax.fori_loop(0, 24, it_fire_out, 0)
    for k in range(24, NIT_PW):
        tc = w + NW * k - 768
        for e in range(2):
            pltpu.async_copy(itile.at[k, e], idxf.at[(48 + e) * 128 + tc, :], so)

    def it_drain_out(k, carry):
        pltpu.make_async_copy(itile.at[0], idxf.at[pl.ds(0, 8), :], so).wait()
        return carry

    lax.fori_loop(0, 24, it_drain_out, 0)
    for k in range(24, NIT_PW):
        pltpu.make_async_copy(itile.at[0, pl.ds(0, 2)], idxf.at[pl.ds(0, 2), :], so).wait()


def _p2_body(idx3, table, out3, idx_v, rows0, rows1, tbuf, obuf0, obuf1,
             g0, g1, o0, o1):
    w = lax.axis_index("s") * NC + lax.axis_index("c")
    iota = _iota16()
    b0 = w * BPW

    pltpu.sync_copy(idx3.at[:, pl.ds(4 * w, 4), :], idx_v)

    def fire_g(s, rows, sem):
        for j in range(4):
            pltpu.async_copy(table.at[idx_v.at[s, j]],
                             rows.at[pl.ds(128 * j, 128)], sem)

    def wait_g(rows, sem):
        pltpu.make_async_copy(table.at[pl.ds(0, BPW)], rows, sem).wait()

    def fire_o(s, obuf, sem):
        pltpu.async_copy(obuf, out3.at[s, :, pl.ds(b0, BPW)], sem)

    def wait_o(obuf, sem):
        pltpu.make_async_copy(obuf, out3.at[0, :, pl.ds(0, BPW)], sem).wait()

    def transpose(rows, obuf):
        def p1body(b2, carry):
            for u in range(8):
                bq = 8 * b2 + u
                bqv = jnp.full((16,), bq, jnp.int32)
                x0 = rows[bq, pl.ds(0, 16)]
                x1 = rows[bq, pl.ds(16, 16)]
                plsc.store_scatter(tbuf, [iota, bqv], x0)
                plsc.store_scatter(tbuf, [iota + 16, bqv], x1)
            return carry

        lax.fori_loop(0, BPW // 8, p1body, 0)

        def p2body(v, carry):
            for d in range(D):
                obuf[d, pl.ds(16 * v, 16)] = tbuf[d, pl.ds(16 * v, 16)]
            return carry

        lax.fori_loop(0, BPW // 16, p2body, 0)

    fire_g(0, rows0, g0)

    def pair(s2, carry):
        s0 = 2 * s2
        s1 = s0 + 1
        wait_g(rows0, g0)
        fire_g(s1, rows1, g1)

        @pl.when(s2 > 0)
        def _():
            wait_o(obuf0, o0)

        transpose(rows0, obuf0)
        fire_o(s0, obuf0, o0)
        wait_g(rows1, g1)

        @pl.when(s2 < NSPAIR - 1)
        def _():
            fire_g(s0 + 2, rows0, g0)

        @pl.when(s2 > 0)
        def _():
            wait_o(obuf1, o1)

        transpose(rows1, obuf1)
        fire_o(s1, obuf1, o1)
        return carry

    lax.fori_loop(0, NSPAIR, pair, 0)
    wait_o(obuf0, o0)
    wait_o(obuf1, o1)


def kernel(inputs, index, weights):
    wflat = lax.optimization_barrier(weights.reshape(V // 4, 128))
    wlin = lax.optimization_barrier(wflat.reshape(V * D))
    table = wlin.reshape(V, D)
    mesh = plsc.VectorSubcoreMesh(core_axis_name="c", subcore_axis_name="s")

    k1 = pl.kernel(
        _k1_body,
        out_type=jax.ShapeDtypeStruct((B * S // 128, 128), jnp.int32),
        mesh=mesh,
        compiler_params=pltpu.CompilerParams(use_tc_tiling_on_sc=True,
                                             needs_layout_passes=False),
        scratch_types=[
            pltpu.VMEM((NIT_PW, 8, 128), jnp.int32),
            pltpu.SemaphoreType.DMA,
            pltpu.SemaphoreType.DMA,
        ],
    )
    idxf = k1(inputs.T)
    idx3 = idxf.reshape(S, B // 128, 128)

    p2 = pl.kernel(
        _p2_body,
        out_type=jax.ShapeDtypeStruct((S, D, B), jnp.float32),
        mesh=mesh,
        compiler_params=pltpu.CompilerParams(use_tc_tiling_on_sc=False,
                                             needs_layout_passes=False),
        scratch_types=[
            pltpu.VMEM((S, 4, 128), jnp.int32),
            pltpu.VMEM((BPW, D), jnp.float32),
            pltpu.VMEM((BPW, D), jnp.float32),
            pltpu.VMEM((D, BPW + 1), jnp.float32),
            pltpu.VMEM((D, BPW), jnp.float32),
            pltpu.VMEM((D, BPW), jnp.float32),
            pltpu.SemaphoreType.DMA,
            pltpu.SemaphoreType.DMA,
            pltpu.SemaphoreType.DMA,
            pltpu.SemaphoreType.DMA,
        ],
    )
    out3 = p2(idx3, table)

    return out3.transpose(2, 0, 1)

# --- scband reference (transcript-rebuilt; emitter-appended) ---
"""Pipeline reference for scband-embedding-63883343560835 (READ-ONLY COPY).

The authoritative reference and input builder live on the scoring server;
editing this copy changes nothing except your own understanding.
"""

import jax, jax.numpy as jnp
import numpy as np

INPUT_DIM = 1000000
OUTPUT_DIM = 32

def glorot(key, shape):
    init_range = np.sqrt(6.0 / (shape[0] + shape[1]))
    return jax.random.uniform(key, shape, dtype=jnp.float32, minval=-init_range, maxval=init_range)

def setup_inputs(seed: int = 0) -> dict:
    key = jax.random.key(seed)
    k_idx, k_w = jax.random.split(key)
    inputs = jax.random.randint(k_idx, (16384, 50), 0, INPUT_DIM, dtype=jnp.int64 if jax.config.jax_enable_x64 else jnp.int32)
    weights = glorot(k_w, (INPUT_DIM, OUTPUT_DIM))
    return {"inputs": inputs, "index": 0, "weights": weights}

def reference(inputs, index, weights):
    # tf.nn.embedding_lookup(weights, inputs); `index` is unused in the original _call
    output = jnp.take(weights, inputs, axis=0)
    return output

if __name__ == "__main__":
    import jax
    _d = setup_inputs()
    print(jax.jit(kernel)(*tuple(_d.values())))

</pallas_src>

<mosaic_0001>
#map = affine_map<(d0, d1) -> (0, 0)>
module attributes {stable_mosaic.version = 14 : i64} {
  func.func @_k1_body(%arg0: i32, %arg1: i32, %arg2: memref<50x16384xi32, #tpu.memory_space<hbm>>, %arg3: memref<6400x128xi32, #tpu.memory_space<hbm>>, %arg4: memref<28x8x128xi32, #tpu.memory_space<vmem>>, %arg5: memref<!tpu.dma_semaphore, #tpu.memory_space<semaphore_mem>>, %arg6: memref<!tpu.dma_semaphore, #tpu.memory_space<semaphore_mem>>) attributes {dimension_semantics = [#tpu.dimension_semantics<core_parallel>, #tpu.dimension_semantics<subcore_parallel>], iteration_bounds = array<i64: 2, 16>, scalar_prefetch = 0 : i64, scratch_operands = 3 : i64, tpu.core_type = #tpu.core_type<sc_vector_subcore>, window_params = [{transform_indices = #map}, {transform_indices = #map}]} {
    %mul3A = arith.constant 2 : i32
    %mul3A_0 = arith.muli %arg1, %mul3A : i32
    %add3A = arith.addi %mul3A_0, %arg0 : i32
    %scan3A = arith.constant 0 : i32
    %scan3A_1 = arith.constant 0 : i32
    %scan3A_2 = arith.constant 24 : i32
    %scan3A_3 = arith.addi %scan3A_1, %scan3A_2 : i32
    %scan3A_4 = arith.constant 1 : i32
    scf.for %scan3A_361 = %scan3A_1 to %scan3A_3 step %scan3A_4  : i32 {
      %mul3A_362 = arith.constant 32 : i32
      %mul3A_363 = arith.muli %mul3A_362, %scan3A_361 : i32
      %add3A_364 = arith.addi %add3A, %mul3A_363 : i32
      %jit3A = arith.constant 128 : i32
      %div3A = arith.divsi %add3A_364, %jit3A : i32
      %sign3A = arith.constant 0 : i32
      %sign3A_365 = arith.cmpi sgt, %add3A_364, %sign3A : i32
      %sign3A_366 = arith.extui %sign3A_365 : i1 to i32
      %sign3A_367 = arith.constant 0 : i32
      %sign3A_368 = arith.cmpi slt, %add3A_364, %sign3A_367 : i32
      %sign3A_369 = arith.extui %sign3A_368 : i1 to i32
      %sign3A_370 = arith.subi %sign3A_366, %sign3A_369 : i32
      %sign3A_371 = arith.constant 0 : i32
      %sign3A_372 = arith.cmpi sgt, %jit3A, %sign3A_371 : i32
      %sign3A_373 = arith.extui %sign3A_372 : i1 to i32
      %sign3A_374 = arith.constant 0 : i32
      %sign3A_375 = arith.cmpi slt, %jit3A, %sign3A_374 : i32
      %sign3A_376 = arith.extui %sign3A_375 : i1 to i32
      %sign3A_377 = arith.subi %sign3A_373, %sign3A_376 : i32
      %ne3A = arith.cmpi ne, %sign3A_370, %sign3A_377 : i32
      %rem3A = arith.remsi %add3A_364, %jit3A : i32
      %ne3A_378 = arith.constant 0 : i32
      %ne3A_379 = arith.cmpi ne, %rem3A, %ne3A_378 : i32
      %and3A = arith.andi %ne3A, %ne3A_379 : i1
      %sub3A_380 = arith.constant 1 : i32
      %sub3A_381 = arith.subi %div3A, %sub3A_380 : i32
      %select_n3A = arith.select %and3A, %sub3A_381, %div3A : i32
      %mul3A_382 = arith.constant 128 : i32
      %mul3A_383 = arith.muli %select_n3A, %mul3A_382 : i32
      %sub3A_384 = arith.subi %add3A_364, %mul3A_383 : i32
      %mul3A_385 = arith.constant 8 : i32
      %mul3A_386 = arith.muli %mul3A_385, %select_n3A : i32
      %mul3A_387 = arith.constant 128 : i32
      %mul3A_388 = arith.muli %mul3A_387, %sub3A_384 : i32
      %dma_start3A_389 = arith.constant 0 : i32
      %dma_start3A_390 = arith.constant 0 : i32
      %dma_start3A_391 = tpu.memref_slice %arg4[%scan3A_361, %dma_start3A_389, %dma_start3A_390] : memref<28x8x128xi32, #tpu.memory_space<vmem>> -> memref<1x8x128xi32, #tpu.memory_space<vmem>>
      %dma_start3A_392 = tpu.memref_squeeze %dma_start3A_391 : memref<1x8x128xi32, #tpu.memory_space<vmem>> -> memref<8x128xi32, #tpu.memory_space<vmem>>
      %dma_start3A_393 = tpu.memref_slice %arg2[%mul3A_386, %mul3A_388] : memref<50x16384xi32, #tpu.memory_space<hbm>> -> memref<8x128xi32, #tpu.memory_space<hbm>>
      %dma_start3A_394 = arith.constant 0 : i32
      %dma_start3A_395 = arith.constant 0 : i32
      %dma_start3A_396 = tpu.memref_slice %arg4[%scan3A_361, %dma_start3A_394, %dma_start3A_395] : memref<28x8x128xi32, #tpu.memory_space<vmem>> -> memref<1x8x128xi32, #tpu.memory_space<vmem>>
      %dma_start3A_397 = tpu.memref_squeeze %dma_start3A_396 : memref<1x8x128xi32, #tpu.memory_space<vmem>> -> memref<8x128xi32, #tpu.memory_space<vmem>>
      %dma_start3A_398 = tpu.memref_slice %arg2[%mul3A_386, %mul3A_388] : memref<50x16384xi32, #tpu.memory_space<hbm>> -> memref<8x128xi32, #tpu.memory_space<hbm>>
      tpu.enqueue_dma source(%dma_start3A_398 : memref<8x128xi32, #tpu.memory_space<hbm>>) target(%dma_start3A_397 : memref<8x128xi32, #tpu.memory_space<vmem>>) target_semaphore(%arg5 : memref<!tpu.dma_semaphore, #tpu.memory_space<semaphore_mem>>)
    }
    %scan3A_5 = arith.constant 24 : i32
    %add3A_6 = arith.constant 768 : i32
    %add3A_7 = arith.addi %add3A, %add3A_6 : i32
    %sub3A = arith.constant 768 : i32
    %sub3A_8 = arith.subi %add3A_7, %sub3A : i32
    %mul3A_9 = arith.constant 128 : i32
    %mul3A_10 = arith.muli %mul3A_9, %sub3A_8 : i32
    %dma_start3A = arith.constant 24 : i32
    %dma_start3A_11 = arith.constant 0 : i32
    %dma_start3A_12 = arith.constant 0 : i32
    %dma_start3A_13 = tpu.memref_slice %arg4[%dma_start3A, %dma_start3A_11, %dma_start3A_12] : memref<28x8x128xi32, #tpu.memory_space<vmem>> -> memref<1x2x128xi32, #tpu.memory_space<vmem>>
    %dma_start3A_14 = tpu.memref_squeeze %dma_start3A_13 : memref<1x2x128xi32, #tpu.memory_space<vmem>> -> memref<2x128xi32, #tpu.memory_space<vmem>>
    %dma_start3A_15 = arith.constant 48 : i32
    %dma_start3A_16 = tpu.memref_slice %arg2[%dma_start3A_15, %mul3A_10] : memref<50x16384xi32, #tpu.memory_space<hbm>> -> memref<2x128xi32, #tpu.memory_space<hbm>>
    %dma_start3A_17 = arith.constant 0 : i32
    %dma_start3A_18 = arith.constant 0 : i32
    %dma_start3A_19 = tpu.memref_slice %arg4[%dma_start3A, %dma_start3A_17, %dma_start3A_18] : memref<28x8x128xi32, #tpu.memory_space<vmem>> -> memref<1x2x128xi32, #tpu.memory_space<vmem>>
    %dma_start3A_20 = tpu.memref_squeeze %dma_start3A_19 : memref<1x2x128xi32, #tpu.memory_space<vmem>> -> memref<2x128xi32, #tpu.memory_space<vmem>>
    %dma_start3A_21 = arith.constant 48 : i32
    %dma_start3A_22 = tpu.memref_slice %arg2[%dma_start3A_21, %mul3A_10] : memref<50x16384xi32, #tpu.memory_space<hbm>> -> memref<2x128xi32, #tpu.memory_space<hbm>>
    tpu.enqueue_dma source(%dma_start3A_22 : memref<2x128xi32, #tpu.memory_space<hbm>>) target(%dma_start3A_20 : memref<2x128xi32, #tpu.memory_space<vmem>>) target_semaphore(%arg5 : memref<!tpu.dma_semaphore, #tpu.memory_space<semaphore_mem>>)
    %add3A_23 = arith.constant 800 : i32
    %add3A_24 = arith.addi %add3A, %add3A_23 : i32
    %sub3A_25 = arith.constant 768 : i32
    %sub3A_26 = arith.subi %add3A_24, %sub3A_25 : i32
    %mul3A_27 = arith.constant 128 : i32
    %mul3A_28 = arith.muli %mul3A_27, %sub3A_26 : i32
    %dma_start3A_29 = arith.constant 25 : i32
    %dma_start3A_30 = arith.constant 0 : i32
    %dma_start3A_31 = arith.constant 0 : i32
    %dma_start3A_32 = tpu.memref_slice %arg4[%dma_start3A_29, %dma_start3A_30, %dma_start3A_31] : memref<28x8x128xi32, #tpu.memory_space<vmem>> -> memref<1x2x128xi32, #tpu.memory_space<vmem>>
    %dma_start3A_33 = tpu.memref_squeeze %dma_start3A_32 : memref<1x2x128xi32, #tpu.memory_space<vmem>> -> memref<2x128xi32, #tpu.memory_space<vmem>>
    %dma_start3A_34 = arith.constant 48 : i32
    %dma_start3A_35 = tpu.memref_slice %arg2[%dma_start3A_34, %mul3A_28] : memref<50x16384xi32, #tpu.memory_space<hbm>> -> memref<2x128xi32, #tpu.memory_space<hbm>>
    %dma_start3A_36 = arith.constant 0 : i32
    %dma_start3A_37 = arith.constant 0 : i32
    %dma_start3A_38 = tpu.memref_slice %arg4[%dma_start3A_29, %dma_start3A_36, %dma_start3A_37] : memref<28x8x128xi32, #tpu.memory_space<vmem>> -> memref<1x2x128xi32, #tpu.memory_space<vmem>>
    %dma_start3A_39 = tpu.memref_squeeze %dma_start3A_38 : memref<1x2x128xi32, #tpu.memory_space<vmem>> -> memref<2x128xi32, #tpu.memory_space<vmem>>
    %dma_start3A_40 = arith.constant 48 : i32
    %dma_start3A_41 = tpu.memref_slice %arg2[%dma_start3A_40, %mul3A_28] : memref<50x16384xi32, #tpu.memory_space<hbm>> -> memref<2x128xi32, #tpu.memory_space<hbm>>
    tpu.enqueue_dma source(%dma_start3A_41 : memref<2x128xi32, #tpu.memory_space<hbm>>) target(%dma_start3A_39 : memref<2x128xi32, #tpu.memory_space<vmem>>) target_semaphore(%arg5 : memref<!tpu.dma_semaphore, #tpu.memory_space<semaphore_mem>>)
    %add3A_42 = arith.constant 832 : i32
    %add3A_43 = arith.addi %add3A, %add3A_42 : i32
    %sub3A_44 = arith.constant 768 : i32
    %sub3A_45 = arith.subi %add3A_43, %sub3A_44 : i32
    %mul3A_46 = arith.constant 128 : i32
    %mul3A_47 = arith.muli %mul3A_46, %sub3A_45 : i32
    %dma_start3A_48 = arith.constant 26 : i32
    %dma_start3A_49 = arith.constant 0 : i32
    %dma_start3A_50 = arith.constant 0 : i32
    %dma_start3A_51 = tpu.memref_slice %arg4[%dma_start3A_48, %dma_start3A_49, %dma_start3A_50] : memref<28x8x128xi32, #tpu.memory_space<vmem>> -> memref<1x2x128xi32, #tpu.memory_space<vmem>>
    %dma_start3A_52 = tpu.memref_squeeze %dma_start3A_51 : memref<1x2x128xi32, #tpu.memory_space<vmem>> -> memref<2x128xi32, #tpu.memory_space<vmem>>
    %dma_start3A_53 = arith.constant 48 : i32
    %dma_start3A_54 = tpu.memref_slice %arg2[%dma_start3A_53, %mul3A_47] : memref<50x16384xi32, #tpu.memory_space<hbm>> -> memref<2x128xi32, #tpu.memory_space<hbm>>
    %dma_start3A_55 = arith.constant 0 : i32
    %dma_start3A_56 = arith.constant 0 : i32
    %dma_start3A_57 = tpu.memref_slice %arg4[%dma_start3A_48, %dma_start3A_55, %dma_start3A_56] : memref<28x8x128xi32, #tpu.memory_space<vmem>> -> memref<1x2x128xi32, #tpu.memory_space<vmem>>
    %dma_start3A_58 = tpu.memref_squeeze %dma_start3A_57 : memref<1x2x128xi32, #tpu.memory_space<vmem>> -> memref<2x128xi32, #tpu.memory_space<vmem>>
    %dma_start3A_59 = arith.constant 48 : i32
    %dma_start3A_60 = tpu.memref_slice %arg2[%dma_start3A_59, %mul3A_47] : memref<50x16384xi32, #tpu.memory_space<hbm>> -> memref<2x128xi32, #tpu.memory_space<hbm>>
    tpu.enqueue_dma source(%dma_start3A_60 : memref<2x128xi32, #tpu.memory_space<hbm>>) target(%dma_start3A_58 : memref<2x128xi32, #tpu.memory_space<vmem>>) target_semaphore(%arg5 : memref<!tpu.dma_semaphore, #tpu.memory_space<semaphore_mem>>)
    %add3A_61 = arith.constant 864 : i32
    %add3A_62 = arith.addi %add3A, %add3A_61 : i32
    %sub3A_63 = arith.constant 768 : i32
    %sub3A_64 = arith.subi %add3A_62, %sub3A_63 : i32
    %mul3A_65 = arith.constant 128 : i32
    %mul3A_66 = arith.muli %mul3A_65, %sub3A_64 : i32
    %dma_start3A_67 = arith.constant 27 : i32
    %dma_start3A_68 = arith.constant 0 : i32
    %dma_start3A_69 = arith.constant 0 : i32
    %dma_start3A_70 = tpu.memref_slice %arg4[%dma_start3A_67, %dma_start3A_68, %dma_start3A_69] : memref<28x8x128xi32, #tpu.memory_space<vmem>> -> memref<1x2x128xi32, #tpu.memory_space<vmem>>
    %dma_start3A_71 = tpu.memref_squeeze %dma_start3A_70 : memref<1x2x128xi32, #tpu.memory_space<vmem>> -> memref<2x128xi32, #tpu.memory_space<vmem>>
    %dma_start3A_72 = arith.constant 48 : i32
    %dma_start3A_73 = tpu.memref_slice %arg2[%dma_start3A_72, %mul3A_66] : memref<50x16384xi32, #tpu.memory_space<hbm>> -> memref<2x128xi32, #tpu.memory_space<hbm>>
    %dma_start3A_74 = arith.constant 0 : i32
    %dma_start3A_75 = arith.constant 0 : i32
    %dma_start3A_76 = tpu.memref_slice %arg4[%dma_start3A_67, %dma_start3A_74, %dma_start3A_75] : memref<28x8x128xi32, #tpu.memory_space<vmem>> -> memref<1x2x128xi32, #tpu.memory_space<vmem>>
    %dma_start3A_77 = tpu.memref_squeeze %dma_start3A_76 : memref<1x2x128xi32, #tpu.memory_space<vmem>> -> memref<2x128xi32, #tpu.memory_space<vmem>>
    %dma_start3A_78 = arith.constant 48 : i32
    %dma_start3A_79 = tpu.memref_slice %arg2[%dma_start3A_78, %mul3A_66] : memref<50x16384xi32, #tpu.memory_space<hbm>> -> memref<2x128xi32, #tpu.memory_space<hbm>>
    tpu.enqueue_dma source(%dma_start3A_79 : memref<2x128xi32, #tpu.memory_space<hbm>>) target(%dma_start3A_77 : memref<2x128xi32, #tpu.memory_space<vmem>>) target_semaphore(%arg5 : memref<!tpu.dma_semaphore, #tpu.memory_space<semaphore_mem>>)
    %scan3A_80 = arith.constant 0 : i32
    %scan3A_81 = arith.constant 0 : i32
    %scan3A_82 = arith.constant 24 : i32
    %scan3A_83 = arith.addi %scan3A_81, %scan3A_82 : i32
    %scan3A_84 = arith.constant 1 : i32
    scf.for %scan3A_361 = %scan3A_81 to %scan3A_83 step %scan3A_84  : i32 {
      %dma_wait3A_362 = arith.constant 0 : i32
      %dma_wait3A_363 = arith.constant 0 : i32
      %dma_wait3A_364 = tpu.memref_slice %arg4[%scan3A_361, %dma_wait3A_362, %dma_wait3A_363] : memref<28x8x128xi32, #tpu.memory_space<vmem>> -> memref<1x8x128xi32, #tpu.memory_space<vmem>>
      %dma_wait3A_365 = tpu.memref_squeeze %dma_wait3A_364 : memref<1x8x128xi32, #tpu.memory_space<vmem>> -> memref<8x128xi32, #tpu.memory_space<vmem>>
      %dma_wait3A_366 = arith.constant 0 : i32
      %dma_wait3A_367 = arith.constant 0 : i32
      %dma_wait3A_368 = tpu.memref_slice %arg2[%dma_wait3A_366, %dma_wait3A_367] : memref<50x16384xi32, #tpu.memory_space<hbm>> -> memref<8x128xi32, #tpu.memory_space<hbm>>
      %dma_wait3A_369 = arith.constant 0 : i32
      %dma_wait3A_370 = arith.constant 0 : i32
      %dma_wait3A_371 = tpu.memref_slice %arg4[%scan3A_361, %dma_wait3A_369, %dma_wait3A_370] : memref<28x8x128xi32, #tpu.memory_space<vmem>> -> memref<1x8x128xi32, #tpu.memory_space<vmem>>
      %dma_wait3A_372 = tpu.memref_squeeze %dma_wait3A_371 : memref<1x8x128xi32, #tpu.memory_space<vmem>> -> memref<8x128xi32, #tpu.memory_space<vmem>>
      %dma_wait3A_373 = arith.constant 0 : i32
      %dma_wait3A_374 = arith.constant 0 : i32
      %dma_wait3A_375 = tpu.memref_slice %arg2[%dma_wait3A_373, %dma_wait3A_374] : memref<50x16384xi32, #tpu.memory_space<hbm>> -> memref<8x128xi32, #tpu.memory_space<hbm>>
      tpu.wait_dma2 semaphore(%arg5 : memref<!tpu.dma_semaphore, #tpu.memory_space<semaphore_mem>>) src(%dma_wait3A_375 : memref<8x128xi32, #tpu.memory_space<hbm>>) dst(%dma_wait3A_372 : memref<8x128xi32, #tpu.memory_space<vmem>>)
    }
    %scan3A_85 = arith.constant 24 : i32
    %dma_wait3A = arith.constant 24 : i32
    %dma_wait3A_86 = arith.constant 0 : i32
    %dma_wait3A_87 = arith.constant 0 : i32
    %dma_wait3A_88 = tpu.memref_slice %arg4[%dma_wait3A, %dma_wait3A_86, %dma_wait3A_87] : memref<28x8x128xi32, #tpu.memory_space<vmem>> -> memref<1x2x128xi32, #tpu.memory_space<vmem>>
    %dma_wait3A_89 = tpu.memref_squeeze %dma_wait3A_88 : memref<1x2x128xi32, #tpu.memory_space<vmem>> -> memref<2x128xi32, #tpu.memory_space<vmem>>
    %dma_wait3A_90 = arith.constant 0 : i32
    %dma_wait3A_91 = arith.constant 0 : i32
    %dma_wait3A_92 = tpu.memref_slice %arg2[%dma_wait3A_90, %dma_wait3A_91] : memref<50x16384xi32, #tpu.memory_space<hbm>> -> memref<2x128xi32, #tpu.memory_space<hbm>>
    %dma_wait3A_93 = arith.constant 0 : i32
    %dma_wait3A_94 = arith.constant 0 : i32
    %dma_wait3A_95 = tpu.memref_slice %arg4[%dma_wait3A, %dma_wait3A_93, %dma_wait3A_94] : memref<28x8x128xi32, #tpu.memory_space<vmem>> -> memref<1x2x128xi32, #tpu.memory_space<vmem>>
    %dma_wait3A_96 = tpu.memref_squeeze %dma_wait3A_95 : memref<1x2x128xi32, #tpu.memory_space<vmem>> -> memref<2x128xi32, #tpu.memory_space<vmem>>
    %dma_wait3A_97 = arith.constant 0 : i32
    %dma_wait3A_98 = arith.constant 0 : i32
    %dma_wait3A_99 = tpu.memref_slice %arg2[%dma_wait3A_97, %dma_wait3A_98] : memref<50x16384xi32, #tpu.memory_space<hbm>> -> memref<2x128xi32, #tpu.memory_space<hbm>>
    tpu.wait_dma2 semaphore(%arg5 : memref<!tpu.dma_semaphore, #tpu.memory_space<semaphore_mem>>) src(%dma_wait3A_99 : memref<2x128xi32, #tpu.memory_space<hbm>>) dst(%dma_wait3A_96 : memref<2x128xi32, #tpu.memory_space<vmem>>)
    %dma_wait3A_100 = arith.constant 25 : i32
    %dma_wait3A_101 = arith.constant 0 : i32
    %dma_wait3A_102 = arith.constant 0 : i32
    %dma_wait3A_103 = tpu.memref_slice %arg4[%dma_wait3A_100, %dma_wait3A_101, %dma_wait3A_102] : memref<28x8x128xi32, #tpu.memory_space<vmem>> -> memref<1x2x128xi32, #tpu.memory_space<vmem>>
    %dma_wait3A_104 = tpu.memref_squeeze %dma_wait3A_103 : memref<1x2x128xi32, #tpu.memory_space<vmem>> -> memref<2x128xi32, #tpu.memory_space<vmem>>
    %dma_wait3A_105 = arith.constant 0 : i32
    %dma_wait3A_106 = arith.constant 0 : i32
    %dma_wait3A_107 = tpu.memref_slice %arg2[%dma_wait3A_105, %dma_wait3A_106] : memref<50x16384xi32, #tpu.memory_space<hbm>> -> memref<2x128xi32, #tpu.memory_space<hbm>>
    %dma_wait3A_108 = arith.constant 0 : i32
    %dma_wait3A_109 = arith.constant 0 : i32
    %dma_wait3A_110 = tpu.memref_slice %arg4[%dma_wait3A_100, %dma_wait3A_108, %dma_wait3A_109] : memref<28x8x128xi32, #tpu.memory_space<vmem>> -> memref<1x2x128xi32, #tpu.memory_space<vmem>>
    %dma_wait3A_111 = tpu.memref_squeeze %dma_wait3A_110 : memref<1x2x128xi32, #tpu.memory_space<vmem>> -> memref<2x128xi32, #tpu.memory_space<vmem>>
    %dma_wait3A_112 = arith.constant 0 : i32
    %dma_wait3A_113 = arith.constant 0 : i32
    %dma_wait3A_114 = tpu.memref_slice %arg2[%dma_wait3A_112, %dma_wait3A_113] : memref<50x16384xi32, #tpu.memory_space<hbm>> -> memref<2x128xi32, #tpu.memory_space<hbm>>
    tpu.wait_dma2 semaphore(%arg5 : memref<!tpu.dma_semaphore, #tpu.memory_space<semaphore_mem>>) src(%dma_wait3A_114 : memref<2x128xi32, #tpu.memory_space<hbm>>) dst(%dma_wait3A_111 : memref<2x128xi32, #tpu.memory_space<vmem>>)
    %dma_wait3A_115 = arith.constant 26 : i32
    %dma_wait3A_116 = arith.constant 0 : i32
    %dma_wait3A_117 = arith.constant 0 : i32
    %dma_wait3A_118 = tpu.memref_slice %arg4[%dma_wait3A_115, %dma_wait3A_116, %dma_wait3A_117] : memref<28x8x128xi32, #tpu.memory_space<vmem>> -> memref<1x2x128xi32, #tpu.memory_space<vmem>>
    %dma_wait3A_119 = tpu.memref_squeeze %dma_wait3A_118 : memref<1x2x128xi32, #tpu.memory_space<vmem>> -> memref<2x128xi32, #tpu.memory_space<vmem>>
    %dma_wait3A_120 = arith.constant 0 : i32
    %dma_wait3A_121 = arith.constant 0 : i32
    %dma_wait3A_122 = tpu.memref_slice %arg2[%dma_wait3A_120, %dma_wait3A_121] : memref<50x16384xi32, #tpu.memory_space<hbm>> -> memref<2x128xi32, #tpu.memory_space<hbm>>
    %dma_wait3A_123 = arith.constant 0 : i32
    %dma_wait3A_124 = arith.constant 0 : i32
    %dma_wait3A_125 = tpu.memref_slice %arg4[%dma_wait3A_115, %dma_wait3A_123, %dma_wait3A_124] : memref<28x8x128xi32, #tpu.memory_space<vmem>> -> memref<1x2x128xi32, #tpu.memory_space<vmem>>
    %dma_wait3A_126 = tpu.memref_squeeze %dma_wait3A_125 : memref<1x2x128xi32, #tpu.memory_space<vmem>> -> memref<2x128xi32, #tpu.memory_space<vmem>>
    %dma_wait3A_127 = arith.constant 0 : i32
    %dma_wait3A_128 = arith.constant 0 : i32
    %dma_wait3A_129 = tpu.memref_slice %arg2[%dma_wait3A_127, %dma_wait3A_128] : memref<50x16384xi32, #tpu.memory_space<hbm>> -> memref<2x128xi32, #tpu.memory_space<hbm>>
    tpu.wait_dma2 semaphore(%arg5 : memref<!tpu.dma_semaphore, #tpu.memory_space<semaphore_mem>>) src(%dma_wait3A_129 : memref<2x128xi32, #tpu.memory_space<hbm>>) dst(%dma_wait3A_126 : memref<2x128xi32, #tpu.memory_space<vmem>>)
    %dma_wait3A_130 = arith.constant 27 : i32
    %dma_wait3A_131 = arith.constant 0 : i32
    %dma_wait3A_132 = arith.constant 0 : i32
    %dma_wait3A_133 = tpu.memref_slice %arg4[%dma_wait3A_130, %dma_wait3A_131, %dma_wait3A_132] : memref<28x8x128xi32, #tpu.memory_space<vmem>> -> memref<1x2x128xi32, #tpu.memory_space<vmem>>
    %dma_wait3A_134 = tpu.memref_squeeze %dma_wait3A_133 : memref<1x2x128xi32, #tpu.memory_space<vmem>> -> memref<2x128xi32, #tpu.memory_space<vmem>>
    %dma_wait3A_135 = arith.constant 0 : i32
    %dma_wait3A_136 = arith.constant 0 : i32
    %dma_wait3A_137 = tpu.memref_slice %arg2[%dma_wait3A_135, %dma_wait3A_136] : memref<50x16384xi32, #tpu.memory_space<hbm>> -> memref<2x128xi32, #tpu.memory_space<hbm>>
    %dma_wait3A_138 = arith.constant 0 : i32
    %dma_wait3A_139 = arith.constant 0 : i32
    %dma_wait3A_140 = tpu.memref_slice %arg4[%dma_wait3A_130, %dma_wait3A_138, %dma_wait3A_139] : memref<28x8x128xi32, #tpu.memory_space<vmem>> -> memref<1x2x128xi32, #tpu.memory_space<vmem>>
    %dma_wait3A_141 = tpu.memref_squeeze %dma_wait3A_140 : memref<1x2x128xi32, #tpu.memory_space<vmem>> -> memref<2x128xi32, #tpu.memory_space<vmem>>
    %dma_wait3A_142 = arith.constant 0 : i32
    %dma_wait3A_143 = arith.constant 0 : i32
    %dma_wait3A_144 = tpu.memref_slice %arg2[%dma_wait3A_142, %dma_wait3A_143] : memref<50x16384xi32, #tpu.memory_space<hbm>> -> memref<2x128xi32, #tpu.memory_space<hbm>>
    tpu.wait_dma2 semaphore(%arg5 : memref<!tpu.dma_semaphore, #tpu.memory_space<semaphore_mem>>) src(%dma_wait3A_144 : memref<2x128xi32, #tpu.memory_space<hbm>>) dst(%dma_wait3A_141 : memref<2x128xi32, #tpu.memory_space<vmem>>)
    %scan3A_145 = arith.constant 0 : i32
    %scan3A_146 = arith.constant 0 : i32
    %scan3A_147 = arith.constant 24 : i32
    %scan3A_148 = arith.addi %scan3A_146, %scan3A_147 : i32
    %scan3A_149 = arith.constant 1 : i32
    scf.for %scan3A_361 = %scan3A_146 to %scan3A_148 step %scan3A_149  : i32 {
      %mul3A_362 = arith.constant 32 : i32
      %mul3A_363 = arith.muli %mul3A_362, %scan3A_361 : i32
      %add3A_364 = arith.addi %add3A, %mul3A_363 : i32
      %jit3A = arith.constant 128 : i32
      %div3A = arith.divsi %add3A_364, %jit3A : i32
      %sign3A = arith.constant 0 : i32
      %sign3A_365 = arith.cmpi sgt, %add3A_364, %sign3A : i32
      %sign3A_366 = arith.extui %sign3A_365 : i1 to i32
      %sign3A_367 = arith.constant 0 : i32
      %sign3A_368 = arith.cmpi slt, %add3A_364, %sign3A_367 : i32
      %sign3A_369 = arith.extui %sign3A_368 : i1 to i32
      %sign3A_370 = arith.subi %sign3A_366, %sign3A_369 : i32
      %sign3A_371 = arith.constant 0 : i32
      %sign3A_372 = arith.cmpi sgt, %jit3A, %sign3A_371 : i32
      %sign3A_373 = arith.extui %sign3A_372 : i1 to i32
      %sign3A_374 = arith.constant 0 : i32
      %sign3A_375 = arith.cmpi slt, %jit3A, %sign3A_374 : i32
      %sign3A_376 = arith.extui %sign3A_375 : i1 to i32
      %sign3A_377 = arith.subi %sign3A_373, %sign3A_376 : i32
      %ne3A = arith.cmpi ne, %sign3A_370, %sign3A_377 : i32
      %rem3A = arith.remsi %add3A_364, %jit3A : i32
      %ne3A_378 = arith.constant 0 : i32
      %ne3A_379 = arith.cmpi ne, %rem3A, %ne3A_378 : i32
      %and3A = arith.andi %ne3A, %ne3A_379 : i1
      %sub3A_380 = arith.constant 1 : i32
      %sub3A_381 = arith.subi %div3A, %sub3A_380 : i32
      %select_n3A = arith.select %and3A, %sub3A_381, %div3A : i32
      %mul3A_382 = arith.constant 128 : i32
      %mul3A_383 = arith.muli %select_n3A, %mul3A_382 : i32
      %sub3A_384 = arith.subi %add3A_364, %mul3A_383 : i32
      %mul3A_385 = arith.constant 8 : i32
      %mul3A_386 = arith.muli %mul3A_385, %select_n3A : i32
      %add3A_387 = arith.constant 0 : i32
      %add3A_388 = arith.addi %mul3A_386, %add3A_387 : i32
      %mul3A_389 = arith.constant 128 : i32
      %mul3A_390 = arith.muli %add3A_388, %mul3A_389 : i32
      %add3A_391 = arith.addi %mul3A_390, %sub3A_384 : i32
      %dma_start3A_392 = arith.constant 0 : i32
      %dma_start3A_393 = arith.constant 0 : i32
      %dma_start3A_394 = tpu.memref_slice %arg4[%scan3A_361, %dma_start3A_392, %dma_start3A_393] : memref<28x8x128xi32, #tpu.memory_space<vmem>> -> memref<1x1x128xi32, #tpu.memory_space<vmem>>
      %dma_start3A_395 = tpu.memref_squeeze %dma_start3A_394 : memref<1x1x128xi32, #tpu.memory_space<vmem>> -> memref<128xi32, #tpu.memory_space<vmem>>
      %dma_start3A_396 = arith.constant 0 : i32
      %dma_start3A_397 = tpu.memref_slice %arg3[%add3A_391, %dma_start3A_396] : memref<6400x128xi32, #tpu.memory_space<hbm>> -> memref<1x128xi32, #tpu.memory_space<hbm>>
      %dma_start3A_398 = tpu.memref_squeeze %dma_start3A_397 : memref<1x128xi32, #tpu.memory_space<hbm>> -> memref<128xi32, #tpu.memory_space<hbm>>
      %dma_start3A_399 = arith.constant 0 : i32
      %dma_start3A_400 = tpu.memref_slice %arg3[%add3A_391, %dma_start3A_399] : memref<6400x128xi32, #tpu.memory_space<hbm>> -> memref<1x128xi32, #tpu.memory_space<hbm>>
      %dma_start3A_401 = tpu.memref_squeeze %dma_start3A_400 : memref<1x128xi32, #tpu.memory_space<hbm>> -> memref<128xi32, #tpu.memory_space<hbm>>
      %dma_start3A_402 = arith.constant 0 : i32
      %dma_start3A_403 = tpu.memref_slice %arg4[%scan3A_361, %dma_start3A_392, %dma_start3A_402] : memref<28x8x128xi32, #tpu.memory_space<vmem>> -> memref<1x1x128xi32, #tpu.memory_space<vmem>>
      %dma_start3A_404 = tpu.memref_squeeze %dma_start3A_403 : memref<1x1x128xi32, #tpu.memory_space<vmem>> -> memref<128xi32, #tpu.memory_space<vmem>>
      tpu.enqueue_dma source(%dma_start3A_404 : memref<128xi32, #tpu.memory_space<vmem>>) target(%dma_start3A_401 : memref<128xi32, #tpu.memory_space<hbm>>) target_semaphore(%arg6 : memref<!tpu.dma_semaphore, #tpu.memory_space<semaphore_mem>>)
      %mul3A_405 = arith.constant 8 : i32
      %mul3A_406 = arith.muli %mul3A_405, %select_n3A : i32
      %add3A_407 = arith.constant 1 : i32
      %add3A_408 = arith.addi %mul3A_406, %add3A_407 : i32
      %mul3A_409 = arith.constant 128 : i32
      %mul3A_410 = arith.muli %add3A_408, %mul3A_409 : i32
      %add3A_411 = arith.addi %mul3A_410, %sub3A_384 : i32
      %dma_start3A_412 = arith.constant 1 : i32
      %dma_start3A_413 = arith.constant 0 : i32
      %dma_start3A_414 = tpu.memref_slice %arg4[%scan3A_361, %dma_start3A_412, %dma_start3A_413] : memref<28x8x128xi32, #tpu.memory_space<vmem>> -> memref<1x1x128xi32, #tpu.memory_space<vmem>>
      %dma_start3A_415 = tpu.memref_squeeze %dma_start3A_414 : memref<1x1x128xi32, #tpu.memory_space<vmem>> -> memref<128xi32, #tpu.memory_space<vmem>>
      %dma_start3A_416 = arith.constant 0 : i32
      %dma_start3A_417 = tpu.memref_slice %arg3[%add3A_411, %dma_start3A_416] : memref<6400x128xi32, #tpu.memory_space<hbm>> -> memref<1x128xi32, #tpu.memory_space<hbm>>
      %dma_start3A_418 = tpu.memref_squeeze %dma_start3A_417 : memref<1x128xi32, #tpu.memory_space<hbm>> -> memref<128xi32, #tpu.memory_space<hbm>>
      %dma_start3A_419 = arith.constant 0 : i32
      %dma_start3A_420 = tpu.memref_slice %arg3[%add3A_411, %dma_start3A_419] : memref<6400x128xi32, #tpu.memory_space<hbm>> -> memref<1x128xi32, #tpu.memory_space<hbm>>
      %dma_start3A_421 = tpu.memref_squeeze %dma_start3A_420 : memref<1x128xi32, #tpu.memory_space<hbm>> -> memref<128xi32, #tpu.memory_space<hbm>>
      %dma_start3A_422 = arith.constant 0 : i32
      %dma_start3A_423 = tpu.memref_slice %arg4[%scan3A_361, %dma_start3A_412, %dma_start3A_422] : memref<28x8x128xi32, #tpu.memory_space<vmem>> -> memref<1x1x128xi32, #tpu.memory_space<vmem>>
      %dma_start3A_424 = tpu.memref_squeeze %dma_start3A_423 : memref<1x1x128xi32, #tpu.memory_space<vmem>> -> memref<128xi32, #tpu.memory_space<vmem>>
      tpu.enqueue_dma source(%dma_start3A_424 : memref<128xi32, #tpu.memory_space<vmem>>) target(%dma_start3A_421 : memref<128xi32, #tpu.memory_space<hbm>>) target_semaphore(%arg6 : memref<!tpu.dma_semaphore, #tpu.memory_space<semaphore_mem>>)
      %mul3A_425 = arith.constant 8 : i32
      %mul3A_426 = arith.muli %mul3A_425, %select_n3A : i32
      %add3A_427 = arith.constant 2 : i32
      %add3A_428 = arith.addi %mul3A_426, %add3A_427 : i32
      %mul3A_429 = arith.constant 128 : i32
      %mul3A_430 = arith.muli %add3A_428, %mul3A_429 : i32
      %add3A_431 = arith.addi %mul3A_430, %sub3A_384 : i32
      %dma_start3A_432 = arith.constant 2 : i32
      %dma_start3A_433 = arith.constant 0 : i32
      %dma_start3A_434 = tpu.memref_slice %arg4[%scan3A_361, %dma_start3A_432, %dma_start3A_433] : memref<28x8x128xi32, #tpu.memory_space<vmem>> -> memref<1x1x128xi32, #tpu.memory_space<vmem>>
      %dma_start3A_435 = tpu.memref_squeeze %dma_start3A_434 : memref<1x1x128xi32, #tpu.memory_space<vmem>> -> memref<128xi32, #tpu.memory_space<vmem>>
      %dma_start3A_436 = arith.constant 0 : i32
      %dma_start3A_437 = tpu.memref_slice %arg3[%add3A_431, %dma_start3A_436] : memref<6400x128xi32, #tpu.memory_space<hbm>> -> memref<1x128xi32, #tpu.memory_space<hbm>>
      %dma_start3A_438 = tpu.memref_squeeze %dma_start3A_437 : memref<1x128xi32, #tpu.memory_space<hbm>> -> memref<128xi32, #tpu.memory_space<hbm>>
      %dma_start3A_439 = arith.constant 0 : i32
      %dma_start3A_440 = tpu.memref_slice %arg3[%add3A_431, %dma_start3A_439] : memref<6400x128xi32, #tpu.memory_space<hbm>> -> memref<1x128xi32, #tpu.memory_space<hbm>>
      %dma_start3A_441 = tpu.memref_squeeze %dma_start3A_440 : memref<1x128xi32, #tpu.memory_space<hbm>> -> memref<128xi32, #tpu.memory_space<hbm>>
      %dma_start3A_442 = arith.constant 0 : i32
      %dma_start3A_443 = tpu.memref_slice %arg4[%scan3A_361, %dma_start3A_432, %dma_start3A_442] : memref<28x8x128xi32, #tpu.memory_space<vmem>> -> memref<1x1x128xi32, #tpu.memory_space<vmem>>
      %dma_start3A_444 = tpu.memref_squeeze %dma_start3A_443 : memref<1x1x128xi32, #tpu.memory_space<vmem>> -> memref<128xi32, #tpu.memory_space<vmem>>
      tpu.enqueue_dma source(%dma_start3A_444 : memref<128xi32, #tpu.memory_space<vmem>>) target(%dma_start3A_441 : memref<128xi32, #tpu.memory_space<hbm>>) target_semaphore(%arg6 : memref<!tpu.dma_semaphore, #tpu.memory_space<semaphore_mem>>)
      %mul3A_445 = arith.constant 8 : i32
      %mul3A_446 = arith.muli %mul3A_445, %select_n3A : i32
      %add3A_447 = arith.constant 3 : i32
      %add3A_448 = arith.addi %mul3A_446, %add3A_447 : i32
      %mul3A_449 = arith.constant 128 : i32
      %mul3A_450 = arith.muli %add3A_448, %mul3A_449 : i32
      %add3A_451 = arith.addi %mul3A_450, %sub3A_384 : i32
      %dma_start3A_452 = arith.constant 3 : i32
      %dma_start3A_453 = arith.constant 0 : i32
      %dma_start3A_454 = tpu.memref_slice %arg4[%scan3A_361, %dma_start3A_452, %dma_start3A_453] : memref<28x8x128xi32, #tpu.memory_space<vmem>> -> memref<1x1x128xi32, #tpu.memory_space<vmem>>
      %dma_start3A_455 = tpu.memref_squeeze %dma_start3A_454 : memref<1x1x128xi32, #tpu.memory_space<vmem>> -> memref<128xi32, #tpu.memory_space<vmem>>
      %dma_start3A_456 = arith.constant 0 : i32
      %dma_start3A_457 = tpu.memref_slice %arg3[%add3A_451, %dma_start3A_456] : memref<6400x128xi32, #tpu.memory_space<hbm>> -> memref<1x128xi32, #tpu.memory_space<hbm>>
      %dma_start3A_458 = tpu.memref_squeeze %dma_start3A_457 : memref<1x128xi32, #tpu.memory_space<hbm>> -> memref<128xi32, #tpu.memory_space<hbm>>
      %dma_start3A_459 = arith.constant 0 : i32
      %dma_start3A_460 = tpu.memref_slice %arg3[%add3A_451, %dma_start3A_459] : memref<6400x128xi32, #tpu.memory_space<hbm>> -> memref<1x128xi32, #tpu.memory_space<hbm>>
      %dma_start3A_461 = tpu.memref_squeeze %dma_start3A_460 : memref<1x128xi32, #tpu.memory_space<hbm>> -> memref<128xi32, #tpu.memory_space<hbm>>
      %dma_start3A_462 = arith.constant 0 : i32
      %dma_start3A_463 = tpu.memref_slice %arg4[%scan3A_361, %dma_start3A_452, %dma_start3A_462] : memref<28x8x128xi32, #tpu.memory_space<vmem>> -> memref<1x1x128xi32, #tpu.memory_space<vmem>>
      %dma_start3A_464 = tpu.memref_squeeze %dma_start3A_463 : memref<1x1x128xi32, #tpu.memory_space<vmem>> -> memref<128xi32, #tpu.memory_space<vmem>>
      tpu.enqueue_dma source(%dma_start3A_464 : memref<128xi32, #tpu.memory_space<vmem>>) target(%dma_start3A_461 : memref<128xi32, #tpu.memory_space<hbm>>) target_semaphore(%arg6 : memref<!tpu.dma_semaphore, #tpu.memory_space<semaphore_mem>>)
      %mul3A_465 = arith.constant 8 : i32
      %mul3A_466 = arith.muli %mul3A_465, %select_n3A : i32
      %add3A_467 = arith.constant 4 : i32
      %add3A_468 = arith.addi %mul3A_466, %add3A_467 : i32
      %mul3A_469 = arith.constant 128 : i32
      %mul3A_470 = arith.muli %add3A_468, %mul3A_469 : i32
      %add3A_471 = arith.addi %mul3A_470, %sub3A_384 : i32
      %dma_start3A_472 = arith.constant 4 : i32
      %dma_start3A_473 = arith.constant 0 : i32
      %dma_start3A_474 = tpu.memref_slice %arg4[%scan3A_361, %dma_start3A_472, %dma_start3A_473] : memref<28x8x128xi32, #tpu.memory_space<vmem>> -> memref<1x1x128xi32, #tpu.memory_space<vmem>>
      %dma_start3A_475 = tpu.memref_squeeze %dma_start3A_474 : memref<1x1x128xi32, #tpu.memory_space<vmem>> -> memref<128xi32, #tpu.memory_space<vmem>>
      %dma_start3A_476 = arith.constant 0 : i32
      %dma_start3A_477 = tpu.memref_slice %arg3[%add3A_471, %dma_start3A_476] : memref<6400x128xi32, #tpu.memory_space<hbm>> -> memref<1x128xi32, #tpu.memory_space<hbm>>
      %dma_start3A_478 = tpu.memref_squeeze %dma_start3A_477 : memref<1x128xi32, #tpu.memory_space<hbm>> -> memref<128xi32, #tpu.memory_space<hbm>>
      %dma_start3A_479 = arith.constant 0 : i32
      %dma_start3A_480 = tpu.memref_slice %arg3[%add3A_471, %dma_start3A_479] : memref<6400x128xi32, #tpu.memory_space<hbm>> -> memref<1x128xi32, #tpu.memory_space<hbm>>
      %dma_start3A_481 = tpu.memref_squeeze %dma_start3A_480 : memref<1x128xi32, #tpu.memory_space<hbm>> -> memref<128xi32, #tpu.memory_space<hbm>>
      %dma_start3A_482 = arith.constant 0 : i32
      %dma_start3A_483 = tpu.memref_slice %arg4[%scan3A_361, %dma_start3A_472, %dma_start3A_482] : memref<28x8x128xi32, #tpu.memory_space<vmem>> -> memref<1x1x128xi32, #tpu.memory_space<vmem>>
      %dma_start3A_484 = tpu.memref_squeeze %dma_start3A_483 : memref<1x1x128xi32, #tpu.memory_space<vmem>> -> memref<128xi32, #tpu.memory_space<vmem>>
      tpu.enqueue_dma source(%dma_start3A_484 : memref<128xi32, #tpu.memory_space<vmem>>) target(%dma_start3A_481 : memref<128xi32, #tpu.memory_space<hbm>>) target_semaphore(%arg6 : memref<!tpu.dma_semaphore, #tpu.memory_space<semaphore_mem>>)
      %mul3A_485 = arith.constant 8 : i32
      %mul3A_486 = arith.muli %mul3A_485, %select_n3A : i32
      %add3A_487 = arith.constant 5 : i32
      %add3A_488 = arith.addi %mul3A_486, %add3A_487 : i32
      %mul3A_489 = arith.constant 128 : i32
      %mul3A_490 = arith.muli %add3A_488, %mul3A_489 : i32
      %add3A_491 = arith.addi %mul3A_490, %sub3A_384 : i32
      %dma_start3A_492 = arith.constant 5 : i32
      %dma_start3A_493 = arith.constant 0 : i32
      %dma_start3A_494 = tpu.memref_slice %arg4[%scan3A_361, %dma_start3A_492, %dma_start3A_493] : memref<28x8x128xi32, #tpu.memory_space<vmem>> -> memref<1x1x128xi32, #tpu.memory_space<vmem>>
      %dma_start3A_495 = tpu.memref_squeeze %dma_start3A_494 : memref<1x1x128xi32, #tpu.memory_space<vmem>> -> memref<128xi32, #tpu.memory_space<vmem>>
      %dma_start3A_496 = arith.constant 0 : i32
      %dma_start3A_497 = tpu.memref_slice %arg3[%add3A_491, %dma_start3A_496] : memref<6400x128xi32, #tpu.memory_space<hbm>> -> memref<1x128xi32, #tpu.memory_space<hbm>>
      %dma_start3A_498 = tpu.memref_squeeze %dma_start3A_497 : memref<1x128xi32, #tpu.memory_space<hbm>> -> memref<128xi32, #tpu.memory_space<hbm>>
      %dma_start3A_499 = arith.constant 0 : i32
      %dma_start3A_500 = tpu.memref_slice %arg3[%add3A_491, %dma_start3A_499] : memref<6400x128xi32, #tpu.memory_space<hbm>> -> memref<1x128xi32, #tpu.memory_space<hbm>>
      %dma_start3A_501 = tpu.memref_squeeze %dma_start3A_500 : memref<1x128xi32, #tpu.memory_space<hbm>> -> memref<128xi32, #tpu.memory_space<hbm>>
      %dma_start3A_502 = arith.constant 0 : i32
      %dma_start3A_503 = tpu.memref_slice %arg4[%scan3A_361, %dma_start3A_492, %dma_start3A_502] : memref<28x8x128xi32, #tpu.memory_space<vmem>> -> memref<1x1x128xi32, #tpu.memory_space<vmem>>
      %dma_start3A_504 = tpu.memref_squeeze %dma_start3A_503 : memref<1x1x128xi32, #tpu.memory_space<vmem>> -> memref<128xi32, #tpu.memory_space<vmem>>
      tpu.enqueue_dma source(%dma_start3A_504 : memref<128xi32, #tpu.memory_space<vmem>>) target(%dma_start3A_501 : memref<128xi32, #tpu.memory_space<hbm>>) target_semaphore(%arg6 : memref<!tpu.dma_semaphore, #tpu.memory_space<semaphore_mem>>)
      %mul3A_505 = arith.constant 8 : i32
      %mul3A_506 = arith.muli %mul3A_505, %select_n3A : i32
      %add3A_507 = arith.constant 6 : i32
      %add3A_508 = arith.addi %mul3A_506, %add3A_507 : i32
      %mul3A_509 = arith.constant 128 : i32
      %mul3A_510 = arith.muli %add3A_508, %mul3A_509 : i32
      %add3A_511 = arith.addi %mul3A_510, %sub3A_384 : i32
      %dma_start3A_512 = arith.constant 6 : i32
      %dma_start3A_513 = arith.constant 0 : i32
      %dma_start3A_514 = tpu.memref_slice %arg4[%scan3A_361, %dma_start3A_512, %dma_start3A_513] : memref<28x8x128xi32, #tpu.memory_space<vmem>> -> memref<1x1x128xi32, #tpu.memory_space<vmem>>
      %dma_start3A_515 = tpu.memref_squeeze %dma_start3A_514 : memref<1x1x128xi32, #tpu.memory_space<vmem>> -> memref<128xi32, #tpu.memory_space<vmem>>
      %dma_start3A_516 = arith.constant 0 : i32
      %dma_start3A_517 = tpu.memref_slice %arg3[%add3A_511, %dma_start3A_516] : memref<6400x128xi32, #tpu.memory_space<hbm>> -> memref<1x128xi32, #tpu.memory_space<hbm>>
      %dma_start3A_518 = tpu.memref_squeeze %dma_start3A_517 : memref<1x128xi32, #tpu.memory_space<hbm>> -> memref<128xi32, #tpu.memory_space<hbm>>
      %dma_start3A_519 = arith.constant 0 : i32
      %dma_start3A_520 = tpu.memref_slice %arg3[%add3A_511, %dma_start3A_519] : memref<6400x128xi32, #tpu.memory_space<hbm>> -> memref<1x128xi32, #tpu.memory_space<hbm>>
      %dma_start3A_521 = tpu.memref_squeeze %dma_start3A_520 : memref<1x128xi32, #tpu.memory_space<hbm>> -> memref<128xi32, #tpu.memory_space<hbm>>
      %dma_start3A_522 = arith.constant 0 : i32
      %dma_start3A_523 = tpu.memref_slice %arg4[%scan3A_361, %dma_start3A_512, %dma_start3A_522] : memref<28x8x128xi32, #tpu.memory_space<vmem>> -> memref<1x1x128xi32, #tpu.memory_space<vmem>>
      %dma_start3A_524 = tpu.memref_squeeze %dma_start3A_523 : memref<1x1x128xi32, #tpu.memory_space<vmem>> -> memref<128xi32, #tpu.memory_space<vmem>>
      tpu.enqueue_dma source(%dma_start3A_524 : memref<128xi32, #tpu.memory_space<vmem>>) target(%dma_start3A_521 : memref<128xi32, #tpu.memory_space<hbm>>) target_semaphore(%arg6 : memref<!tpu.dma_semaphore, #tpu.memory_space<semaphore_mem>>)
      %mul3A_525 = arith.constant 8 : i32
      %mul3A_526 = arith.muli %mul3A_525, %select_n3A : i32
      %add3A_527 = arith.constant 7 : i32
      %add3A_528 = arith.addi %mul3A_526, %add3A_527 : i32
      %mul3A_529 = arith.constant 128 : i32
      %mul3A_530 = arith.muli %add3A_528, %mul3A_529 : i32
      %add3A_531 = arith.addi %mul3A_530, %sub3A_384 : i32
      %dma_start3A_532 = arith.constant 7 : i32
      %dma_start3A_533 = arith.constant 0 : i32
      %dma_start3A_534 = tpu.memref_slice %arg4[%scan3A_361, %dma_start3A_532, %dma_start3A_533] : memref<28x8x128xi32, #tpu.memory_space<vmem>> -> memref<1x1x128xi32, #tpu.memory_space<vmem>>
      %dma_start3A_535 = tpu.memref_squeeze %dma_start3A_534 : memref<1x1x128xi32, #tpu.memory_space<vmem>> -> memref<128xi32, #tpu.memory_space<vmem>>
      %dma_start3A_536 = arith.constant 0 : i32
      %dma_start3A_537 = tpu.memref_slice %arg3[%add3A_531, %dma_start3A_536] : memref<6400x128xi32, #tpu.memory_space<hbm>> -> memref<1x128xi32, #tpu.memory_space<hbm>>
      %dma_start3A_538 = tpu.memref_squeeze %dma_start3A_537 : memref<1x128xi32, #tpu.memory_space<hbm>> -> memref<128xi32, #tpu.memory_space<hbm>>
      %dma_start3A_539 = arith.constant 0 : i32
      %dma_start3A_540 = tpu.memref_slice %arg3[%add3A_531, %dma_start3A_539] : memref<6400x128xi32, #tpu.memory_space<hbm>> -> memref<1x128xi32, #tpu.memory_space<hbm>>
      %dma_start3A_541 = tpu.memref_squeeze %dma_start3A_540 : memref<1x128xi32, #tpu.memory_space<hbm>> -> memref<128xi32, #tpu.memory_space<hbm>>
      %dma_start3A_542 = arith.constant 0 : i32
      %dma_start3A_543 = tpu.memref_slice %arg4[%scan3A_361, %dma_start3A_532, %dma_start3A_542] : memref<28x8x128xi32, #tpu.memory_space<vmem>> -> memref<1x1x128xi32, #tpu.memory_space<vmem>>
      %dma_start3A_544 = tpu.memref_squeeze %dma_start3A_543 : memref<1x1x128xi32, #tpu.memory_space<vmem>> -> memref<128xi32, #tpu.memory_space<vmem>>
      tpu.enqueue_dma source(%dma_start3A_544 : memref<128xi32, #tpu.memory_space<vmem>>) target(%dma_start3A_541 : memref<128xi32, #tpu.memory_space<hbm>>) target_semaphore(%arg6 : memref<!tpu.dma_semaphore, #tpu.memory_space<semaphore_mem>>)
    }
    %scan3A_150 = arith.constant 24 : i32
    %add3A_151 = arith.constant 768 : i32
    %add3A_152 = arith.addi %add3A, %add3A_151 : i32
    %sub3A_153 = arith.constant 768 : i32
    %sub3A_154 = arith.subi %add3A_152, %sub3A_153 : i32
    %add3A_155 = arith.constant 6144 : i32
    %add3A_156 = arith.addi %add3A_155, %sub3A_154 : i32
    %dma_start3A_157 = arith.constant 24 : i32
    %dma_start3A_158 = arith.constant 0 : i32
    %dma_start3A_159 = arith.constant 0 : i32
    %dma_start3A_160 = tpu.memref_slice %arg4[%dma_start3A_157, %dma_start3A_158, %dma_start3A_159] : memref<28x8x128xi32, #tpu.memory_space<vmem>> -> memref<1x1x128xi32, #tpu.memory_space<vmem>>
    %dma_start3A_161 = tpu.memref_squeeze %dma_start3A_160 : memref<1x1x128xi32, #tpu.memory_space<vmem>> -> memref<128xi32, #tpu.memory_space<vmem>>
    %dma_start3A_162 = arith.constant 0 : i32
    %dma_start3A_163 = tpu.memref_slice %arg3[%add3A_156, %dma_start3A_162] : memref<6400x128xi32, #tpu.memory_space<hbm>> -> memref<1x128xi32, #tpu.memory_space<hbm>>
    %dma_start3A_164 = tpu.memref_squeeze %dma_start3A_163 : memref<1x128xi32, #tpu.memory_space<hbm>> -> memref<128xi32, #tpu.memory_space<hbm>>
    %dma_start3A_165 = arith.constant 0 : i32
    %dma_start3A_166 = tpu.memref_slice %arg3[%add3A_156, %dma_start3A_165] : memref<6400x128xi32, #tpu.memory_space<hbm>> -> memref<1x128xi32, #tpu.memory_space<hbm>>
    %dma_start3A_167 = tpu.memref_squeeze %dma_start3A_166 : memref<1x128xi32, #tpu.memory_space<hbm>> -> memref<128xi32, #tpu.memory_space<hbm>>
    %dma_start3A_168 = arith.constant 0 : i32
    %dma_start3A_169 = tpu.memref_slice %arg4[%dma_start3A_157, %dma_start3A_158, %dma_start3A_168] : memref<28x8x128xi32, #tpu.memory_space<vmem>> -> memref<1x1x128xi32, #tpu.memory_space<vmem>>
    %dma_start3A_170 = tpu.memref_squeeze %dma_start3A_169 : memref<1x1x128xi32, #tpu.memory_space<vmem>> -> memref<128xi32, #tpu.memory_space<vmem>>
    tpu.enqueue_dma source(%dma_start3A_170 : memref<128xi32, #tpu.memory_space<vmem>>) target(%dma_start3A_167 : memref<128xi32, #tpu.memory_space<hbm>>) target_semaphore(%arg6 : memref<!tpu.dma_semaphore, #tpu.memory_space<semaphore_mem>>)
    %add3A_171 = arith.constant 6272 : i32
    %add3A_172 = arith.addi %add3A_171, %sub3A_154 : i32
    %dma_start3A_173 = arith.constant 24 : i32
    %dma_start3A_174 = arith.constant 1 : i32
    %dma_start3A_175 = arith.constant 0 : i32
    %dma_start3A_176 = tpu.memref_slice %arg4[%dma_start3A_173, %dma_start3A_174, %dma_start3A_175] : memref<28x8x128xi32, #tpu.memory_space<vmem>> -> memref<1x1x128xi32, #tpu.memory_space<vmem>>
    %dma_start3A_177 = tpu.memref_squeeze %dma_start3A_176 : memref<1x1x128xi32, #tpu.memory_space<vmem>> -> memref<128xi32, #tpu.memory_space<vmem>>
    %dma_start3A_178 = arith.constant 0 : i32
    %dma_start3A_179 = tpu.memref_slice %arg3[%add3A_172, %dma_start3A_178] : memref<6400x128xi32, #tpu.memory_space<hbm>> -> memref<1x128xi32, #tpu.memory_space<hbm>>
    %dma_start3A_180 = tpu.memref_squeeze %dma_start3A_179 : memref<1x128xi32, #tpu.memory_space<hbm>> -> memref<128xi32, #tpu.memory_space<hbm>>
    %dma_start3A_181 = arith.constant 0 : i32
    %dma_start3A_182 = tpu.memref_slice %arg3[%add3A_172, %dma_start3A_181] : memref<6400x128xi32, #tpu.memory_space<hbm>> -> memref<1x128xi32, #tpu.memory_space<hbm>>
    %dma_start3A_183 = tpu.memref_squeeze %dma_start3A_182 : memref<1x128xi32, #tpu.memory_space<hbm>> -> memref<128xi32, #tpu.memory_space<hbm>>
    %dma_start3A_184 = arith.constant 0 : i32
    %dma_start3A_185 = tpu.memref_slice %arg4[%dma_start3A_173, %dma_start3A_174, %dma_start3A_184] : memref<28x8x128xi32, #tpu.memory_space<vmem>> -> memref<1x1x128xi32, #tpu.memory_space<vmem>>
    %dma_start3A_186 = tpu.memref_squeeze %dma_start3A_185 : memref<1x1x128xi32, #tpu.memory_space<vmem>> -> memref<128xi32, #tpu.memory_space<vmem>>
    tpu.enqueue_dma source(%dma_start3A_186 : memref<128xi32, #tpu.memory_space<vmem>>) target(%dma_start3A_183 : memref<128xi32, #tpu.memory_space<hbm>>) target_semaphore(%arg6 : memref<!tpu.dma_semaphore, #tpu.memory_space<semaphore_mem>>)
    %add3A_187 = arith.constant 800 : i32
    %add3A_188 = arith.addi %add3A, %add3A_187 : i32
    %sub3A_189 = arith.constant 768 : i32
    %sub3A_190 = arith.subi %add3A_188, %sub3A_189 : i32
    %add3A_191 = arith.constant 6144 : i32
    %add3A_192 = arith.addi %add3A_191, %sub3A_190 : i32
    %dma_start3A_193 = arith.constant 25 : i32
    %dma_start3A_194 = arith.constant 0 : i32
    %dma_start3A_195 = arith.constant 0 : i32
    %dma_start3A_196 = tpu.memref_slice %arg4[%dma_start3A_193, %dma_start3A_194, %dma_start3A_195] : memref<28x8x128xi32, #tpu.memory_space<vmem>> -> memref<1x1x128xi32, #tpu.memory_space<vmem>>
    %dma_start3A_197 = tpu.memref_squeeze %dma_start3A_196 : memref<1x1x128xi32, #tpu.memory_space<vmem>> -> memref<128xi32, #tpu.memory_space<vmem>>
    %dma_start3A_198 = arith.constant 0 : i32
    %dma_start3A_199 = tpu.memref_slice %arg3[%add3A_192, %dma_start3A_198] : memref<6400x128xi32, #tpu.memory_space<hbm>> -> memref<1x128xi32, #tpu.memory_space<hbm>>
    %dma_start3A_200 = tpu.memref_squeeze %dma_start3A_199 : memref<1x128xi32, #tpu.memory_space<hbm>> -> memref<128xi32, #tpu.memory_space<hbm>>
    %dma_start3A_201 = arith.constant 0 : i32
    %dma_start3A_202 = tpu.memref_slice %arg3[%add3A_192, %dma_start3A_201] : memref<6400x128xi32, #tpu.memory_space<hbm>> -> memref<1x128xi32, #tpu.memory_space<hbm>>
    %dma_start3A_203 = tpu.memref_squeeze %dma_start3A_202 : memref<1x128xi32, #tpu.memory_space<hbm>> -> memref<128xi32, #tpu.memory_space<hbm>>
    %dma_start3A_204 = arith.constant 0 : i32
    %dma_start3A_205 = tpu.memref_slice %arg4[%dma_start3A_193, %dma_start3A_194, %dma_start3A_204] : memref<28x8x128xi32, #tpu.memory_space<vmem>> -> memref<1x1x128xi32, #tpu.memory_space<vmem>>
    %dma_start3A_206 = tpu.memref_squeeze %dma_start3A_205 : memref<1x1x128xi32, #tpu.memory_space<vmem>> -> memref<128xi32, #tpu.memory_space<vmem>>
    tpu.enqueue_dma source(%dma_start3A_206 : memref<128xi32, #tpu.memory_space<vmem>>) target(%dma_start3A_203 : memref<128xi32, #tpu.memory_space<hbm>>) target_semaphore(%arg6 : memref<!tpu.dma_semaphore, #tpu.memory_space<semaphore_mem>>)
    %add3A_207 = arith.constant 6272 : i32
    %add3A_208 = arith.addi %add3A_207, %sub3A_190 : i32
    %dma_start3A_209 = arith.constant 25 : i32
    %dma_start3A_210 = arith.constant 1 : i32
    %dma_start3A_211 = arith.constant 0 : i32
    %dma_start3A_212 = tpu.memref_slice %arg4[%dma_start3A_209, %dma_start3A_210, %dma_start3A_211] : memref<28x8x128xi32, #tpu.memory_space<vmem>> -> memref<1x1x128xi32, #tpu.memory_space<vmem>>
    %dma_start3A_213 = tpu.memref_squeeze %dma_start3A_212 : memref<1x1x128xi32, #tpu.memory_space<vmem>> -> memref<128xi32, #tpu.memory_space<vmem>>
    %dma_start3A_214 = arith.constant 0 : i32
    %dma_start3A_215 = tpu.memref_slice %arg3[%add3A_208, %dma_start3A_214] : memref<6400x128xi32, #tpu.memory_space<hbm>> -> memref<1x128xi32, #tpu.memory_space<hbm>>
    %dma_start3A_216 = tpu.memref_squeeze %dma_start3A_215 : memref<1x128xi32, #tpu.memory_space<hbm>> -> memref<128xi32, #tpu.memory_space<hbm>>
    %dma_start3A_217 = arith.constant 0 : i32
    %dma_start3A_218 = tpu.memref_slice %arg3[%add3A_208, %dma_start3A_217] : memref<6400x128xi32, #tpu.memory_space<hbm>> -> memref<1x128xi32, #tpu.memory_space<hbm>>
    %dma_start3A_219 = tpu.memref_squeeze %dma_start3A_218 : memref<1x128xi32, #tpu.memory_space<hbm>> -> memref<128xi32, #tpu.memory_space<hbm>>
    %dma_start3A_220 = arith.constant 0 : i32
    %dma_start3A_221 = tpu.memref_slice %arg4[%dma_start3A_209, %dma_start3A_210, %dma_start3A_220] : memref<28x8x128xi32, #tpu.memory_space<vmem>> -> memref<1x1x128xi32, #tpu.memory_space<vmem>>
    %dma_start3A_222 = tpu.memref_squeeze %dma_start3A_221 : memref<1x1x128xi32, #tpu.memory_space<vmem>> -> memref<128xi32, #tpu.memory_space<vmem>>
    tpu.enqueue_dma source(%dma_start3A_222 : memref<128xi32, #tpu.memory_space<vmem>>) target(%dma_start3A_219 : memref<128xi32, #tpu.memory_space<hbm>>) target_semaphore(%arg6 : memref<!tpu.dma_semaphore, #tpu.memory_space<semaphore_mem>>)
    %add3A_223 = arith.constant 832 : i32
    %add3A_224 = arith.addi %add3A, %add3A_223 : i32
    %sub3A_225 = arith.constant 768 : i32
    %sub3A_226 = arith.subi %add3A_224, %sub3A_225 : i32
    %add3A_227 = arith.constant 6144 : i32
    %add3A_228 = arith.addi %add3A_227, %sub3A_226 : i32
    %dma_start3A_229 = arith.constant 26 : i32
    %dma_start3A_230 = arith.constant 0 : i32
    %dma_start3A_231 = arith.constant 0 : i32
    %dma_start3A_232 = tpu.memref_slice %arg4[%dma_start3A_229, %dma_start3A_230, %dma_start3A_231] : memref<28x8x128xi32, #tpu.memory_space<vmem>> -> memref<1x1x128xi32, #tpu.memory_space<vmem>>
    %dma_start3A_233 = tpu.memref_squeeze %dma_start3A_232 : memref<1x1x128xi32, #tpu.memory_space<vmem>> -> memref<128xi32, #tpu.memory_space<vmem>>
    %dma_start3A_234 = arith.constant 0 : i32
    %dma_start3A_235 = tpu.memref_slice %arg3[%add3A_228, %dma_start3A_234] : memref<6400x128xi32, #tpu.memory_space<hbm>> -> memref<1x128xi32, #tpu.memory_space<hbm>>
    %dma_start3A_236 = tpu.memref_squeeze %dma_start3A_235 : memref<1x128xi32, #tpu.memory_space<hbm>> -> memref<128xi32, #tpu.memory_space<hbm>>
    %dma_start3A_237 = arith.constant 0 : i32
    %dma_start3A_238 = tpu.memref_slice %arg3[%add3A_228, %dma_start3A_237] : memref<6400x128xi32, #tpu.memory_space<hbm>> -> memref<1x128xi32, #tpu.memory_space<hbm>>
    %dma_start3A_239 = tpu.memref_squeeze %dma_start3A_238 : memref<1x128xi32, #tpu.memory_space<hbm>> -> memref<128xi32, #tpu.memory_space<hbm>>
    %dma_start3A_240 = arith.constant 0 : i32
    %dma_start3A_241 = tpu.memref_slice %arg4[%dma_start3A_229, %dma_start3A_230, %dma_start3A_240] : memref<28x8x128xi32, #tpu.memory_space<vmem>> -> memref<1x1x128xi32, #tpu.memory_space<vmem>>
    %dma_start3A_242 = tpu.memref_squeeze %dma_start3A_241 : memref<1x1x128xi32, #tpu.memory_space<vmem>> -> memref<128xi32, #tpu.memory_space<vmem>>
    tpu.enqueue_dma source(%dma_start3A_242 : memref<128xi32, #tpu.memory_space<vmem>>) target(%dma_start3A_239 : memref<128xi32, #tpu.memory_space<hbm>>) target_semaphore(%arg6 : memref<!tpu.dma_semaphore, #tpu.memory_space<semaphore_mem>>)
    %add3A_243 = arith.constant 6272 : i32
    %add3A_244 = arith.addi %add3A_243, %sub3A_226 : i32
    %dma_start3A_245 = arith.constant 26 : i32
    %dma_start3A_246 = arith.constant 1 : i32
    %dma_start3A_247 = arith.constant 0 : i32
    %dma_start3A_248 = tpu.memref_slice %arg4[%dma_start3A_245, %dma_start3A_246, %dma_start3A_247] : memref<28x8x128xi32, #tpu.memory_space<vmem>> -> memref<1x1x128xi32, #tpu.memory_space<vmem>>
    %dma_start3A_249 = tpu.memref_squeeze %dma_start3A_248 : memref<1x1x128xi32, #tpu.memory_space<vmem>> -> memref<128xi32, #tpu.memory_space<vmem>>
    %dma_start3A_250 = arith.constant 0 : i32
    %dma_start3A_251 = tpu.memref_slice %arg3[%add3A_244, %dma_start3A_250] : memref<6400x128xi32, #tpu.memory_space<hbm>> -> memref<1x128xi32, #tpu.memory_space<hbm>>
    %dma_start3A_252 = tpu.memref_squeeze %dma_start3A_251 : memref<1x128xi32, #tpu.memory_space<hbm>> -> memref<128xi32, #tpu.memory_space<hbm>>
    %dma_start3A_253 = arith.constant 0 : i32
    %dma_start3A_254 = tpu.memref_slice %arg3[%add3A_244, %dma_start3A_253] : memref<6400x128xi32, #tpu.memory_space<hbm>> -> memref<1x128xi32, #tpu.memory_space<hbm>>
    %dma_start3A_255 = tpu.memref_squeeze %dma_start3A_254 : memref<1x128xi32, #tpu.memory_space<hbm>> -> memref<128xi32, #tpu.memory_space<hbm>>
    %dma_start3A_256 = arith.constant 0 : i32
    %dma_start3A_257 = tpu.memref_slice %arg4[%dma_start3A_245, %dma_start3A_246, %dma_start3A_256] : memref<28x8x128xi32, #tpu.memory_space<vmem>> -> memref<1x1x128xi32, #tpu.memory_space<vmem>>
    %dma_start3A_258 = tpu.memref_squeeze %dma_start3A_257 : memref<1x1x128xi32, #tpu.memory_space<vmem>> -> memref<128xi32, #tpu.memory_space<vmem>>
    tpu.enqueue_dma source(%dma_start3A_258 : memref<128xi32, #tpu.memory_space<vmem>>) target(%dma_start3A_255 : memref<128xi32, #tpu.memory_space<hbm>>) target_semaphore(%arg6 : memref<!tpu.dma_semaphore, #tpu.memory_space<semaphore_mem>>)
    %add3A_259 = arith.constant 864 : i32
    %add3A_260 = arith.addi %add3A, %add3A_259 : i32
    %sub3A_261 = arith.constant 768 : i32
    %sub3A_262 = arith.subi %add3A_260, %sub3A_261 : i32
    %add3A_263 = arith.constant 6144 : i32
    %add3A_264 = arith.addi %add3A_263, %sub3A_262 : i32
    %dma_start3A_265 = arith.constant 27 : i32
    %dma_start3A_266 = arith.constant 0 : i32
    %dma_start3A_267 = arith.constant 0 : i32
    %dma_start3A_268 = tpu.memref_slice %arg4[%dma_start3A_265, %dma_start3A_266, %dma_start3A_267] : memref<28x8x128xi32, #tpu.memory_space<vmem>> -> memref<1x1x128xi32, #tpu.memory_space<vmem>>
    %dma_start3A_269 = tpu.memref_squeeze %dma_start3A_268 : memref<1x1x128xi32, #tpu.memory_space<vmem>> -> memref<128xi32, #tpu.memory_space<vmem>>
    %dma_start3A_270 = arith.constant 0 : i32
    %dma_start3A_271 = tpu.memref_slice %arg3[%add3A_264, %dma_start3A_270] : memref<6400x128xi32, #tpu.memory_space<hbm>> -> memref<1x128xi32, #tpu.memory_space<hbm>>
    %dma_start3A_272 = tpu.memref_squeeze %dma_start3A_271 : memref<1x128xi32, #tpu.memory_space<hbm>> -> memref<128xi32, #tpu.memory_space<hbm>>
    %dma_start3A_273 = arith.constant 0 : i32
    %dma_start3A_274 = tpu.memref_slice %arg3[%add3A_264, %dma_start3A_273] : memref<6400x128xi32, #tpu.memory_space<hbm>> -> memref<1x128xi32, #tpu.memory_space<hbm>>
    %dma_start3A_275 = tpu.memref_squeeze %dma_start3A_274 : memref<1x128xi32, #tpu.memory_space<hbm>> -> memref<128xi32, #tpu.memory_space<hbm>>
    %dma_start3A_276 = arith.constant 0 : i32
    %dma_start3A_277 = tpu.memref_slice %arg4[%dma_start3A_265, %dma_start3A_266, %dma_start3A_276] : memref<28x8x128xi32, #tpu.memory_space<vmem>> -> memref<1x1x128xi32, #tpu.memory_space<vmem>>
    %dma_start3A_278 = tpu.memref_squeeze %dma_start3A_277 : memref<1x1x128xi32, #tpu.memory_space<vmem>> -> memref<128xi32, #tpu.memory_space<vmem>>
    tpu.enqueue_dma source(%dma_start3A_278 : memref<128xi32, #tpu.memory_space<vmem>>) target(%dma_start3A_275 : memref<128xi32, #tpu.memory_space<hbm>>) target_semaphore(%arg6 : memref<!tpu.dma_semaphore, #tpu.memory_space<semaphore_mem>>)
    %add3A_279 = arith.constant 6272 : i32
    %add3A_280 = arith.addi %add3A_279, %sub3A_262 : i32
    %dma_start3A_281 = arith.constant 27 : i32
    %dma_start3A_282 = arith.constant 1 : i32
    %dma_start3A_283 = arith.constant 0 : i32
    %dma_start3A_284 = tpu.memref_slice %arg4[%dma_start3A_281, %dma_start3A_282, %dma_start3A_283] : memref<28x8x128xi32, #tpu.memory_space<vmem>> -> memref<1x1x128xi32, #tpu.memory_space<vmem>>
    %dma_start3A_285 = tpu.memref_squeeze %dma_start3A_284 : memref<1x1x128xi32, #tpu.memory_space<vmem>> -> memref<128xi32, #tpu.memory_space<vmem>>
    %dma_start3A_286 = arith.constant 0 : i32
    %dma_start3A_287 = tpu.memref_slice %arg3[%add3A_280, %dma_start3A_286] : memref<6400x128xi32, #tpu.memory_space<hbm>> -> memref<1x128xi32, #tpu.memory_space<hbm>>
    %dma_start3A_288 = tpu.memref_squeeze %dma_start3A_287 : memref<1x128xi32, #tpu.memory_space<hbm>> -> memref<128xi32, #tpu.memory_space<hbm>>
    %dma_start3A_289 = arith.constant 0 : i32
    %dma_start3A_290 = tpu.memref_slice %arg3[%add3A_280, %dma_start3A_289] : memref<6400x128xi32, #tpu.memory_space<hbm>> -> memref<1x128xi32, #tpu.memory_space<hbm>>
    %dma_start3A_291 = tpu.memref_squeeze %dma_start3A_290 : memref<1x128xi32, #tpu.memory_space<hbm>> -> memref<128xi32, #tpu.memory_space<hbm>>
    %dma_start3A_292 = arith.constant 0 : i32
    %dma_start3A_293 = tpu.memref_slice %arg4[%dma_start3A_281, %dma_start3A_282, %dma_start3A_292] : memref<28x8x128xi32, #tpu.memory_space<vmem>> -> memref<1x1x128xi32, #tpu.memory_space<vmem>>
    %dma_start3A_294 = tpu.memref_squeeze %dma_start3A_293 : memref<1x1x128xi32, #tpu.memory_space<vmem>> -> memref<128xi32, #tpu.memory_space<vmem>>
    tpu.enqueue_dma source(%dma_start3A_294 : memref<128xi32, #tpu.memory_space<vmem>>) target(%dma_start3A_291 : memref<128xi32, #tpu.memory_space<hbm>>) target_semaphore(%arg6 : memref<!tpu.dma_semaphore, #tpu.memory_space<semaphore_mem>>)
    %scan3A_295 = arith.constant 0 : i32
    %scan3A_296 = arith.constant 0 : i32
    %scan3A_297 = arith.constant 24 : i32
    %scan3A_298 = arith.addi %scan3A_296, %scan3A_297 : i32
    %scan3A_299 = arith.constant 1 : i32
    scf.for %scan3A_361 = %scan3A_296 to %scan3A_298 step %scan3A_299  : i32 {
      %dma_wait3A_362 = arith.constant 0 : i32
      %dma_wait3A_363 = arith.constant 0 : i32
      %dma_wait3A_364 = arith.constant 0 : i32
      %dma_wait3A_365 = tpu.memref_slice %arg4[%dma_wait3A_362, %dma_wait3A_363, %dma_wait3A_364] : memref<28x8x128xi32, #tpu.memory_space<vmem>> -> memref<1x8x128xi32, #tpu.memory_space<vmem>>
      %dma_wait3A_366 = tpu.memref_squeeze %dma_wait3A_365 : memref<1x8x128xi32, #tpu.memory_space<vmem>> -> memref<8x128xi32, #tpu.memory_space<vmem>>
      %dma_wait3A_367 = arith.constant 0 : i32
      %dma_wait3A_368 = arith.constant 0 : i32
      %dma_wait3A_369 = tpu.memref_slice %arg3[%dma_wait3A_367, %dma_wait3A_368] : memref<6400x128xi32, #tpu.memory_space<hbm>> -> memref<8x128xi32, #tpu.memory_space<hbm>>
      %dma_wait3A_370 = arith.constant 0 : i32
      %dma_wait3A_371 = arith.constant 0 : i32
      %dma_wait3A_372 = tpu.memref_slice %arg3[%dma_wait3A_370, %dma_wait3A_371] : memref<6400x128xi32, #tpu.memory_space<hbm>> -> memref<8x128xi32, #tpu.memory_space<hbm>>
      %dma_wait3A_373 = arith.constant 0 : i32
      %dma_wait3A_374 = arith.constant 0 : i32
      %dma_wait3A_375 = tpu.memref_slice %arg4[%dma_wait3A_362, %dma_wait3A_373, %dma_wait3A_374] : memref<28x8x128xi32, #tpu.memory_space<vmem>> -> memref<1x8x128xi32, #tpu.memory_space<vmem>>
      %dma_wait3A_376 = tpu.memref_squeeze %dma_wait3A_375 : memref<1x8x128xi32, #tpu.memory_space<vmem>> -> memref<8x128xi32, #tpu.memory_space<vmem>>
      tpu.wait_dma2 semaphore(%arg6 : memref<!tpu.dma_semaphore, #tpu.memory_space<semaphore_mem>>) src(%dma_wait3A_376 : memref<8x128xi32, #tpu.memory_space<vmem>>) dst(%dma_wait3A_372 : memref<8x128xi32, #tpu.memory_space<hbm>>)
    }
    %scan3A_300 = arith.constant 24 : i32
    %dma_wait3A_301 = arith.constant 0 : i32
    %dma_wait3A_302 = arith.constant 0 : i32
    %dma_wait3A_303 = arith.constant 0 : i32
    %dma_wait3A_304 = tpu.memref_slice %arg4[%dma_wait3A_301, %dma_wait3A_302, %dma_wait3A_303] : memref<28x8x128xi32, #tpu.memory_space<vmem>> -> memref<1x2x128xi32, #tpu.memory_space<vmem>>
    %dma_wait3A_305 = tpu.memref_squeeze %dma_wait3A_304 : memref<1x2x128xi32, #tpu.memory_space<vmem>> -> memref<2x128xi32, #tpu.memory_space<vmem>>
    %dma_wait3A_306 = arith.constant 0 : i32
    %dma_wait3A_307 = arith.constant 0 : i32
    %dma_wait3A_308 = tpu.memref_slice %arg3[%dma_wait3A_306, %dma_wait3A_307] : memref<6400x128xi32, #tpu.memory_space<hbm>> -> memref<2x128xi32, #tpu.memory_space<hbm>>
    %dma_wait3A_309 = arith.constant 0 : i32
    %dma_wait3A_310 = arith.constant 0 : i32
    %dma_wait3A_311 = tpu.memref_slice %arg3[%dma_wait3A_309, %dma_wait3A_310] : memref<6400x128xi32, #tpu.memory_space<hbm>> -> memref<2x128xi32, #tpu.memory_space<hbm>>
    %dma_wait3A_312 = arith.constant 0 : i32
    %dma_wait3A_313 = arith.constant 0 : i32
    %dma_wait3A_314 = tpu.memref_slice %arg4[%dma_wait3A_301, %dma_wait3A_312, %dma_wait3A_313] : memref<28x8x128xi32, #tpu.memory_space<vmem>> -> memref<1x2x128xi32, #tpu.memory_space<vmem>>
    %dma_wait3A_315 = tpu.memref_squeeze %dma_wait3A_314 : memref<1x2x128xi32, #tpu.memory_space<vmem>> -> memref<2x128xi32, #tpu.memory_space<vmem>>
    tpu.wait_dma2 semaphore(%arg6 : memref<!tpu.dma_semaphore, #tpu.memory_space<semaphore_mem>>) src(%dma_wait3A_315 : memref<2x128xi32, #tpu.memory_space<vmem>>) dst(%dma_wait3A_311 : memref<2x128xi32, #tpu.memory_space<hbm>>)
    %dma_wait3A_316 = arith.constant 0 : i32
    %dma_wait3A_317 = arith.constant 0 : i32
    %dma_wait3A_318 = arith.constant 0 : i32
    %dma_wait3A_319 = tpu.memref_slice %arg4[%dma_wait3A_316, %dma_wait3A_317, %dma_wait3A_318] : memref<28x8x128xi32, #tpu.memory_space<vmem>> -> memref<1x2x128xi32, #tpu.memory_space<vmem>>
    %dma_wait3A_320 = tpu.memref_squeeze %dma_wait3A_319 : memref<1x2x128xi32, #tpu.memory_space<vmem>> -> memref<2x128xi32, #tpu.memory_space<vmem>>
    %dma_wait3A_321 = arith.constant 0 : i32
    %dma_wait3A_322 = arith.constant 0 : i32
    %dma_wait3A_323 = tpu.memref_slice %arg3[%dma_wait3A_321, %dma_wait3A_322] : memref<6400x128xi32, #tpu.memory_space<hbm>> -> memref<2x128xi32, #tpu.memory_space<hbm>>
    %dma_wait3A_324 = arith.constant 0 : i32
    %dma_wait3A_325 = arith.constant 0 : i32
    %dma_wait3A_326 = tpu.memref_slice %arg3[%dma_wait3A_324, %dma_wait3A_325] : memref<6400x128xi32, #tpu.memory_space<hbm>> -> memref<2x128xi32, #tpu.memory_space<hbm>>
    %dma_wait3A_327 = arith.constant 0 : i32
    %dma_wait3A_328 = arith.constant 0 : i32
    %dma_wait3A_329 = tpu.memref_slice %arg4[%dma_wait3A_316, %dma_wait3A_327, %dma_wait3A_328] : memref<28x8x128xi32, #tpu.memory_space<vmem>> -> memref<1x2x128xi32, #tpu.memory_space<vmem>>
    %dma_wait3A_330 = tpu.memref_squeeze %dma_wait3A_329 : memref<1x2x128xi32, #tpu.memory_space<vmem>> -> memref<2x128xi32, #tpu.memory_space<vmem>>
    tpu.wait_dma2 semaphore(%arg6 : memref<!tpu.dma_semaphore, #tpu.memory_space<semaphore_mem>>) src(%dma_wait3A_330 : memref<2x128xi32, #tpu.memory_space<vmem>>) dst(%dma_wait3A_326 : memref<2x128xi32, #tpu.memory_space<hbm>>)
    %dma_wait3A_331 = arith.constant 0 : i32
    %dma_wait3A_332 = arith.constant 0 : i32
    %dma_wait3A_333 = arith.constant 0 : i32
    %dma_wait3A_334 = tpu.memref_slice %arg4[%dma_wait3A_331, %dma_wait3A_332, %dma_wait3A_333] : memref<28x8x128xi32, #tpu.memory_space<vmem>> -> memref<1x2x128xi32, #tpu.memory_space<vmem>>
    %dma_wait3A_335 = tpu.memref_squeeze %dma_wait3A_334 : memref<1x2x128xi32, #tpu.memory_space<vmem>> -> memref<2x128xi32, #tpu.memory_space<vmem>>
    %dma_wait3A_336 = arith.constant 0 : i32
    %dma_wait3A_337 = arith.constant 0 : i32
    %dma_wait3A_338 = tpu.memref_slice %arg3[%dma_wait3A_336, %dma_wait3A_337] : memref<6400x128xi32, #tpu.memory_space<hbm>> -> memref<2x128xi32, #tpu.memory_space<hbm>>
    %dma_wait3A_339 = arith.constant 0 : i32
    %dma_wait3A_340 = arith.constant 0 : i32
    %dma_wait3A_341 = tpu.memref_slice %arg3[%dma_wait3A_339, %dma_wait3A_340] : memref<6400x128xi32, #tpu.memory_space<hbm>> -> memref<2x128xi32, #tpu.memory_space<hbm>>
    %dma_wait3A_342 = arith.constant 0 : i32
    %dma_wait3A_343 = arith.constant 0 : i32
    %dma_wait3A_344 = tpu.memref_slice %arg4[%dma_wait3A_331, %dma_wait3A_342, %dma_wait3A_343] : memref<28x8x128xi32, #tpu.memory_space<vmem>> -> memref<1x2x128xi32, #tpu.memory_space<vmem>>
    %dma_wait3A_345 = tpu.memref_squeeze %dma_wait3A_344 : memref<1x2x128xi32, #tpu.memory_space<vmem>> -> memref<2x128xi32, #tpu.memory_space<vmem>>
    tpu.wait_dma2 semaphore(%arg6 : memref<!tpu.dma_semaphore, #tpu.memory_space<semaphore_mem>>) src(%dma_wait3A_345 : memref<2x128xi32, #tpu.memory_space<vmem>>) dst(%dma_wait3A_341 : memref<2x128xi32, #tpu.memory_space<hbm>>)
    %dma_wait3A_346 = arith.constant 0 : i32
    %dma_wait3A_347 = arith.constant 0 : i32
    %dma_wait3A_348 = arith.constant 0 : i32
    %dma_wait3A_349 = tpu.memref_slice %arg4[%dma_wait3A_346, %dma_wait3A_347, %dma_wait3A_348] : memref<28x8x128xi32, #tpu.memory_space<vmem>> -> memref<1x2x128xi32, #tpu.memory_space<vmem>>
    %dma_wait3A_350 = tpu.memref_squeeze %dma_wait3A_349 : memref<1x2x128xi32, #tpu.memory_space<vmem>> -> memref<2x128xi32, #tpu.memory_space<vmem>>
    %dma_wait3A_351 = arith.constant 0 : i32
    %dma_wait3A_352 = arith.constant 0 : i32
    %dma_wait3A_353 = tpu.memref_slice %arg3[%dma_wait3A_351, %dma_wait3A_352] : memref<6400x128xi32, #tpu.memory_space<hbm>> -> memref<2x128xi32, #tpu.memory_space<hbm>>
    %dma_wait3A_354 = arith.constant 0 : i32
    %dma_wait3A_355 = arith.constant 0 : i32
    %dma_wait3A_356 = tpu.memref_slice %arg3[%dma_wait3A_354, %dma_wait3A_355] : memref<6400x128xi32, #tpu.memory_space<hbm>> -> memref<2x128xi32, #tpu.memory_space<hbm>>
    %dma_wait3A_357 = arith.constant 0 : i32
    %dma_wait3A_358 = arith.constant 0 : i32
    %dma_wait3A_359 = tpu.memref_slice %arg4[%dma_wait3A_346, %dma_wait3A_357, %dma_wait3A_358] : memref<28x8x128xi32, #tpu.memory_space<vmem>> -> memref<1x2x128xi32, #tpu.memory_space<vmem>>
    %dma_wait3A_360 = tpu.memref_squeeze %dma_wait3A_359 : memref<1x2x128xi32, #tpu.memory_space<vmem>> -> memref<2x128xi32, #tpu.memory_space<vmem>>
    tpu.wait_dma2 semaphore(%arg6 : memref<!tpu.dma_semaphore, #tpu.memory_space<semaphore_mem>>) src(%dma_wait3A_360 : memref<2x128xi32, #tpu.memory_space<vmem>>) dst(%dma_wait3A_356 : memref<2x128xi32, #tpu.memory_space<hbm>>)
    return
  }
}

#map = affine_map<(d0, d1) -> (0, 0, 0)>
#map1 = affine_map<(d0, d1) -> (0, 0)>
module attributes {stable_mosaic.version = 14 : i64} {
  func.func @_p2_body(%arg0: i32, %arg1: i32, %arg2: memref<50x128x128xi32, #tpu.memory_space<hbm>>, %arg3: memref<1000000x32xf32, #tpu.memory_space<hbm>>, %arg4: memref<50x32x16384xf32, #tpu.memory_space<hbm>>, %arg5: memref<50x4x128xi32, #tpu.memory_space<vmem>>, %arg6: memref<512x32xf32, #tpu.memory_space<vmem>>, %arg7: memref<512x32xf32, #tpu.memory_space<vmem>>, %arg8: memref<32x513xf32, #tpu.memory_space<vmem>>, %arg9: memref<32x512xf32, #tpu.memory_space<vmem>>, %arg10: memref<32x512xf32, #tpu.memory_space<vmem>>, %arg11: memref<!tpu.dma_semaphore, #tpu.memory_space<semaphore_mem>>, %arg12: memref<!tpu.dma_semaphore, #tpu.memory_space<semaphore_mem>>, %arg13: memref<!tpu.dma_semaphore, #tpu.memory_space<semaphore_mem>>, %arg14: memref<!tpu.dma_semaphore, #tpu.memory_space<semaphore_mem>>) attributes {dimension_semantics = [#tpu.dimension_semantics<core_parallel>, #tpu.dimension_semantics<subcore_parallel>], iteration_bounds = array<i64: 2, 16>, scalar_prefetch = 0 : i64, scratch_operands = 10 : i64, tpu.core_type = #tpu.core_type<sc_vector_subcore>, window_params = [{transform_indices = #map}, {transform_indices = #map1}, {transform_indices = #map}]} {
    %mul3A = arith.constant 2 : i32
    %mul3A_0 = arith.muli %arg1, %mul3A : i32
    %add3A = arith.addi %mul3A_0, %arg0 : i32
    %iota3A = tpu.iota {dimensions = array<i32: 0>} : vector<16xi32>
    %mul3A_1 = arith.constant 512 : i32
    %mul3A_2 = arith.muli %add3A, %mul3A_1 : i32
    %mul3A_3 = arith.constant 4 : i32
    %mul3A_4 = arith.muli %mul3A_3, %add3A : i32
    "tpu.region"() ({
      %run_scoped3A = tpu.sem_alloc : memref<!tpu.dma_semaphore, #tpu.memory_space<semaphore_mem>>
      %dma_start3A_70 = arith.constant 0 : i32
      %dma_start3A_71 = arith.constant 0 : i32
      %dma_start3A_72 = tpu.memref_slice %arg2[%dma_start3A_70, %mul3A_4, %dma_start3A_71] : memref<50x128x128xi32, #tpu.memory_space<hbm>> -> memref<50x4x128xi32, #tpu.memory_space<hbm>>
      %dma_start3A_73 = arith.constant 0 : i32
      %dma_start3A_74 = arith.constant 0 : i32
      %dma_start3A_75 = tpu.memref_slice %arg2[%dma_start3A_73, %mul3A_4, %dma_start3A_74] : memref<50x128x128xi32, #tpu.memory_space<hbm>> -> memref<50x4x128xi32, #tpu.memory_space<hbm>>
      tpu.enqueue_dma source(%dma_start3A_75 : memref<50x4x128xi32, #tpu.memory_space<hbm>>) target(%arg5 : memref<50x4x128xi32, #tpu.memory_space<vmem>>) target_semaphore(%run_scoped3A : memref<!tpu.dma_semaphore, #tpu.memory_space<semaphore_mem>>)
      %dma_wait3A_76 = arith.constant 0 : i32
      %dma_wait3A_77 = arith.constant 0 : i32
      %dma_wait3A_78 = tpu.memref_slice %arg2[%dma_wait3A_76, %mul3A_4, %dma_wait3A_77] : memref<50x128x128xi32, #tpu.memory_space<hbm>> -> memref<50x4x128xi32, #tpu.memory_space<hbm>>
      %dma_wait3A_79 = arith.constant 0 : i32
      %dma_wait3A_80 = arith.constant 0 : i32
      %dma_wait3A_81 = tpu.memref_slice %arg2[%dma_wait3A_79, %mul3A_4, %dma_wait3A_80] : memref<50x128x128xi32, #tpu.memory_space<hbm>> -> memref<50x4x128xi32, #tpu.memory_space<hbm>>
      tpu.wait_dma2 semaphore(%run_scoped3A : memref<!tpu.dma_semaphore, #tpu.memory_space<semaphore_mem>>) src(%dma_wait3A_81 : memref<50x4x128xi32, #tpu.memory_space<hbm>>) dst(%arg5 : memref<50x4x128xi32, #tpu.memory_space<vmem>>)
      tpu.yield
    }) : () -> ()
    %dma_start3A = arith.constant 0 : i32
    %dma_start3A_5 = arith.constant 0 : i32
    %dma_start3A_6 = arith.constant 0 : i32
    %dma_start3A_7 = arith.constant 0 : i32
    %dma_start3A_8 = tpu.memref_slice %arg6[%dma_start3A_6, %dma_start3A_7] : memref<512x32xf32, #tpu.memory_space<vmem>> -> memref<128x32xf32, #tpu.memory_space<vmem>>
    %dma_start3A_9 = arith.constant 0 : i32
    %dma_start3A_10 = tpu.memref_slice %arg5[%dma_start3A, %dma_start3A_5, %dma_start3A_9] : memref<50x4x128xi32, #tpu.memory_space<vmem>> -> memref<1x1x128xi32, #tpu.memory_space<vmem>>
    %dma_start3A_11 = tpu.memref_squeeze %dma_start3A_10 : memref<1x1x128xi32, #tpu.memory_space<vmem>> -> memref<128xi32, #tpu.memory_space<vmem>>
    %dma_start3A_12 = arith.constant 0 : i32
    %dma_start3A_13 = arith.constant 0 : i32
    %dma_start3A_14 = tpu.memref_slice %arg3[%dma_start3A_12, %dma_start3A_13] : memref<1000000x32xf32, #tpu.memory_space<hbm>> -> memref<1000000x32xf32, #tpu.memory_space<hbm>>
    tpu.enqueue_indirect_dma source(%dma_start3A_14 : memref<1000000x32xf32, #tpu.memory_space<hbm>>) target(%dma_start3A_8 : memref<128x32xf32, #tpu.memory_space<vmem>>) offsets(%dma_start3A_11 : memref<128xi32, #tpu.memory_space<vmem>>) semaphore(%arg11 : memref<!tpu.dma_semaphore, #tpu.memory_space<semaphore_mem>>)
    %dma_start3A_15 = arith.constant 0 : i32
    %dma_start3A_16 = arith.constant 1 : i32
    %dma_start3A_17 = arith.constant 128 : i32
    %dma_start3A_18 = arith.constant 0 : i32
    %dma_start3A_19 = tpu.memref_slice %arg6[%dma_start3A_17, %dma_start3A_18] : memref<512x32xf32, #tpu.memory_space<vmem>> -> memref<128x32xf32, #tpu.memory_space<vmem>>
    %dma_start3A_20 = arith.constant 0 : i32
    %dma_start3A_21 = tpu.memref_slice %arg5[%dma_start3A_15, %dma_start3A_16, %dma_start3A_20] : memref<50x4x128xi32, #tpu.memory_space<vmem>> -> memref<1x1x128xi32, #tpu.memory_space<vmem>>
    %dma_start3A_22 = tpu.memref_squeeze %dma_start3A_21 : memref<1x1x128xi32, #tpu.memory_space<vmem>> -> memref<128xi32, #tpu.memory_space<vmem>>
    %dma_start3A_23 = arith.constant 0 : i32
    %dma_start3A_24 = arith.constant 0 : i32
    %dma_start3A_25 = tpu.memref_slice %arg3[%dma_start3A_23, %dma_start3A_24] : memref<1000000x32xf32, #tpu.memory_space<hbm>> -> memref<1000000x32xf32, #tpu.memory_space<hbm>>
    tpu.enqueue_indirect_dma source(%dma_start3A_25 : memref<1000000x32xf32, #tpu.memory_space<hbm>>) target(%dma_start3A_19 : memref<128x32xf32, #tpu.memory_space<vmem>>) offsets(%dma_start3A_22 : memref<128xi32, #tpu.memory_space<vmem>>) semaphore(%arg11 : memref<!tpu.dma_semaphore, #tpu.memory_space<semaphore_mem>>)
    %dma_start3A_26 = arith.constant 0 : i32
    %dma_start3A_27 = arith.constant 2 : i32
    %dma_start3A_28 = arith.constant 256 : i32
    %dma_start3A_29 = arith.constant 0 : i32
    %dma_start3A_30 = tpu.memref_slice %arg6[%dma_start3A_28, %dma_start3A_29] : memref<512x32xf32, #tpu.memory_space<vmem>> -> memref<128x32xf32, #tpu.memory_space<vmem>>
    %dma_start3A_31 = arith.constant 0 : i32
    %dma_start3A_32 = tpu.memref_slice %arg5[%dma_start3A_26, %dma_start3A_27, %dma_start3A_31] : memref<50x4x128xi32, #tpu.memory_space<vmem>> -> memref<1x1x128xi32, #tpu.memory_space<vmem>>
    %dma_start3A_33 = tpu.memref_squeeze %dma_start3A_32 : memref<1x1x128xi32, #tpu.memory_space<vmem>> -> memref<128xi32, #tpu.memory_space<vmem>>
    %dma_start3A_34 = arith.constant 0 : i32
    %dma_start3A_35 = arith.constant 0 : i32
    %dma_start3A_36 = tpu.memref_slice %arg3[%dma_start3A_34, %dma_start3A_35] : memref<1000000x32xf32, #tpu.memory_space<hbm>> -> memref<1000000x32xf32, #tpu.memory_space<hbm>>
    tpu.enqueue_indirect_dma source(%dma_start3A_36 : memref<1000000x32xf32, #tpu.memory_space<hbm>>) target(%dma_start3A_30 : memref<128x32xf32, #tpu.memory_space<vmem>>) offsets(%dma_start3A_33 : memref<128xi32, #tpu.memory_space<vmem>>) semaphore(%arg11 : memref<!tpu.dma_semaphore, #tpu.memory_space<semaphore_mem>>)
    %dma_start3A_37 = arith.constant 0 : i32
    %dma_start3A_38 = arith.constant 3 : i32
    %dma_start3A_39 = arith.constant 384 : i32
    %dma_start3A_40 = arith.constant 0 : i32
    %dma_start3A_41 = tpu.memref_slice %arg6[%dma_start3A_39, %dma_start3A_40] : memref<512x32xf32, #tpu.memory_space<vmem>> -> memref<128x32xf32, #tpu.memory_space<vmem>>
    %dma_start3A_42 = arith.constant 0 : i32
    %dma_start3A_43 = tpu.memref_slice %arg5[%dma_start3A_37, %dma_start3A_38, %dma_start3A_42] : memref<50x4x128xi32, #tpu.memory_space<vmem>> -> memref<1x1x128xi32, #tpu.memory_space<vmem>>
    %dma_start3A_44 = tpu.memref_squeeze %dma_start3A_43 : memref<1x1x128xi32, #tpu.memory_space<vmem>> -> memref<128xi32, #tpu.memory_space<vmem>>
    %dma_start3A_45 = arith.constant 0 : i32
    %dma_start3A_46 = arith.constant 0 : i32
    %dma_start3A_47 = tpu.memref_slice %arg3[%dma_start3A_45, %dma_start3A_46] : memref<1000000x32xf32, #tpu.memory_space<hbm>> -> memref<1000000x32xf32, #tpu.memory_space<hbm>>
    tpu.enqueue_indirect_dma source(%dma_start3A_47 : memref<1000000x32xf32, #tpu.memory_space<hbm>>) target(%dma_start3A_41 : memref<128x32xf32, #tpu.memory_space<vmem>>) offsets(%dma_start3A_44 : memref<128xi32, #tpu.memory_space<vmem>>) semaphore(%arg11 : memref<!tpu.dma_semaphore, #tpu.memory_space<semaphore_mem>>)
    %scan3A = arith.constant 0 : i32
    %scan3A_48 = arith.constant 0 : i32
    %scan3A_49 = arith.constant 25 : i32
    %scan3A_50 = arith.addi %scan3A_48, %scan3A_49 : i32
    %scan3A_51 = arith.constant 1 : i32
    scf.for %scan3A_70 = %scan3A_48 to %scan3A_50 step %scan3A_51  : i32 {
      %mul3A_71 = arith.constant 2 : i32
      %mul3A_72 = arith.muli %mul3A_71, %scan3A_70 : i32
      %add3A_73 = arith.constant 1 : i32
      %add3A_74 = arith.addi %mul3A_72, %add3A_73 : i32
      %dma_wait3A_75 = arith.constant 0 : i32
      %dma_wait3A_76 = arith.constant 0 : i32
      %dma_wait3A_77 = tpu.memref_slice %arg3[%dma_wait3A_75, %dma_wait3A_76] : memref<1000000x32xf32, #tpu.memory_space<hbm>> -> memref<512x32xf32, #tpu.memory_space<hbm>>
      %dma_wait3A_78 = arith.constant 0 : i32
      %dma_wait3A_79 = arith.constant 0 : i32
      %dma_wait3A_80 = tpu.memref_slice %arg3[%dma_wait3A_78, %dma_wait3A_79] : memref<1000000x32xf32, #tpu.memory_space<hbm>> -> memref<512x32xf32, #tpu.memory_space<hbm>>
      tpu.wait_dma2 semaphore(%arg11 : memref<!tpu.dma_semaphore, #tpu.memory_space<semaphore_mem>>) src(%dma_wait3A_80 : memref<512x32xf32, #tpu.memory_space<hbm>>) dst(%arg6 : memref<512x32xf32, #tpu.memory_space<vmem>>)
      %dma_start3A_81 = arith.constant 0 : i32
      %dma_start3A_82 = arith.constant 0 : i32
      %dma_start3A_83 = arith.constant 0 : i32
      %dma_start3A_84 = tpu.memref_slice %arg7[%dma_start3A_82, %dma_start3A_83] : memref<512x32xf32, #tpu.memory_space<vmem>> -> memref<128x32xf32, #tpu.memory_space<vmem>>
      %dma_start3A_85 = arith.constant 0 : i32
      %dma_start3A_86 = tpu.memref_slice %arg5[%add3A_74, %dma_start3A_81, %dma_start3A_85] : memref<50x4x128xi32, #tpu.memory_space<vmem>> -> memref<1x1x128xi32, #tpu.memory_space<vmem>>
      %dma_start3A_87 = tpu.memref_squeeze %dma_start3A_86 : memref<1x1x128xi32, #tpu.memory_space<vmem>> -> memref<128xi32, #tpu.memory_space<vmem>>
      %dma_start3A_88 = arith.constant 0 : i32
      %dma_start3A_89 = arith.constant 0 : i32
      %dma_start3A_90 = tpu.memref_slice %arg3[%dma_start3A_88, %dma_start3A_89] : memref<1000000x32xf32, #tpu.memory_space<hbm>> -> memref<1000000x32xf32, #tpu.memory_space<hbm>>
      tpu.enqueue_indirect_dma source(%dma_start3A_90 : memref<1000000x32xf32, #tpu.memory_space<hbm>>) target(%dma_start3A_84 : memref<128x32xf32, #tpu.memory_space<vmem>>) offsets(%dma_start3A_87 : memref<128xi32, #tpu.memory_space<vmem>>) semaphore(%arg12 : memref<!tpu.dma_semaphore, #tpu.memory_space<semaphore_mem>>)
      %dma_start3A_91 = arith.constant 1 : i32
      %dma_start3A_92 = arith.constant 128 : i32
      %dma_start3A_93 = arith.constant 0 : i32
      %dma_start3A_94 = tpu.memref_slice %arg7[%dma_start3A_92, %dma_start3A_93] : memref<512x32xf32, #tpu.memory_space<vmem>> -> memref<128x32xf32, #tpu.memory_space<vmem>>
      %dma_start3A_95 = arith.constant 0 : i32
      %dma_start3A_96 = tpu.memref_slice %arg5[%add3A_74, %dma_start3A_91, %dma_start3A_95] : memref<50x4x128xi32, #tpu.memory_space<vmem>> -> memref<1x1x128xi32, #tpu.memory_space<vmem>>
      %dma_start3A_97 = tpu.memref_squeeze %dma_start3A_96 : memref<1x1x128xi32, #tpu.memory_space<vmem>> -> memref<128xi32, #tpu.memory_space<vmem>>
      %dma_start3A_98 = arith.constant 0 : i32
      %dma_start3A_99 = arith.constant 0 : i32
      %dma_start3A_100 = tpu.memref_slice %arg3[%dma_start3A_98, %dma_start3A_99] : memref<1000000x32xf32, #tpu.memory_space<hbm>> -> memref<1000000x32xf32, #tpu.memory_space<hbm>>
      tpu.enqueue_indirect_dma source(%dma_start3A_100 : memref<1000000x32xf32, #tpu.memory_space<hbm>>) target(%dma_start3A_94 : memref<128x32xf32, #tpu.memory_space<vmem>>) offsets(%dma_start3A_97 : memref<128xi32, #tpu.memory_space<vmem>>) semaphore(%arg12 : memref<!tpu.dma_semaphore, #tpu.memory_space<semaphore_mem>>)
      %dma_start3A_101 = arith.constant 2 : i32
      %dma_start3A_102 = arith.constant 256 : i32
      %dma_start3A_103 = arith.constant 0 : i32
      %dma_start3A_104 = tpu.memref_slice %arg7[%dma_start3A_102, %dma_start3A_103] : memref<512x32xf32, #tpu.memory_space<vmem>> -> memref<128x32xf32, #tpu.memory_space<vmem>>
      %dma_start3A_105 = arith.constant 0 : i32
      %dma_start3A_106 = tpu.memref_slice %arg5[%add3A_74, %dma_start3A_101, %dma_start3A_105] : memref<50x4x128xi32, #tpu.memory_space<vmem>> -> memref<1x1x128xi32, #tpu.memory_space<vmem>>
      %dma_start3A_107 = tpu.memref_squeeze %dma_start3A_106 : memref<1x1x128xi32, #tpu.memory_space<vmem>> -> memref<128xi32, #tpu.memory_space<vmem>>
      %dma_start3A_108 = arith.constant 0 : i32
      %dma_start3A_109 = arith.constant 0 : i32
      %dma_start3A_110 = tpu.memref_slice %arg3[%dma_start3A_108, %dma_start3A_109] : memref<1000000x32xf32, #tpu.memory_space<hbm>> -> memref<1000000x32xf32, #tpu.memory_space<hbm>>
      tpu.enqueue_indirect_dma source(%dma_start3A_110 : memref<1000000x32xf32, #tpu.memory_space<hbm>>) target(%dma_start3A_104 : memref<128x32xf32, #tpu.memory_space<vmem>>) offsets(%dma_start3A_107 : memref<128xi32, #tpu.memory_space<vmem>>) semaphore(%arg12 : memref<!tpu.dma_semaphore, #tpu.memory_space<semaphore_mem>>)
      %dma_start3A_111 = arith.constant 3 : i32
      %dma_start3A_112 = arith.constant 384 : i32
      %dma_start3A_113 = arith.constant 0 : i32
      %dma_start3A_114 = tpu.memref_slice %arg7[%dma_start3A_112, %dma_start3A_113] : memref<512x32xf32, #tpu.memory_space<vmem>> -> memref<128x32xf32, #tpu.memory_space<vmem>>
      %dma_start3A_115 = arith.constant 0 : i32
      %dma_start3A_116 = tpu.memref_slice %arg5[%add3A_74, %dma_start3A_111, %dma_start3A_115] : memref<50x4x128xi32, #tpu.memory_space<vmem>> -> memref<1x1x128xi32, #tpu.memory_space<vmem>>
      %dma_start3A_117 = tpu.memref_squeeze %dma_start3A_116 : memref<1x1x128xi32, #tpu.memory_space<vmem>> -> memref<128xi32, #tpu.memory_space<vmem>>
      %dma_start3A_118 = arith.constant 0 : i32
      %dma_start3A_119 = arith.constant 0 : i32
      %dma_start3A_120 = tpu.memref_slice %arg3[%dma_start3A_118, %dma_start3A_119] : memref<1000000x32xf32, #tpu.memory_space<hbm>> -> memref<1000000x32xf32, #tpu.memory_space<hbm>>
      tpu.enqueue_indirect_dma source(%dma_start3A_120 : memref<1000000x32xf32, #tpu.memory_space<hbm>>) target(%dma_start3A_114 : memref<128x32xf32, #tpu.memory_space<vmem>>) offsets(%dma_start3A_117 : memref<128xi32, #tpu.memory_space<vmem>>) semaphore(%arg12 : memref<!tpu.dma_semaphore, #tpu.memory_space<semaphore_mem>>)
      %gt3A = arith.constant 0 : i32
      %gt3A_121 = arith.cmpi sgt, %scan3A_70, %gt3A : i32
      %convert_element_type3A = arith.extui %gt3A_121 : i1 to i32
      %cond3A = arith.constant 0 : i32
      %cond3A_122 = arith.cmpi ne, %convert_element_type3A, %cond3A : i32
      scf.if %cond3A_122 {
        %dma_wait3A_174 = arith.constant 0 : i32
        %dma_wait3A_175 = arith.constant 0 : i32
        %dma_wait3A_176 = arith.constant 0 : i32
        %dma_wait3A_177 = tpu.memref_slice %arg4[%dma_wait3A_174, %dma_wait3A_175, %dma_wait3A_176] : memref<50x32x16384xf32, #tpu.memory_space<hbm>> -> memref<1x32x512xf32, #tpu.memory_space<hbm>>
        %dma_wait3A_178 = tpu.memref_squeeze %dma_wait3A_177 : memref<1x32x512xf32, #tpu.memory_space<hbm>> -> memref<32x512xf32, #tpu.memory_space<hbm>>
        %dma_wait3A_179 = arith.constant 0 : i32
        %dma_wait3A_180 = arith.constant 0 : i32
        %dma_wait3A_181 = tpu.memref_slice %arg4[%dma_wait3A_174, %dma_wait3A_179, %dma_wait3A_180] : memref<50x32x16384xf32, #tpu.memory_space<hbm>> -> memref<1x32x512xf32, #tpu.memory_space<hbm>>
        %dma_wait3A_182 = tpu.memref_squeeze %dma_wait3A_181 : memref<1x32x512xf32, #tpu.memory_space<hbm>> -> memref<32x512xf32, #tpu.memory_space<hbm>>
        tpu.wait_dma2 semaphore(%arg13 : memref<!tpu.dma_semaphore, #tpu.memory_space<semaphore_mem>>) src(%arg9 : memref<32x512xf32, #tpu.memory_space<vmem>>) dst(%dma_wait3A_182 : memref<32x512xf32, #tpu.memory_space<hbm>>)
      } else {
      }
      %scan3A_123 = arith.constant 0 : i32
      %scan3A_124 = arith.constant 0 : i32
      %scan3A_125 = arith.constant 64 : i32
      %scan3A_126 = arith.addi %scan3A_124, %scan3A_125 : i32
      %scan3A_127 = arith.constant 1 : i32
      scf.for %scan3A_174 = %scan3A_124 to %scan3A_126 step %scan3A_127  : i32 {
        %mul3A_175 = arith.constant 8 : i32
        %mul3A_176 = arith.muli %mul3A_175, %scan3A_174 : i32
        %add3A_177 = arith.constant 0 : i32
        %add3A_178 = arith.addi %mul3A_176, %add3A_177 : i32
        %broadcast_in_dim3A = vector.broadcast %add3A_178 : i32 to vector<16xi32>
        %get3A = arith.index_cast %add3A_178 : i32 to index
        %get3A_179 = arith.constant 0 : index
        %get3A_180 = tpu.vector_load %arg6[%get3A, %get3A_179] {strides = array<i32>} : memref<512x32xf32, #tpu.memory_space<vmem>>, vector<16xf32>,
        %get3A_181 = arith.index_cast %add3A_178 : i32 to index
        %get3A_182 = arith.constant 16 : index
        %get3A_183 = tpu.vector_load %arg6[%get3A_181, %get3A_182] {strides = array<i32>} : memref<512x32xf32, #tpu.memory_space<vmem>>, vector<16xf32>,
        tpu.vector_store_idx %arg8[%iota3A, %broadcast_in_dim3A], %get3A_180 : memref<32x513xf32, #tpu.memory_space<vmem>>[vector<16xi32>, vector<16xi32>], vector<16xf32>,
        %add3A_184 = arith.constant 16 : i32
        %add3A_185 = vector.broadcast %add3A_184 : i32 to vector<16xi32>
        %add3A_186 = arith.addi %iota3A, %add3A_185 : vector<16xi32>
        tpu.vector_store_idx %arg8[%add3A_186, %broadcast_in_dim3A], %get3A_183 : memref<32x513xf32, #tpu.memory_space<vmem>>[vector<16xi32>, vector<16xi32>], vector<16xf32>,
        %mul3A_187 = arith.constant 8 : i32
        %mul3A_188 = arith.muli %mul3A_187, %scan3A_174 : i32
        %add3A_189 = arith.constant 1 : i32
        %add3A_190 = arith.addi %mul3A_188, %add3A_189 : i32
        %broadcast_in_dim3A_191 = vector.broadcast %add3A_190 : i32 to vector<16xi32>
        %get3A_192 = arith.index_cast %add3A_190 : i32 to index
        %get3A_193 = arith.constant 0 : index
        %get3A_194 = tpu.vector_load %arg6[%get3A_192, %get3A_193] {strides = array<i32>} : memref<512x32xf32, #tpu.memory_space<vmem>>, vector<16xf32>,
        %get3A_195 = arith.index_cast %add3A_190 : i32 to index
        %get3A_196 = arith.constant 16 : index
        %get3A_197 = tpu.vector_load %arg6[%get3A_195, %get3A_196] {strides = array<i32>} : memref<512x32xf32, #tpu.memory_space<vmem>>, vector<16xf32>,
        tpu.vector_store_idx %arg8[%iota3A, %broadcast_in_dim3A_191], %get3A_194 : memref<32x513xf32, #tpu.memory_space<vmem>>[vector<16xi32>, vector<16xi32>], vector<16xf32>,
        %add3A_198 = arith.constant 16 : i32
        %add3A_199 = vector.broadcast %add3A_198 : i32 to vector<16xi32>
        %add3A_200 = arith.addi %iota3A, %add3A_199 : vector<16xi32>
        tpu.vector_store_idx %arg8[%add3A_200, %broadcast_in_dim3A_191], %get3A_197 : memref<32x513xf32, #tpu.memory_space<vmem>>[vector<16xi32>, vector<16xi32>], vector<16xf32>,
        %mul3A_201 = arith.constant 8 : i32
        %mul3A_202 = arith.muli %mul3A_201, %scan3A_174 : i32
        %add3A_203 = arith.constant 2 : i32
        %add3A_204 = arith.addi %mul3A_202, %add3A_203 : i32
        %broadcast_in_dim3A_205 = vector.broadcast %add3A_204 : i32 to vector<16xi32>
        %get3A_206 = arith.index_cast %add3A_204 : i32 to index
        %get3A_207 = arith.constant 0 : index
        %get3A_208 = tpu.vector_load %arg6[%get3A_206, %get3A_207] {strides = array<i32>} : memref<512x32xf32, #tpu.memory_space<vmem>>, vector<16xf32>,
        %get3A_209 = arith.index_cast %add3A_204 : i32 to index
        %get3A_210 = arith.constant 16 : index
        %get3A_211 = tpu.vector_load %arg6[%get3A_209, %get3A_210] {strides = array<i32>} : memref<512x32xf32, #tpu.memory_space<vmem>>, vector<16xf32>,
        tpu.vector_store_idx %arg8[%iota3A, %broadcast_in_dim3A_205], %get3A_208 : memref<32x513xf32, #tpu.memory_space<vmem>>[vector<16xi32>, vector<16xi32>], vector<16xf32>,
        %add3A_212 = arith.constant 16 : i32
        %add3A_213 = vector.broadcast %add3A_212 : i32 to vector<16xi32>
        %add3A_214 = arith.addi %iota3A, %add3A_213 : vector<16xi32>
        tpu.vector_store_idx %arg8[%add3A_214, %broadcast_in_dim3A_205], %get3A_211 : memref<32x513xf32, #tpu.memory_space<vmem>>[vector<16xi32>, vector<16xi32>], vector<16xf32>,
        %mul3A_215 = arith.constant 8 : i32
        %mul3A_216 = arith.muli %mul3A_215, %scan3A_174 : i32
        %add3A_217 = arith.constant 3 : i32
        %add3A_218 = arith.addi %mul3A_216, %add3A_217 : i32
        %broadcast_in_dim3A_219 = vector.broadcast %add3A_218 : i32 to vector<16xi32>
        %get3A_220 = arith.index_cast %add3A_218 : i32 to index
        %get3A_221 = arith.constant 0 : index
        %get3A_222 = tpu.vector_load %arg6[%get3A_220, %get3A_221] {strides = array<i32>} : memref<512x32xf32, #tpu.memory_space<vmem>>, vector<16xf32>,
        %get3A_223 = arith.index_cast %add3A_218 : i32 to index
        %get3A_224 = arith.constant 16 : index
        %get3A_225 = tpu.vector_load %arg6[%get3A_223, %get3A_224] {strides = array<i32>} : memref<512x32xf32, #tpu.memory_space<vmem>>, vector<16xf32>,
        tpu.vector_store_idx %arg8[%iota3A, %broadcast_in_dim3A_219], %get3A_222 : memref<32x513xf32, #tpu.memory_space<vmem>>[vector<16xi32>, vector<16xi32>], vector<16xf32>,
        %add3A_226 = arith.constant 16 : i32
        %add3A_227 = vector.broadcast %add3A_226 : i32 to vector<16xi32>
        %add3A_228 = arith.addi %iota3A, %add3A_227 : vector<16xi32>
        tpu.vector_store_idx %arg8[%add3A_228, %broadcast_in_dim3A_219], %get3A_225 : memref<32x513xf32, #tpu.memory_space<vmem>>[vector<16xi32>, vector<16xi32>], vector<16xf32>,
        %mul3A_229 = arith.constant 8 : i32
        %mul3A_230 = arith.muli %mul3A_229, %scan3A_174 : i32
        %add3A_231 = arith.constant 4 : i32
        %add3A_232 = arith.addi %mul3A_230, %add3A_231 : i32
        %broadcast_in_dim3A_233 = vector.broadcast %add3A_232 : i32 to vector<16xi32>
        %get3A_234 = arith.index_cast %add3A_232 : i32 to index
        %get3A_235 = arith.constant 0 : index
        %get3A_236 = tpu.vector_load %arg6[%get3A_234, %get3A_235] {strides = array<i32>} : memref<512x32xf32, #tpu.memory_space<vmem>>, vector<16xf32>,
        %get3A_237 = arith.index_cast %add3A_232 : i32 to index
        %get3A_238 = arith.constant 16 : index
        %get3A_239 = tpu.vector_load %arg6[%get3A_237, %get3A_238] {strides = array<i32>} : memref<512x32xf32, #tpu.memory_space<vmem>>, vector<16xf32>,
        tpu.vector_store_idx %arg8[%iota3A, %broadcast_in_dim3A_233], %get3A_236 : memref<32x513xf32, #tpu.memory_space<vmem>>[vector<16xi32>, vector<16xi32>], vector<16xf32>,
        %add3A_240 = arith.constant 16 : i32
        %add3A_241 = vector.broadcast %add3A_240 : i32 to vector<16xi32>
        %add3A_242 = arith.addi %iota3A, %add3A_241 : vector<16xi32>
        tpu.vector_store_idx %arg8[%add3A_242, %broadcast_in_dim3A_233], %get3A_239 : memref<32x513xf32, #tpu.memory_space<vmem>>[vector<16xi32>, vector<16xi32>], vector<16xf32>,
        %mul3A_243 = arith.constant 8 : i32
        %mul3A_244 = arith.muli %mul3A_243, %scan3A_174 : i32
        %add3A_245 = arith.constant 5 : i32
        %add3A_246 = arith.addi %mul3A_244, %add3A_245 : i32
        %broadcast_in_dim3A_247 = vector.broadcast %add3A_246 : i32 to vector<16xi32>
        %get3A_248 = arith.index_cast %add3A_246 : i32 to index
        %get3A_249 = arith.constant 0 : index
        %get3A_250 = tpu.vector_load %arg6[%get3A_248, %get3A_249] {strides = array<i32>} : memref<512x32xf32, #tpu.memory_space<vmem>>, vector<16xf32>,
        %get3A_251 = arith.index_cast %add3A_246 : i32 to index
        %get3A_252 = arith.constant 16 : index
        %get3A_253 = tpu.vector_load %arg6[%get3A_251, %get3A_252] {strides = array<i32>} : memref<512x32xf32, #tpu.memory_space<vmem>>, vector<16xf32>,
        tpu.vector_store_idx %arg8[%iota3A, %broadcast_in_dim3A_247], %get3A_250 : memref<32x513xf32, #tpu.memory_space<vmem>>[vector<16xi32>, vector<16xi32>], vector<16xf32>,
        %add3A_254 = arith.constant 16 : i32
        %add3A_255 = vector.broadcast %add3A_254 : i32 to vector<16xi32>
        %add3A_256 = arith.addi %iota3A, %add3A_255 : vector<16xi32>
        tpu.vector_store_idx %arg8[%add3A_256, %broadcast_in_dim3A_247], %get3A_253 : memref<32x513xf32, #tpu.memory_space<vmem>>[vector<16xi32>, vector<16xi32>], vector<16xf32>,
        %mul3A_257 = arith.constant 8 : i32
        %mul3A_258 = arith.muli %mul3A_257, %scan3A_174 : i32
        %add3A_259 = arith.constant 6 : i32
        %add3A_260 = arith.addi %mul3A_258, %add3A_259 : i32
        %broadcast_in_dim3A_261 = vector.broadcast %add3A_260 : i32 to vector<16xi32>
        %get3A_262 = arith.index_cast %add3A_260 : i32 to index
        %get3A_263 = arith.constant 0 : index
        %get3A_264 = tpu.vector_load %arg6[%get3A_262, %get3A_263] {strides = array<i32>} : memref<512x32xf32, #tpu.memory_space<vmem>>, vector<16xf32>,
        %get3A_265 = arith.index_cast %add3A_260 : i32 to index
        %get3A_266 = arith.constant 16 : index
        %get3A_267 = tpu.vector_load %arg6[%get3A_265, %get3A_266] {strides = array<i32>} : memref<512x32xf32, #tpu.memory_space<vmem>>, vector<16xf32>,
        tpu.vector_store_idx %arg8[%iota3A, %broadcast_in_dim3A_261], %get3A_264 : memref<32x513xf32, #tpu.memory_space<vmem>>[vector<16xi32>, vector<16xi32>], vector<16xf32>,
        %add3A_268 = arith.constant 16 : i32
        %add3A_269 = vector.broadcast %add3A_268 : i32 to vector<16xi32>
        %add3A_270 = arith.addi %iota3A, %add3A_269 : vector<16xi32>
        tpu.vector_store_idx %arg8[%add3A_270, %broadcast_in_dim3A_261], %get3A_267 : memref<32x513xf32, #tpu.memory_space<vmem>>[vector<16xi32>, vector<16xi32>], vector<16xf32>,
        %mul3A_271 = arith.constant 8 : i32
        %mul3A_272 = arith.muli %mul3A_271, %scan3A_174 : i32
        %add3A_273 = arith.constant 7 : i32
        %add3A_274 = arith.addi %mul3A_272, %add3A_273 : i32
        %broadcast_in_dim3A_275 = vector.broadcast %add3A_274 : i32 to vector<16xi32>
        %get3A_276 = arith.index_cast %add3A_274 : i32 to index
        %get3A_277 = arith.constant 0 : index
        %get3A_278 = tpu.vector_load %arg6[%get3A_276, %get3A_277] {strides = array<i32>} : memref<512x32xf32, #tpu.memory_space<vmem>>, vector<16xf32>,
        %get3A_279 = arith.index_cast %add3A_274 : i32 to index
        %get3A_280 = arith.constant 16 : index
        %get3A_281 = tpu.vector_load %arg6[%get3A_279, %get3A_280] {strides = array<i32>} : memref<512x32xf32, #tpu.memory_space<vmem>>, vector<16xf32>,
        tpu.vector_store_idx %arg8[%iota3A, %broadcast_in_dim3A_275], %get3A_278 : memref<32x513xf32, #tpu.memory_space<vmem>>[vector<16xi32>, vector<16xi32>], vector<16xf32>,
        %add3A_282 = arith.constant 16 : i32
        %add3A_283 = vector.broadcast %add3A_282 : i32 to vector<16xi32>
        %add3A_284 = arith.addi %iota3A, %add3A_283 : vector<16xi32>
        tpu.vector_store_idx %arg8[%add3A_284, %broadcast_in_dim3A_275], %get3A_281 : memref<32x513xf32, #tpu.memory_space<vmem>>[vector<16xi32>, vector<16xi32>], vector<16xf32>,
      }
      %scan3A_128 = arith.constant 64 : i32
      %scan3A_129 = arith.constant 0 : i32
      %scan3A_130 = arith.constant 0 : i32
      %scan3A_131 = arith.constant 32 : i32
      %scan3A_132 = arith.addi %scan3A_130, %scan3A_131 : i32
      %scan3A_133 = arith.constant 1 : i32
      scf.for %scan3A_174 = %scan3A_130 to %scan3A_132 step %scan3A_133  : i32 {
        %mul3A_175 = arith.constant 16 : i32
        %mul3A_176 = arith.muli %mul3A_175, %scan3A_174 : i32
        %get3A = arith.constant 0 : i32
        %get3A_177 = arith.index_cast %get3A : i32 to index
        %get3A_178 = arith.index_cast %mul3A_176 : i32 to index
        %get3A_179 = tpu.vector_load %arg8[%get3A_177, %get3A_178] {strides = array<i32>} : memref<32x513xf32, #tpu.memory_space<vmem>>, vector<16xf32>,
        %mul3A_180 = arith.constant 16 : i32
        %mul3A_181 = arith.muli %mul3A_180, %scan3A_174 : i32
        %swap3A = arith.constant 0 : i32
        %swap3A_182 = arith.index_cast %swap3A : i32 to index
        %swap3A_183 = arith.index_cast %mul3A_181 : i32 to index
        %swap3A_184 = tpu.vector_load %arg9[%swap3A_182, %swap3A_183] {strides = array<i32>} : memref<32x512xf32, #tpu.memory_space<vmem>>, vector<16xf32>,
        tpu.vector_store %arg9[%swap3A_182, %swap3A_183], %get3A_179 {strides = array<i32>} : memref<32x512xf32, #tpu.memory_space<vmem>>, vector<16xf32>,
        %mul3A_185 = arith.constant 16 : i32
        %mul3A_186 = arith.muli %mul3A_185, %scan3A_174 : i32
        %get3A_187 = arith.constant 1 : i32
        %get3A_188 = arith.index_cast %get3A_187 : i32 to index
        %get3A_189 = arith.index_cast %mul3A_186 : i32 to index
        %get3A_190 = tpu.vector_load %arg8[%get3A_188, %get3A_189] {strides = array<i32>} : memref<32x513xf32, #tpu.memory_space<vmem>>, vector<16xf32>,
        %mul3A_191 = arith.constant 16 : i32
        %mul3A_192 = arith.muli %mul3A_191, %scan3A_174 : i32
        %swap3A_193 = arith.constant 1 : i32
        %swap3A_194 = arith.index_cast %swap3A_193 : i32 to index
        %swap3A_195 = arith.index_cast %mul3A_192 : i32 to index
        %swap3A_196 = tpu.vector_load %arg9[%swap3A_194, %swap3A_195] {strides = array<i32>} : memref<32x512xf32, #tpu.memory_space<vmem>>, vector<16xf32>,
        tpu.vector_store %arg9[%swap3A_194, %swap3A_195], %get3A_190 {strides = array<i32>} : memref<32x512xf32, #tpu.memory_space<vmem>>, vector<16xf32>,
        %mul3A_197 = arith.constant 16 : i32
        %mul3A_198 = arith.muli %mul3A_197, %scan3A_174 : i32
        %get3A_199 = arith.constant 2 : i32
        %get3A_200 = arith.index_cast %get3A_199 : i32 to index
        %get3A_201 = arith.index_cast %mul3A_198 : i32 to index
        %get3A_202 = tpu.vector_load %arg8[%get3A_200, %get3A_201] {strides = array<i32>} : memref<32x513xf32, #tpu.memory_space<vmem>>, vector<16xf32>,
        %mul3A_203 = arith.constant 16 : i32
        %mul3A_204 = arith.muli %mul3A_203, %scan3A_174 : i32
        %swap3A_205 = arith.constant 2 : i32
        %swap3A_206 = arith.index_cast %swap3A_205 : i32 to index
        %swap3A_207 = arith.index_cast %mul3A_204 : i32 to index
        %swap3A_208 = tpu.vector_load %arg9[%swap3A_206, %swap3A_207] {strides = array<i32>} : memref<32x512xf32, #tpu.memory_space<vmem>>, vector<16xf32>,
        tpu.vector_store %arg9[%swap3A_206, %swap3A_207], %get3A_202 {strides = array<i32>} : memref<32x512xf32, #tpu.memory_space<vmem>>, vector<16xf32>,
        %mul3A_209 = arith.constant 16 : i32
        %mul3A_210 = arith.muli %mul3A_209, %scan3A_174 : i32
        %get3A_211 = arith.constant 3 : i32
        %get3A_212 = arith.index_cast %get3A_211 : i32 to index
        %get3A_213 = arith.index_cast %mul3A_210 : i32 to index
        %get3A_214 = tpu.vector_load %arg8[%get3A_212, %get3A_213] {strides = array<i32>} : memref<32x513xf32, #tpu.memory_space<vmem>>, vector<16xf32>,
        %mul3A_215 = arith.constant 16 : i32
        %mul3A_216 = arith.muli %mul3A_215, %scan3A_174 : i32
        %swap3A_217 = arith.constant 3 : i32
        %swap3A_218 = arith.index_cast %swap3A_217 : i32 to index
        %swap3A_219 = arith.index_cast %mul3A_216 : i32 to index
        %swap3A_220 = tpu.vector_load %arg9[%swap3A_218, %swap3A_219] {strides = array<i32>} : memref<32x512xf32, #tpu.memory_space<vmem>>, vector<16xf32>,
        tpu.vector_store %arg9[%swap3A_218, %swap3A_219], %get3A_214 {strides = array<i32>} : memref<32x512xf32, #tpu.memory_space<vmem>>, vector<16xf32>,
        %mul3A_221 = arith.constant 16 : i32
        %mul3A_222 = arith.muli %mul3A_221, %scan3A_174 : i32
        %get3A_223 = arith.constant 4 : i32
        %get3A_224 = arith.index_cast %get3A_223 : i32 to index
        %get3A_225 = arith.index_cast %mul3A_222 : i32 to index
        %get3A_226 = tpu.vector_load %arg8[%get3A_224, %get3A_225] {strides = array<i32>} : memref<32x513xf32, #tpu.memory_space<vmem>>, vector<16xf32>,
        %mul3A_227 = arith.constant 16 : i32
        %mul3A_228 = arith.muli %mul3A_227, %scan3A_174 : i32
        %swap3A_229 = arith.constant 4 : i32
        %swap3A_230 = arith.index_cast %swap3A_229 : i32 to index
        %swap3A_231 = arith.index_cast %mul3A_228 : i32 to index
        %swap3A_232 = tpu.vector_load %arg9[%swap3A_230, %swap3A_231] {strides = array<i32>} : memref<32x512xf32, #tpu.memory_space<vmem>>, vector<16xf32>,
        tpu.vector_store %arg9[%swap3A_230, %swap3A_231], %get3A_226 {strides = array<i32>} : memref<32x512xf32, #tpu.memory_space<vmem>>, vector<16xf32>,
        %mul3A_233 = arith.constant 16 : i32
        %mul3A_234 = arith.muli %mul3A_233, %scan3A_174 : i32
        %get3A_235 = arith.constant 5 : i32
        %get3A_236 = arith.index_cast %get3A_235 : i32 to index
        %get3A_237 = arith.index_cast %mul3A_234 : i32 to index
        %get3A_238 = tpu.vector_load %arg8[%get3A_236, %get3A_237] {strides = array<i32>} : memref<32x513xf32, #tpu.memory_space<vmem>>, vector<16xf32>,
        %mul3A_239 = arith.constant 16 : i32
        %mul3A_240 = arith.muli %mul3A_239, %scan3A_174 : i32
        %swap3A_241 = arith.constant 5 : i32
        %swap3A_242 = arith.index_cast %swap3A_241 : i32 to index
        %swap3A_243 = arith.index_cast %mul3A_240 : i32 to index
        %swap3A_244 = tpu.vector_load %arg9[%swap3A_242, %swap3A_243] {strides = array<i32>} : memref<32x512xf32, #tpu.memory_space<vmem>>, vector<16xf32>,
        tpu.vector_store %arg9[%swap3A_242, %swap3A_243], %get3A_238 {strides = array<i32>} : memref<32x512xf32, #tpu.memory_space<vmem>>, vector<16xf32>,
        %mul3A_245 = arith.constant 16 : i32
        %mul3A_246 = arith.muli %mul3A_245, %scan3A_174 : i32
        %get3A_247 = arith.constant 6 : i32
        %get3A_248 = arith.index_cast %get3A_247 : i32 to index
        %get3A_249 = arith.index_cast %mul3A_246 : i32 to index
        %get3A_250 = tpu.vector_load %arg8[%get3A_248, %get3A_249] {strides = array<i32>} : memref<32x513xf32, #tpu.memory_space<vmem>>, vector<16xf32>,
        %mul3A_251 = arith.constant 16 : i32
        %mul3A_252 = arith.muli %mul3A_251, %scan3A_174 : i32
        %swap3A_253 = arith.constant 6 : i32
        %swap3A_254 = arith.index_cast %swap3A_253 : i32 to index
        %swap3A_255 = arith.index_cast %mul3A_252 : i32 to index
        %swap3A_256 = tpu.vector_load %arg9[%swap3A_254, %swap3A_255] {strides = array<i32>} : memref<32x512xf32, #tpu.memory_space<vmem>>, vector<16xf32>,
        tpu.vector_store %arg9[%swap3A_254, %swap3A_255], %get3A_250 {strides = array<i32>} : memref<32x512xf32, #tpu.memory_space<vmem>>, vector<16xf32>,
        %mul3A_257 = arith.constant 16 : i32
        %mul3A_258 = arith.muli %mul3A_257, %scan3A_174 : i32
        %get3A_259 = arith.constant 7 : i32
        %get3A_260 = arith.index_cast %get3A_259 : i32 to index
        %get3A_261 = arith.index_cast %mul3A_258 : i32 to index
        %get3A_262 = tpu.vector_load %arg8[%get3A_260, %get3A_261] {strides = array<i32>} : memref<32x513xf32, #tpu.memory_space<vmem>>, vector<16xf32>,
        %mul3A_263 = arith.constant 16 : i32
        %mul3A_264 = arith.muli %mul3A_263, %scan3A_174 : i32
        %swap3A_265 = arith.constant 7 : i32
        %swap3A_266 = arith.index_cast %swap3A_265 : i32 to index
        %swap3A_267 = arith.index_cast %mul3A_264 : i32 to index
        %swap3A_268 = tpu.vector_load %arg9[%swap3A_266, %swap3A_267] {strides = array<i32>} : memref<32x512xf32, #tpu.memory_space<vmem>>, vector<16xf32>,
        tpu.vector_store %arg9[%swap3A_266, %swap3A_267], %get3A_262 {strides = array<i32>} : memref<32x512xf32, #tpu.memory_space<vmem>>, vector<16xf32>,
        %mul3A_269 = arith.constant 16 : i32
        %mul3A_270 = arith.muli %mul3A_269, %scan3A_174 : i32
        %get3A_271 = arith.constant 8 : i32
        %get3A_272 = arith.index_cast %get3A_271 : i32 to index
        %get3A_273 = arith.index_cast %mul3A_270 : i32 to index
        %get3A_274 = tpu.vector_load %arg8[%get3A_272, %get3A_273] {strides = array<i32>} : memref<32x513xf32, #tpu.memory_space<vmem>>, vector<16xf32>,
        %mul3A_275 = arith.constant 16 : i32
        %mul3A_276 = arith.muli %mul3A_275, %scan3A_174 : i32
        %swap3A_277 = arith.constant 8 : i32
        %swap3A_278 = arith.index_cast %swap3A_277 : i32 to index
        %swap3A_279 = arith.index_cast %mul3A_276 : i32 to index
        %swap3A_280 = tpu.vector_load %arg9[%swap3A_278, %swap3A_279] {strides = array<i32>} : memref<32x512xf32, #tpu.memory_space<vmem>>, vector<16xf32>,
        tpu.vector_store %arg9[%swap3A_278, %swap3A_279], %get3A_274 {strides = array<i32>} : memref<32x512xf32, #tpu.memory_space<vmem>>, vector<16xf32>,
        %mul3A_281 = arith.constant 16 : i32
        %mul3A_282 = arith.muli %mul3A_281, %scan3A_174 : i32
        %get3A_283 = arith.constant 9 : i32
        %get3A_284 = arith.index_cast %get3A_283 : i32 to index
        %get3A_285 = arith.index_cast %mul3A_282 : i32 to index
        %get3A_286 = tpu.vector_load %arg8[%get3A_284, %get3A_285] {strides = array<i32>} : memref<32x513xf32, #tpu.memory_space<vmem>>, vector<16xf32>,
        %mul3A_287 = arith.constant 16 : i32
        %mul3A_288 = arith.muli %mul3A_287, %scan3A_174 : i32
        %swap3A_289 = arith.constant 9 : i32
        %swap3A_290 = arith.index_cast %swap3A_289 : i32 to index
        %swap3A_291 = arith.index_cast %mul3A_288 : i32 to index
        %swap3A_292 = tpu.vector_load %arg9[%swap3A_290, %swap3A_291] {strides = array<i32>} : memref<32x512xf32, #tpu.memory_space<vmem>>, vector<16xf32>,
        tpu.vector_store %arg9[%swap3A_290, %swap3A_291], %get3A_286 {strides = array<i32>} : memref<32x512xf32, #tpu.memory_space<vmem>>, vector<16xf32>,
        %mul3A_293 = arith.constant 16 : i32
        %mul3A_294 = arith.muli %mul3A_293, %scan3A_174 : i32
        %get3A_295 = arith.constant 10 : i32
        %get3A_296 = arith.index_cast %get3A_295 : i32 to index
        %get3A_297 = arith.index_cast %mul3A_294 : i32 to index
        %get3A_298 = tpu.vector_load %arg8[%get3A_296, %get3A_297] {strides = array<i32>} : memref<32x513xf32, #tpu.memory_space<vmem>>, vector<16xf32>,
        %mul3A_299 = arith.constant 16 : i32
        %mul3A_300 = arith.muli %mul3A_299, %scan3A_174 : i32
        %swap3A_301 = arith.constant 10 : i32
        %swap3A_302 = arith.index_cast %swap3A_301 : i32 to index
        %swap3A_303 = arith.index_cast %mul3A_300 : i32 to index
        %swap3A_304 = tpu.vector_load %arg9[%swap3A_302, %swap3A_303] {strides = array<i32>} : memref<32x512xf32, #tpu.memory_space<vmem>>, vector<16xf32>,
        tpu.vector_store %arg9[%swap3A_302, %swap3A_303], %get3A_298 {strides = array<i32>} : memref<32x512xf32, #tpu.memory_space<vmem>>, vector<16xf32>,
        %mul3A_305 = arith.constant 16 : i32
        %mul3A_306 = arith.muli %mul3A_305, %scan3A_174 : i32
        %get3A_307 = arith.constant 11 : i32
        %get3A_308 = arith.index_cast %get3A_307 : i32 to index
        %get3A_309 = arith.index_cast %mul3A_306 : i32 to index
        %get3A_310 = tpu.vector_load %arg8[%get3A_308, %get3A_309] {strides = array<i32>} : memref<32x513xf32, #tpu.memory_space<vmem>>, vector<16xf32>,
        %mul3A_311 = arith.constant 16 : i32
        %mul3A_312 = arith.muli %mul3A_311, %scan3A_174 : i32
        %swap3A_313 = arith.constant 11 : i32
        %swap3A_314 = arith.index_cast %swap3A_313 : i32 to index
        %swap3A_315 = arith.index_cast %mul3A_312 : i32 to index
        %swap3A_316 = tpu.vector_load %arg9[%swap3A_314, %swap3A_315] {strides = array<i32>} : memref<32x512xf32, #tpu.memory_space<vmem>>, vector<16xf32>,
        tpu.vector_store %arg9[%swap3A_314, %swap3A_315], %get3A_310 {strides = array<i32>} : memref<32x512xf32, #tpu.memory_space<vmem>>, vector<16xf32>,
        %mul3A_317 = arith.constant 16 : i32
        %mul3A_318 = arith.muli %mul3A_317, %scan3A_174 : i32
        %get3A_319 = arith.constant 12 : i32
        %get3A_320 = arith.index_cast %get3A_319 : i32 to index
        %get3A_321 = arith.index_cast %mul3A_318 : i32 to index
        %get3A_322 = tpu.vector_load %arg8[%get3A_320, %get3A_321] {strides = array<i32>} : memref<32x513xf32, #tpu.memory_space<vmem>>, vector<16xf32>,
        %mul3A_323 = arith.constant 16 : i32
        %mul3A_324 = arith.muli %mul3A_323, %scan3A_174 : i32
        %swap3A_325 = arith.constant 12 : i32
        %swap3A_326 = arith.index_cast %swap3A_325 : i32 to index
        %swap3A_327 = arith.index_cast %mul3A_324 : i32 to index
        %swap3A_328 = tpu.vector_load %arg9[%swap3A_326, %swap3A_327] {strides = array<i32>} : memref<32x512xf32, #tpu.memory_space<vmem>>, vector<16xf32>,
        tpu.vector_store %arg9[%swap3A_326, %swap3A_327], %get3A_322 {strides = array<i32>} : memref<32x512xf32, #tpu.memory_space<vmem>>, vector<16xf32>,
        %mul3A_329 = arith.constant 16 : i32
        %mul3A_330 = arith.muli %mul3A_329, %scan3A_174 : i32
        %get3A_331 = arith.constant 13 : i32
        %get3A_332 = arith.index_cast %get3A_331 : i32 to index
        %get3A_333 = arith.index_cast %mul3A_330 : i32 to index
        %get3A_334 = tpu.vector_load %arg8[%get3A_332, %get3A_333] {strides = array<i32>} : memref<32x513xf32, #tpu.memory_space<vmem>>, vector<16xf32>,
        %mul3A_335 = arith.constant 16 : i32
        %mul3A_336 = arith.muli %mul3A_335, %scan3A_174 : i32
        %swap3A_337 = arith.constant 13 : i32
        %swap3A_338 = arith.index_cast %swap3A_337 : i32 to index
        %swap3A_339 = arith.index_cast %mul3A_336 : i32 to index
        %swap3A_340 = tpu.vector_load %arg9[%swap3A_338, %swap3A_339] {strides = array<i32>} : memref<32x512xf32, #tpu.memory_space<vmem>>, vector<16xf32>,
        tpu.vector_store %arg9[%swap3A_338, %swap3A_339], %get3A_334 {strides = array<i32>} : memref<32x512xf32, #tpu.memory_space<vmem>>, vector<16xf32>,
        %mul3A_341 = arith.constant 16 : i32
        %mul3A_342 = arith.muli %mul3A_341, %scan3A_174 : i32
        %get3A_343 = arith.constant 14 : i32
        %get3A_344 = arith.index_cast %get3A_343 : i32 to index
        %get3A_345 = arith.index_cast %mul3A_342 : i32 to index
        %get3A_346 = tpu.vector_load %arg8[%get3A_344, %get3A_345] {strides = array<i32>} : memref<32x513xf32, #tpu.memory_space<vmem>>, vector<16xf32>,
        %mul3A_347 = arith.constant 16 : i32
        %mul3A_348 = arith.muli %mul3A_347, %scan3A_174 : i32
        %swap3A_349 = arith.constant 14 : i32
        %swap3A_350 = arith.index_cast %swap3A_349 : i32 to index
        %swap3A_351 = arith.index_cast %mul3A_348 : i32 to index
        %swap3A_352 = tpu.vector_load %arg9[%swap3A_350, %swap3A_351] {strides = array<i32>} : memref<32x512xf32, #tpu.memory_space<vmem>>, vector<16xf32>,
        tpu.vector_store %arg9[%swap3A_350, %swap3A_351], %get3A_346 {strides = array<i32>} : memref<32x512xf32, #tpu.memory_space<vmem>>, vector<16xf32>,
        %mul3A_353 = arith.constant 16 : i32
        %mul3A_354 = arith.muli %mul3A_353, %scan3A_174 : i32
        %get3A_355 = arith.constant 15 : i32
        %get3A_356 = arith.index_cast %get3A_355 : i32 to index
        %get3A_357 = arith.index_cast %mul3A_354 : i32 to index
        %get3A_358 = tpu.vector_load %arg8[%get3A_356, %get3A_357] {strides = array<i32>} : memref<32x513xf32, #tpu.memory_space<vmem>>, vector<16xf32>,
        %mul3A_359 = arith.constant 16 : i32
        %mul3A_360 = arith.muli %mul3A_359, %scan3A_174 : i32
        %swap3A_361 = arith.constant 15 : i32
        %swap3A_362 = arith.index_cast %swap3A_361 : i32 to index
        %swap3A_363 = arith.index_cast %mul3A_360 : i32 to index
        %swap3A_364 = tpu.vector_load %arg9[%swap3A_362, %swap3A_363] {strides = array<i32>} : memref<32x512xf32, #tpu.memory_space<vmem>>, vector<16xf32>,
        tpu.vector_store %arg9[%swap3A_362, %swap3A_363], %get3A_358 {strides = array<i32>} : memref<32x512xf32, #tpu.memory_space<vmem>>, vector<16xf32>,
        %mul3A_365 = arith.constant 16 : i32
        %mul3A_366 = arith.muli %mul3A_365, %scan3A_174 : i32
        %get3A_367 = arith.constant 16 : i32
        %get3A_368 = arith.index_cast %get3A_367 : i32 to index
        %get3A_369 = arith.index_cast %mul3A_366 : i32 to index
        %get3A_370 = tpu.vector_load %arg8[%get3A_368, %get3A_369] {strides = array<i32>} : memref<32x513xf32, #tpu.memory_space<vmem>>, vector<16xf32>,
        %mul3A_371 = arith.constant 16 : i32
        %mul3A_372 = arith.muli %mul3A_371, %scan3A_174 : i32
        %swap3A_373 = arith.constant 16 : i32
        %swap3A_374 = arith.index_cast %swap3A_373 : i32 to index
        %swap3A_375 = arith.index_cast %mul3A_372 : i32 to index
        %swap3A_376 = tpu.vector_load %arg9[%swap3A_374, %swap3A_375] {strides = array<i32>} : memref<32x512xf32, #tpu.memory_space<vmem>>, vector<16xf32>,
        tpu.vector_store %arg9[%swap3A_374, %swap3A_375], %get3A_370 {strides = array<i32>} : memref<32x512xf32, #tpu.memory_space<vmem>>, vector<16xf32>,
        %mul3A_377 = arith.constant 16 : i32
        %mul3A_378 = arith.muli %mul3A_377, %scan3A_174 : i32
        %get3A_379 = arith.constant 17 : i32
        %get3A_380 = arith.index_cast %get3A_379 : i32 to index
        %get3A_381 = arith.index_cast %mul3A_378 : i32 to index
        %get3A_382 = tpu.vector_load %arg8[%get3A_380, %get3A_381] {strides = array<i32>} : memref<32x513xf32, #tpu.memory_space<vmem>>, vector<16xf32>,
        %mul3A_383 = arith.constant 16 : i32
        %mul3A_384 = arith.muli %mul3A_383, %scan3A_174 : i32
        %swap3A_385 = arith.constant 17 : i32
        %swap3A_386 = arith.index_cast %swap3A_385 : i32 to index
        %swap3A_387 = arith.index_cast %mul3A_384 : i32 to index
        %swap3A_388 = tpu.vector_load %arg9[%swap3A_386, %swap3A_387] {strides = array<i32>} : memref<32x512xf32, #tpu.memory_space<vmem>>, vector<16xf32>,
        tpu.vector_store %arg9[%swap3A_386, %swap3A_387], %get3A_382 {strides = array<i32>} : memref<32x512xf32, #tpu.memory_space<vmem>>, vector<16xf32>,
        %mul3A_389 = arith.constant 16 : i32
        %mul3A_390 = arith.muli %mul3A_389, %scan3A_174 : i32
        %get3A_391 = arith.constant 18 : i32
        %get3A_392 = arith.index_cast %get3A_391 : i32 to index
        %get3A_393 = arith.index_cast %mul3A_390 : i32 to index
        %get3A_394 = tpu.vector_load %arg8[%get3A_392, %get3A_393] {strides = array<i32>} : memref<32x513xf32, #tpu.memory_space<vmem>>, vector<16xf32>,
        %mul3A_395 = arith.constant 16 : i32
        %mul3A_396 = arith.muli %mul3A_395, %scan3A_174 : i32
        %swap3A_397 = arith.constant 18 : i32
        %swap3A_398 = arith.index_cast %swap3A_397 : i32 to index
        %swap3A_399 = arith.index_cast %mul3A_396 : i32 to index
        %swap3A_400 = tpu.vector_load %arg9[%swap3A_398, %swap3A_399] {strides = array<i32>} : memref<32x512xf32, #tpu.memory_space<vmem>>, vector<16xf32>,
        tpu.vector_store %arg9[%swap3A_398, %swap3A_399], %get3A_394 {strides = array<i32>} : memref<32x512xf32, #tpu.memory_space<vmem>>, vector<16xf32>,
        %mul3A_401 = arith.constant 16 : i32
        %mul3A_402 = arith.muli %mul3A_401, %scan3A_174 : i32
        %get3A_403 = arith.constant 19 : i32
        %get3A_404 = arith.index_cast %get3A_403 : i32 to index
        %get3A_405 = arith.index_cast %mul3A_402 : i32 to index
        %get3A_406 = tpu.vector_load %arg8[%get3A_404, %get3A_405] {strides = array<i32>} : memref<32x513xf32, #tpu.memory_space<vmem>>, vector<16xf32>,
        %mul3A_407 = arith.constant 16 : i32
        %mul3A_408 = arith.muli %mul3A_407, %scan3A_174 : i32
        %swap3A_409 = arith.constant 19 : i32
        %swap3A_410 = arith.index_cast %swap3A_409 : i32 to index
        %swap3A_411 = arith.index_cast %mul3A_408 : i32 to index
        %swap3A_412 = tpu.vector_load %arg9[%swap3A_410, %swap3A_411] {strides = array<i32>} : memref<32x512xf32, #tpu.memory_space<vmem>>, vector<16xf32>,
        tpu.vector_store %arg9[%swap3A_410, %swap3A_411], %get3A_406 {strides = array<i32>} : memref<32x512xf32, #tpu.memory_space<vmem>>, vector<16xf32>,
        %mul3A_413 = arith.constant 16 : i32
        %mul3A_414 = arith.muli %mul3A_413, %scan3A_174 : i32
        %get3A_415 = arith.constant 20 : i32
        %get3A_416 = arith.index_cast %get3A_415 : i32 to index
        %get3A_417 = arith.index_cast %mul3A_414 : i32 to index
        %get3A_418 = tpu.vector_load %arg8[%get3A_416, %get3A_417] {strides = array<i32>} : memref<32x513xf32, #tpu.memory_space<vmem>>, vector<16xf32>,
        %mul3A_419 = arith.constant 16 : i32
        %mul3A_420 = arith.muli %mul3A_419, %scan3A_174 : i32
        %swap3A_421 = arith.constant 20 : i32
        %swap3A_422 = arith.index_cast %swap3A_421 : i32 to index
        %swap3A_423 = arith.index_cast %mul3A_420 : i32 to index
        %swap3A_424 = tpu.vector_load %arg9[%swap3A_422, %swap3A_423] {strides = array<i32>} : memref<32x512xf32, #tpu.memory_space<vmem>>, vector<16xf32>,
        tpu.vector_store %arg9[%swap3A_422, %swap3A_423], %get3A_418 {strides = array<i32>} : memref<32x512xf32, #tpu.memory_space<vmem>>, vector<16xf32>,
        %mul3A_425 = arith.constant 16 : i32
        %mul3A_426 = arith.muli %mul3A_425, %scan3A_174 : i32
        %get3A_427 = arith.constant 21 : i32
        %get3A_428 = arith.index_cast %get3A_427 : i32 to index
        %get3A_429 = arith.index_cast %mul3A_426 : i32 to index
        %get3A_430 = tpu.vector_load %arg8[%get3A_428, %get3A_429] {strides = array<i32>} : memref<32x513xf32, #tpu.memory_space<vmem>>, vector<16xf32>,
        %mul3A_431 = arith.constant 16 : i32
        %mul3A_432 = arith.muli %mul3A_431, %scan3A_174 : i32
        %swap3A_433 = arith.constant 21 : i32
        %swap3A_434 = arith.index_cast %swap3A_433 : i32 to index
        %swap3A_435 = arith.index_cast %mul3A_432 : i32 to index
        %swap3A_436 = tpu.vector_load %arg9[%swap3A_434, %swap3A_435] {strides = array<i32>} : memref<32x512xf32, #tpu.memory_space<vmem>>, vector<16xf32>,
        tpu.vector_store %arg9[%swap3A_434, %swap3A_435], %get3A_430 {strides = array<i32>} : memref<32x512xf32, #tpu.memory_space<vmem>>, vector<16xf32>,
        %mul3A_437 = arith.constant 16 : i32
        %mul3A_438 = arith.muli %mul3A_437, %scan3A_174 : i32
        %get3A_439 = arith.constant 22 : i32
        %get3A_440 = arith.index_cast %get3A_439 : i32 to index
        %get3A_441 = arith.index_cast %mul3A_438 : i32 to index
        %get3A_442 = tpu.vector_load %arg8[%get3A_440, %get3A_441] {strides = array<i32>} : memref<32x513xf32, #tpu.memory_space<vmem>>, vector<16xf32>,
        %mul3A_443 = arith.constant 16 : i32
        %mul3A_444 = arith.muli %mul3A_443, %scan3A_174 : i32
        %swap3A_445 = arith.constant 22 : i32
        %swap3A_446 = arith.index_cast %swap3A_445 : i32 to index
        %swap3A_447 = arith.index_cast %mul3A_444 : i32 to index
        %swap3A_448 = tpu.vector_load %arg9[%swap3A_446, %swap3A_447] {strides = array<i32>} : memref<32x512xf32, #tpu.memory_space<vmem>>, vector<16xf32>,
        tpu.vector_store %arg9[%swap3A_446, %swap3A_447], %get3A_442 {strides = array<i32>} : memref<32x512xf32, #tpu.memory_space<vmem>>, vector<16xf32>,
        %mul3A_449 = arith.constant 16 : i32
        %mul3A_450 = arith.muli %mul3A_449, %scan3A_174 : i32
        %get3A_451 = arith.constant 23 : i32
        %get3A_452 = arith.index_cast %get3A_451 : i32 to index
        %get3A_453 = arith.index_cast %mul3A_450 : i32 to index
        %get3A_454 = tpu.vector_load %arg8[%get3A_452, %get3A_453] {strides = array<i32>} : memref<32x513xf32, #tpu.memory_space<vmem>>, vector<16xf32>,
        %mul3A_455 = arith.constant 16 : i32
        %mul3A_456 = arith.muli %mul3A_455, %scan3A_174 : i32
        %swap3A_457 = arith.constant 23 : i32
        %swap3A_458 = arith.index_cast %swap3A_457 : i32 to index
        %swap3A_459 = arith.index_cast %mul3A_456 : i32 to index
        %swap3A_460 = tpu.vector_load %arg9[%swap3A_458, %swap3A_459] {strides = array<i32>} : memref<32x512xf32, #tpu.memory_space<vmem>>, vector<16xf32>,
        tpu.vector_store %arg9[%swap3A_458, %swap3A_459], %get3A_454 {strides = array<i32>} : memref<32x512xf32, #tpu.memory_space<vmem>>, vector<16xf32>,
        %mul3A_461 = arith.constant 16 : i32
        %mul3A_462 = arith.muli %mul3A_461, %scan3A_174 : i32
        %get3A_463 = arith.constant 24 : i32
        %get3A_464 = arith.index_cast %get3A_463 : i32 to index
        %get3A_465 = arith.index_cast %mul3A_462 : i32 to index
        %get3A_466 = tpu.vector_load %arg8[%get3A_464, %get3A_465] {strides = array<i32>} : memref<32x513xf32, #tpu.memory_space<vmem>>, vector<16xf32>,
        %mul3A_467 = arith.constant 16 : i32
        %mul3A_468 = arith.muli %mul3A_467, %scan3A_174 : i32
        %swap3A_469 = arith.constant 24 : i32
        %swap3A_470 = arith.index_cast %swap3A_469 : i32 to index
        %swap3A_471 = arith.index_cast %mul3A_468 : i32 to index
        %swap3A_472 = tpu.vector_load %arg9[%swap3A_470, %swap3A_471] {strides = array<i32>} : memref<32x512xf32, #tpu.memory_space<vmem>>, vector<16xf32>,
        tpu.vector_store %arg9[%swap3A_470, %swap3A_471], %get3A_466 {strides = array<i32>} : memref<32x512xf32, #tpu.memory_space<vmem>>, vector<16xf32>,
        %mul3A_473 = arith.constant 16 : i32
        %mul3A_474 = arith.muli %mul3A_473, %scan3A_174 : i32
        %get3A_475 = arith.constant 25 : i32
        %get3A_476 = arith.index_cast %get3A_475 : i32 to index
        %get3A_477 = arith.index_cast %mul3A_474 : i32 to index
        %get3A_478 = tpu.vector_load %arg8[%get3A_476, %get3A_477] {strides = array<i32>} : memref<32x513xf32, #tpu.memory_space<vmem>>, vector<16xf32>,
        %mul3A_479 = arith.constant 16 : i32
        %mul3A_480 = arith.muli %mul3A_479, %scan3A_174 : i32
        %swap3A_481 = arith.constant 25 : i32
        %swap3A_482 = arith.index_cast %swap3A_481 : i32 to index
        %swap3A_483 = arith.index_cast %mul3A_480 : i32 to index
        %swap3A_484 = tpu.vector_load %arg9[%swap3A_482, %swap3A_483] {strides = array<i32>} : memref<32x512xf32, #tpu.memory_space<vmem>>, vector<16xf32>,
        tpu.vector_store %arg9[%swap3A_482, %swap3A_483], %get3A_478 {strides = array<i32>} : memref<32x512xf32, #tpu.memory_space<vmem>>, vector<16xf32>,
        %mul3A_485 = arith.constant 16 : i32
        %mul3A_486 = arith.muli %mul3A_485, %scan3A_174 : i32
        %get3A_487 = arith.constant 26 : i32
        %get3A_488 = arith.index_cast %get3A_487 : i32 to index
        %get3A_489 = arith.index_cast %mul3A_486 : i32 to index
        %get3A_490 = tpu.vector_load %arg8[%get3A_488, %get3A_489] {strides = array<i32>} : memref<32x513xf32, #tpu.memory_space<vmem>>, vector<16xf32>,
        %mul3A_491 = arith.constant 16 : i32
        %mul3A_492 = arith.muli %mul3A_491, %scan3A_174 : i32
        %swap3A_493 = arith.constant 26 : i32
        %swap3A_494 = arith.index_cast %swap3A_493 : i32 to index
        %swap3A_495 = arith.index_cast %mul3A_492 : i32 to index
        %swap3A_496 = tpu.vector_load %arg9[%swap3A_494, %swap3A_495] {strides = array<i32>} : memref<32x512xf32, #tpu.memory_space<vmem>>, vector<16xf32>,
        tpu.vector_store %arg9[%swap3A_494, %swap3A_495], %get3A_490 {strides = array<i32>} : memref<32x512xf32, #tpu.memory_space<vmem>>, vector<16xf32>,
        %mul3A_497 = arith.constant 16 : i32
        %mul3A_498 = arith.muli %mul3A_497, %scan3A_174 : i32
        %get3A_499 = arith.constant 27 : i32
        %get3A_500 = arith.index_cast %get3A_499 : i32 to index
        %get3A_501 = arith.index_cast %mul3A_498 : i32 to index
        %get3A_502 = tpu.vector_load %arg8[%get3A_500, %get3A_501] {strides = array<i32>} : memref<32x513xf32, #tpu.memory_space<vmem>>, vector<16xf32>,
        %mul3A_503 = arith.constant 16 : i32
        %mul3A_504 = arith.muli %mul3A_503, %scan3A_174 : i32
        %swap3A_505 = arith.constant 27 : i32
        %swap3A_506 = arith.index_cast %swap3A_505 : i32 to index
        %swap3A_507 = arith.index_cast %mul3A_504 : i32 to index
        %swap3A_508 = tpu.vector_load %arg9[%swap3A_506, %swap3A_507] {strides = array<i32>} : memref<32x512xf32, #tpu.memory_space<vmem>>, vector<16xf32>,
        tpu.vector_store %arg9[%swap3A_506, %swap3A_507], %get3A_502 {strides = array<i32>} : memref<32x512xf32, #tpu.memory_space<vmem>>, vector<16xf32>,
        %mul3A_509 = arith.constant 16 : i32
        %mul3A_510 = arith.muli %mul3A_509, %scan3A_174 : i32
        %get3A_511 = arith.constant 28 : i32
        %get3A_512 = arith.index_cast %get3A_511 : i32 to index
        %get3A_513 = arith.index_cast %mul3A_510 : i32 to index
        %get3A_514 = tpu.vector_load %arg8[%get3A_512, %get3A_513] {strides = array<i32>} : memref<32x513xf32, #tpu.memory_space<vmem>>, vector<16xf32>,
        %mul3A_515 = arith.constant 16 : i32
        %mul3A_516 = arith.muli %mul3A_515, %scan3A_174 : i32
        %swap3A_517 = arith.constant 28 : i32
        %swap3A_518 = arith.index_cast %swap3A_517 : i32 to index
        %swap3A_519 = arith.index_cast %mul3A_516 : i32 to index
        %swap3A_520 = tpu.vector_load %arg9[%swap3A_518, %swap3A_519] {strides = array<i32>} : memref<32x512xf32, #tpu.memory_space<vmem>>, vector<16xf32>,
        tpu.vector_store %arg9[%swap3A_518, %swap3A_519], %get3A_514 {strides = array<i32>} : memref<32x512xf32, #tpu.memory_space<vmem>>, vector<16xf32>,
        %mul3A_521 = arith.constant 16 : i32
        %mul3A_522 = arith.muli %mul3A_521, %scan3A_174 : i32
        %get3A_523 = arith.constant 29 : i32
        %get3A_524 = arith.index_cast %get3A_523 : i32 to index
        %get3A_525 = arith.index_cast %mul3A_522 : i32 to index
        %get3A_526 = tpu.vector_load %arg8[%get3A_524, %get3A_525] {strides = array<i32>} : memref<32x513xf32, #tpu.memory_space<vmem>>, vector<16xf32>,
        %mul3A_527 = arith.constant 16 : i32
        %mul3A_528 = arith.muli %mul3A_527, %scan3A_174 : i32
        %swap3A_529 = arith.constant 29 : i32
        %swap3A_530 = arith.index_cast %swap3A_529 : i32 to index
        %swap3A_531 = arith.index_cast %mul3A_528 : i32 to index
        %swap3A_532 = tpu.vector_load %arg9[%swap3A_530, %swap3A_531] {strides = array<i32>} : memref<32x512xf32, #tpu.memory_space<vmem>>, vector<16xf32>,
        tpu.vector_store %arg9[%swap3A_530, %swap3A_531], %get3A_526 {strides = array<i32>} : memref<32x512xf32, #tpu.memory_space<vmem>>, vector<16xf32>,
        %mul3A_533 = arith.constant 16 : i32
        %mul3A_534 = arith.muli %mul3A_533, %scan3A_174 : i32
        %get3A_535 = arith.constant 30 : i32
        %get3A_536 = arith.index_cast %get3A_535 : i32 to index
        %get3A_537 = arith.index_cast %mul3A_534 : i32 to index
        %get3A_538 = tpu.vector_load %arg8[%get3A_536, %get3A_537] {strides = array<i32>} : memref<32x513xf32, #tpu.memory_space<vmem>>, vector<16xf32>,
        %mul3A_539 = arith.constant 16 : i32
        %mul3A_540 = arith.muli %mul3A_539, %scan3A_174 : i32
        %swap3A_541 = arith.constant 30 : i32
        %swap3A_542 = arith.index_cast %swap3A_541 : i32 to index
        %swap3A_543 = arith.index_cast %mul3A_540 : i32 to index
        %swap3A_544 = tpu.vector_load %arg9[%swap3A_542, %swap3A_543] {strides = array<i32>} : memref<32x512xf32, #tpu.memory_space<vmem>>, vector<16xf32>,
        tpu.vector_store %arg9[%swap3A_542, %swap3A_543], %get3A_538 {strides = array<i32>} : memref<32x512xf32, #tpu.memory_space<vmem>>, vector<16xf32>,
        %mul3A_545 = arith.constant 16 : i32
        %mul3A_546 = arith.muli %mul3A_545, %scan3A_174 : i32
        %get3A_547 = arith.constant 31 : i32
        %get3A_548 = arith.index_cast %get3A_547 : i32 to index
        %get3A_549 = arith.index_cast %mul3A_546 : i32 to index
        %get3A_550 = tpu.vector_load %arg8[%get3A_548, %get3A_549] {strides = array<i32>} : memref<32x513xf32, #tpu.memory_space<vmem>>, vector<16xf32>,
        %mul3A_551 = arith.constant 16 : i32
        %mul3A_552 = arith.muli %mul3A_551, %scan3A_174 : i32
        %swap3A_553 = arith.constant 31 : i32
        %swap3A_554 = arith.index_cast %swap3A_553 : i32 to index
        %swap3A_555 = arith.index_cast %mul3A_552 : i32 to index
        %swap3A_556 = tpu.vector_load %arg9[%swap3A_554, %swap3A_555] {strides = array<i32>} : memref<32x512xf32, #tpu.memory_space<vmem>>, vector<16xf32>,
        tpu.vector_store %arg9[%swap3A_554, %swap3A_555], %get3A_550 {strides = array<i32>} : memref<32x512xf32, #tpu.memory_space<vmem>>, vector<16xf32>,
      }
      %scan3A_134 = arith.constant 32 : i32
      %dma_start3A_135 = arith.constant 0 : i32
      %dma_start3A_136 = tpu.memref_slice %arg4[%mul3A_72, %dma_start3A_135, %mul3A_2] : memref<50x32x16384xf32, #tpu.memory_space<hbm>> -> memref<1x32x512xf32, #tpu.memory_space<hbm>>
      %dma_start3A_137 = tpu.memref_squeeze %dma_start3A_136 : memref<1x32x512xf32, #tpu.memory_space<hbm>> -> memref<32x512xf32, #tpu.memory_space<hbm>>
      %dma_start3A_138 = arith.constant 0 : i32
      %dma_start3A_139 = tpu.memref_slice %arg4[%mul3A_72, %dma_start3A_138, %mul3A_2] : memref<50x32x16384xf32, #tpu.memory_space<hbm>> -> memref<1x32x512xf32, #tpu.memory_space<hbm>>
      %dma_start3A_140 = tpu.memref_squeeze %dma_start3A_139 : memref<1x32x512xf32, #tpu.memory_space<hbm>> -> memref<32x512xf32, #tpu.memory_space<hbm>>
      tpu.enqueue_dma source(%arg9 : memref<32x512xf32, #tpu.memory_space<vmem>>) target(%dma_start3A_140 : memref<32x512xf32, #tpu.memory_space<hbm>>) target_semaphore(%arg13 : memref<!tpu.dma_semaphore, #tpu.memory_space<semaphore_mem>>)
      %dma_wait3A_141 = arith.constant 0 : i32
      %dma_wait3A_142 = arith.constant 0 : i32
      %dma_wait3A_143 = tpu.memref_slice %arg3[%dma_wait3A_141, %dma_wait3A_142] : memref<1000000x32xf32, #tpu.memory_space<hbm>> -> memref<512x32xf32, #tpu.memory_space<hbm>>
      %dma_wait3A_144 = arith.constant 0 : i32
      %dma_wait3A_145 = arith.constant 0 : i32
      %dma_wait3A_146 = tpu.memref_slice %arg3[%dma_wait3A_144, %dma_wait3A_145] : memref<1000000x32xf32, #tpu.memory_space<hbm>> -> memref<512x32xf32, #tpu.memory_space<hbm>>
      tpu.wait_dma2 semaphore(%arg12 : memref<!tpu.dma_semaphore, #tpu.memory_space<semaphore_mem>>) src(%dma_wait3A_146 : memref<512x32xf32, #tpu.memory_space<hbm>>) dst(%arg7 : memref<512x32xf32, #tpu.memory_space<vmem>>)
      %lt3A = arith.constant 24 : i32
      %lt3A_147 = arith.cmpi slt, %scan3A_70, %lt3A : i32
      %convert_element_type3A_148 = arith.extui %lt3A_147 : i1 to i32
      %cond3A_149 = arith.constant 0 : i32
      %cond3A_150 = arith.cmpi ne, %convert_element_type3A_148, %cond3A_149 : i32
      scf.if %cond3A_150 {
        %add3A_174 = arith.constant 2 : i32
        %add3A_175 = arith.addi %mul3A_72, %add3A_174 : i32
        %dma_start3A_176 = arith.constant 0 : i32
        %dma_start3A_177 = arith.constant 0 : i32
        %dma_start3A_178 = arith.constant 0 : i32
        %dma_start3A_179 = tpu.memref_slice %arg6[%dma_start3A_177, %dma_start3A_178] : memref<512x32xf32, #tpu.memory_space<vmem>> -> memref<128x32xf32, #tpu.memory_space<vmem>>
        %dma_start3A_180 = arith.constant 0 : i32
        %dma_start3A_181 = tpu.memref_slice %arg5[%add3A_175, %dma_start3A_176, %dma_start3A_180] : memref<50x4x128xi32, #tpu.memory_space<vmem>> -> memref<1x1x128xi32, #tpu.memory_space<vmem>>
        %dma_start3A_182 = tpu.memref_squeeze %dma_start3A_181 : memref<1x1x128xi32, #tpu.memory_space<vmem>> -> memref<128xi32, #tpu.memory_space<vmem>>
        %dma_start3A_183 = arith.constant 0 : i32
        %dma_start3A_184 = arith.constant 0 : i32
        %dma_start3A_185 = tpu.memref_slice %arg3[%dma_start3A_183, %dma_start3A_184] : memref<1000000x32xf32, #tpu.memory_space<hbm>> -> memref<1000000x32xf32, #tpu.memory_space<hbm>>
        tpu.enqueue_indirect_dma source(%dma_start3A_185 : memref<1000000x32xf32, #tpu.memory_space<hbm>>) target(%dma_start3A_179 : memref<128x32xf32, #tpu.memory_space<vmem>>) offsets(%dma_start3A_182 : memref<128xi32, #tpu.memory_space<vmem>>) semaphore(%arg11 : memref<!tpu.dma_semaphore, #tpu.memory_space<semaphore_mem>>)
        %dma_start3A_186 = arith.constant 1 : i32
        %dma_start3A_187 = arith.constant 128 : i32
        %dma_start3A_188 = arith.constant 0 : i32
        %dma_start3A_189 = tpu.memref_slice %arg6[%dma_start3A_187, %dma_start3A_188] : memref<512x32xf32, #tpu.memory_space<vmem>> -> memref<128x32xf32, #tpu.memory_space<vmem>>
        %dma_start3A_190 = arith.constant 0 : i32
        %dma_start3A_191 = tpu.memref_slice %arg5[%add3A_175, %dma_start3A_186, %dma_start3A_190] : memref<50x4x128xi32, #tpu.memory_space<vmem>> -> memref<1x1x128xi32, #tpu.memory_space<vmem>>
        %dma_start3A_192 = tpu.memref_squeeze %dma_start3A_191 : memref<1x1x128xi32, #tpu.memory_space<vmem>> -> memref<128xi32, #tpu.memory_space<vmem>>
        %dma_start3A_193 = arith.constant 0 : i32
        %dma_start3A_194 = arith.constant 0 : i32
        %dma_start3A_195 = tpu.memref_slice %arg3[%dma_start3A_193, %dma_start3A_194] : memref<1000000x32xf32, #tpu.memory_space<hbm>> -> memref<1000000x32xf32, #tpu.memory_space<hbm>>
        tpu.enqueue_indirect_dma source(%dma_start3A_195 : memref<1000000x32xf32, #tpu.memory_space<hbm>>) target(%dma_start3A_189 : memref<128x32xf32, #tpu.memory_space<vmem>>) offsets(%dma_start3A_192 : memref<128xi32, #tpu.memory_space<vmem>>) semaphore(%arg11 : memref<!tpu.dma_semaphore, #tpu.memory_space<semaphore_mem>>)
        %dma_start3A_196 = arith.constant 2 : i32
        %dma_start3A_197 = arith.constant 256 : i32
        %dma_start3A_198 = arith.constant 0 : i32
        %dma_start3A_199 = tpu.memref_slice %arg6[%dma_start3A_197, %dma_start3A_198] : memref<512x32xf32, #tpu.memory_space<vmem>> -> memref<128x32xf32, #tpu.memory_space<vmem>>
        %dma_start3A_200 = arith.constant 0 : i32
        %dma_start3A_201 = tpu.memref_slice %arg5[%add3A_175, %dma_start3A_196, %dma_start3A_200] : memref<50x4x128xi32, #tpu.memory_space<vmem>> -> memref<1x1x128xi32, #tpu.memory_space<vmem>>
        %dma_start3A_202 = tpu.memref_squeeze %dma_start3A_201 : memref<1x1x128xi32, #tpu.memory_space<vmem>> -> memref<128xi32, #tpu.memory_space<vmem>>
        %dma_start3A_203 = arith.constant 0 : i32
        %dma_start3A_204 = arith.constant 0 : i32
        %dma_start3A_205 = tpu.memref_slice %arg3[%dma_start3A_203, %dma_start3A_204] : memref<1000000x32xf32, #tpu.memory_space<hbm>> -> memref<1000000x32xf32, #tpu.memory_space<hbm>>
        tpu.enqueue_indirect_dma source(%dma_start3A_205 : memref<1000000x32xf32, #tpu.memory_space<hbm>>) target(%dma_start3A_199 : memref<128x32xf32, #tpu.memory_space<vmem>>) offsets(%dma_start3A_202 : memref<128xi32, #tpu.memory_space<vmem>>) semaphore(%arg11 : memref<!tpu.dma_semaphore, #tpu.memory_space<semaphore_mem>>)
        %dma_start3A_206 = arith.constant 3 : i32
        %dma_start3A_207 = arith.constant 384 : i32
        %dma_start3A_208 = arith.constant 0 : i32
        %dma_start3A_209 = tpu.memref_slice %arg6[%dma_start3A_207, %dma_start3A_208] : memref<512x32xf32, #tpu.memory_space<vmem>> -> memref<128x32xf32, #tpu.memory_space<vmem>>
        %dma_start3A_210 = arith.constant 0 : i32
        %dma_start3A_211 = tpu.memref_slice %arg5[%add3A_175, %dma_start3A_206, %dma_start3A_210] : memref<50x4x128xi32, #tpu.memory_space<vmem>> -> memref<1x1x128xi32, #tpu.memory_space<vmem>>
        %dma_start3A_212 = tpu.memref_squeeze %dma_start3A_211 : memref<1x1x128xi32, #tpu.memory_space<vmem>> -> memref<128xi32, #tpu.memory_space<vmem>>
        %dma_start3A_213 = arith.constant 0 : i32
        %dma_start3A_214 = arith.constant 0 : i32
        %dma_start3A_215 = tpu.memref_slice %arg3[%dma_start3A_213, %dma_start3A_214] : memref<1000000x32xf32, #tpu.memory_space<hbm>> -> memref<1000000x32xf32, #tpu.memory_space<hbm>>
        tpu.enqueue_indirect_dma source(%dma_start3A_215 : memref<1000000x32xf32, #tpu.memory_space<hbm>>) target(%dma_start3A_209 : memref<128x32xf32, #tpu.memory_space<vmem>>) offsets(%dma_start3A_212 : memref<128xi32, #tpu.memory_space<vmem>>) semaphore(%arg11 : memref<!tpu.dma_semaphore, #tpu.memory_space<semaphore_mem>>)
      } else {
      }
      %gt3A_151 = arith.constant 0 : i32
      %gt3A_152 = arith.cmpi sgt, %scan3A_70, %gt3A_151 : i32
      %convert_element_type3A_153 = arith.extui %gt3A_152 : i1 to i32
      %cond3A_154 = arith.constant 0 : i32
      %cond3A_155 = arith.cmpi ne, %convert_element_type3A_153, %cond3A_154 : i32
      scf.if %cond3A_155 {
        %dma_wait3A_174 = arith.constant 0 : i32
        %dma_wait3A_175 = arith.constant 0 : i32
        %dma_wait3A_176 = arith.constant 0 : i32
        %dma_wait3A_177 = tpu.memref_slice %arg4[%dma_wait3A_174, %dma_wait3A_175, %dma_wait3A_176] : memref<50x32x16384xf32, #tpu.memory_space<hbm>> -> memref<1x32x512xf32, #tpu.memory_space<hbm>>
        %dma_wait3A_178 = tpu.memref_squeeze %dma_wait3A_177 : memref<1x32x512xf32, #tpu.memory_space<hbm>> -> memref<32x512xf32, #tpu.memory_space<hbm>>
        %dma_wait3A_179 = arith.constant 0 : i32
        %dma_wait3A_180 = arith.constant 0 : i32
        %dma_wait3A_181 = tpu.memref_slice %arg4[%dma_wait3A_174, %dma_wait3A_179, %dma_wait3A_180] : memref<50x32x16384xf32, #tpu.memory_space<hbm>> -> memref<1x32x512xf32, #tpu.memory_space<hbm>>
        %dma_wait3A_182 = tpu.memref_squeeze %dma_wait3A_181 : memref<1x32x512xf32, #tpu.memory_space<hbm>> -> memref<32x512xf32, #tpu.memory_space<hbm>>
        tpu.wait_dma2 semaphore(%arg14 : memref<!tpu.dma_semaphore, #tpu.memory_space<semaphore_mem>>) src(%arg10 : memref<32x512xf32, #tpu.memory_space<vmem>>) dst(%dma_wait3A_182 : memref<32x512xf32, #tpu.memory_space<hbm>>)
      } else {
      }
      %scan3A_156 = arith.constant 0 : i32
      %scan3A_157 = arith.constant 0 : i32
      %scan3A_158 = arith.constant 64 : i32
      %scan3A_159 = arith.addi %scan3A_157, %scan3A_158 : i32
      %scan3A_160 = arith.constant 1 : i32
      scf.for %scan3A_174 = %scan3A_157 to %scan3A_159 step %scan3A_160  : i32 {
        %mul3A_175 = arith.constant 8 : i32
        %mul3A_176 = arith.muli %mul3A_175, %scan3A_174 : i32
        %add3A_177 = arith.constant 0 : i32
        %add3A_178 = arith.addi %mul3A_176, %add3A_177 : i32
        %broadcast_in_dim3A = vector.broadcast %add3A_178 : i32 to vector<16xi32>
        %get3A = arith.index_cast %add3A_178 : i32 to index
        %get3A_179 = arith.constant 0 : index
        %get3A_180 = tpu.vector_load %arg7[%get3A, %get3A_179] {strides = array<i32>} : memref<512x32xf32, #tpu.memory_space<vmem>>, vector<16xf32>,
        %get3A_181 = arith.index_cast %add3A_178 : i32 to index
        %get3A_182 = arith.constant 16 : index
        %get3A_183 = tpu.vector_load %arg7[%get3A_181, %get3A_182] {strides = array<i32>} : memref<512x32xf32, #tpu.memory_space<vmem>>, vector<16xf32>,
        tpu.vector_store_idx %arg8[%iota3A, %broadcast_in_dim3A], %get3A_180 : memref<32x513xf32, #tpu.memory_space<vmem>>[vector<16xi32>, vector<16xi32>], vector<16xf32>,
        %add3A_184 = arith.constant 16 : i32
        %add3A_185 = vector.broadcast %add3A_184 : i32 to vector<16xi32>
        %add3A_186 = arith.addi %iota3A, %add3A_185 : vector<16xi32>
        tpu.vector_store_idx %arg8[%add3A_186, %broadcast_in_dim3A], %get3A_183 : memref<32x513xf32, #tpu.memory_space<vmem>>[vector<16xi32>, vector<16xi32>], vector<16xf32>,
        %mul3A_187 = arith.constant 8 : i32
        %mul3A_188 = arith.muli %mul3A_187, %scan3A_174 : i32
        %add3A_189 = arith.constant 1 : i32
        %add3A_190 = arith.addi %mul3A_188, %add3A_189 : i32
        %broadcast_in_dim3A_191 = vector.broadcast %add3A_190 : i32 to vector<16xi32>
        %get3A_192 = arith.index_cast %add3A_190 : i32 to index
        %get3A_193 = arith.constant 0 : index
        %get3A_194 = tpu.vector_load %arg7[%get3A_192, %get3A_193] {strides = array<i32>} : memref<512x32xf32, #tpu.memory_space<vmem>>, vector<16xf32>,
        %get3A_195 = arith.index_cast %add3A_190 : i32 to index
        %get3A_196 = arith.constant 16 : index
        %get3A_197 = tpu.vector_load %arg7[%get3A_195, %get3A_196] {strides = array<i32>} : memref<512x32xf32, #tpu.memory_space<vmem>>, vector<16xf32>,
        tpu.vector_store_idx %arg8[%iota3A, %broadcast_in_dim3A_191], %get3A_194 : memref<32x513xf32, #tpu.memory_space<vmem>>[vector<16xi32>, vector<16xi32>], vector<16xf32>,
        %add3A_198 = arith.constant 16 : i32
        %add3A_199 = vector.broadcast %add3A_198 : i32 to vector<16xi32>
        %add3A_200 = arith.addi %iota3A, %add3A_199 : vector<16xi32>
        tpu.vector_store_idx %arg8[%add3A_200, %broadcast_in_dim3A_191], %get3A_197 : memref<32x513xf32, #tpu.memory_space<vmem>>[vector<16xi32>, vector<16xi32>], vector<16xf32>,
        %mul3A_201 = arith.constant 8 : i32
        %mul3A_202 = arith.muli %mul3A_201, %scan3A_174 : i32
        %add3A_203 = arith.constant 2 : i32
        %add3A_204 = arith.addi %mul3A_202, %add3A_203 : i32
        %broadcast_in_dim3A_205 = vector.broadcast %add3A_204 : i32 to vector<16xi32>
        %get3A_206 = arith.index_cast %add3A_204 : i32 to index
        %get3A_207 = arith.constant 0 : index
        %get3A_208 = tpu.vector_load %arg7[%get3A_206, %get3A_207] {strides = array<i32>} : memref<512x32xf32, #tpu.memory_space<vmem>>, vector<16xf32>,
        %get3A_209 = arith.index_cast %add3A_204 : i32 to index
        %get3A_210 = arith.constant 16 : index
        %get3A_211 = tpu.vector_load %arg7[%get3A_209, %get3A_210] {strides = array<i32>} : memref<512x32xf32, #tpu.memory_space<vmem>>, vector<16xf32>,
        tpu.vector_store_idx %arg8[%iota3A, %broadcast_in_dim3A_205], %get3A_208 : memref<32x513xf32, #tpu.memory_space<vmem>>[vector<16xi32>, vector<16xi32>], vector<16xf32>,
        %add3A_212 = arith.constant 16 : i32
        %add3A_213 = vector.broadcast %add3A_212 : i32 to vector<16xi32>
        %add3A_214 = arith.addi %iota3A, %add3A_213 : vector<16xi32>
        tpu.vector_store_idx %arg8[%add3A_214, %broadcast_in_dim3A_205], %get3A_211 : memref<32x513xf32, #tpu.memory_space<vmem>>[vector<16xi32>, vector<16xi32>], vector<16xf32>,
        %mul3A_215 = arith.constant 8 : i32
        %mul3A_216 = arith.muli %mul3A_215, %scan3A_174 : i32
        %add3A_217 = arith.constant 3 : i32
        %add3A_218 = arith.addi %mul3A_216, %add3A_217 : i32
        %broadcast_in_dim3A_219 = vector.broadcast %add3A_218 : i32 to vector<16xi32>
        %get3A_220 = arith.index_cast %add3A_218 : i32 to index
        %get3A_221 = arith.constant 0 : index
        %get3A_222 = tpu.vector_load %arg7[%get3A_220, %get3A_221] {strides = array<i32>} : memref<512x32xf32, #tpu.memory_space<vmem>>, vector<16xf32>,
        %get3A_223 = arith.index_cast %add3A_218 : i32 to index
        %get3A_224 = arith.constant 16 : index
        %get3A_225 = tpu.vector_load %arg7[%get3A_223, %get3A_224] {strides = array<i32>} : memref<512x32xf32, #tpu.memory_space<vmem>>, vector<16xf32>,
        tpu.vector_store_idx %arg8[%iota3A, %broadcast_in_dim3A_219], %get3A_222 : memref<32x513xf32, #tpu.memory_space<vmem>>[vector<16xi32>, vector<16xi32>], vector<16xf32>,
        %add3A_226 = arith.constant 16 : i32
        %add3A_227 = vector.broadcast %add3A_226 : i32 to vector<16xi32>
        %add3A_228 = arith.addi %iota3A, %add3A_227 : vector<16xi32>
        tpu.vector_store_idx %arg8[%add3A_228, %broadcast_in_dim3A_219], %get3A_225 : memref<32x513xf32, #tpu.memory_space<vmem>>[vector<16xi32>, vector<16xi32>], vector<16xf32>,
        %mul3A_229 = arith.constant 8 : i32
        %mul3A_230 = arith.muli %mul3A_229, %scan3A_174 : i32
        %add3A_231 = arith.constant 4 : i32
        %add3A_232 = arith.addi %mul3A_230, %add3A_231 : i32
        %broadcast_in_dim3A_233 = vector.broadcast %add3A_232 : i32 to vector<16xi32>
        %get3A_234 = arith.index_cast %add3A_232 : i32 to index
        %get3A_235 = arith.constant 0 : index
        %get3A_236 = tpu.vector_load %arg7[%get3A_234, %get3A_235] {strides = array<i32>} : memref<512x32xf32, #tpu.memory_space<vmem>>, vector<16xf32>,
        %get3A_237 = arith.index_cast %add3A_232 : i32 to index
        %get3A_238 = arith.constant 16 : index
        %get3A_239 = tpu.vector_load %arg7[%get3A_237, %get3A_238] {strides = array<i32>} : memref<512x32xf32, #tpu.memory_space<vmem>>, vector<16xf32>,
        tpu.vector_store_idx %arg8[%iota3A, %broadcast_in_dim3A_233], %get3A_236 : memref<32x513xf32, #tpu.memory_space<vmem>>[vector<16xi32>, vector<16xi32>], vector<16xf32>,
        %add3A_240 = arith.constant 16 : i32
        %add3A_241 = vector.broadcast %add3A_240 : i32 to vector<16xi32>
        %add3A_242 = arith.addi %iota3A, %add3A_241 : vector<16xi32>
        tpu.vector_store_idx %arg8[%add3A_242, %broadcast_in_dim3A_233], %get3A_239 : memref<32x513xf32, #tpu.memory_space<vmem>>[vector<16xi32>, vector<16xi32>], vector<16xf32>,
        %mul3A_243 = arith.constant 8 : i32
        %mul3A_244 = arith.muli %mul3A_243, %scan3A_174 : i32
        %add3A_245 = arith.constant 5 : i32
        %add3A_246 = arith.addi %mul3A_244, %add3A_245 : i32
        %broadcast_in_dim3A_247 = vector.broadcast %add3A_246 : i32 to vector<16xi32>
        %get3A_248 = arith.index_cast %add3A_246 : i32 to index
        %get3A_249 = arith.constant 0 : index
        %get3A_250 = tpu.vector_load %arg7[%get3A_248, %get3A_249] {strides = array<i32>} : memref<512x32xf32, #tpu.memory_space<vmem>>, vector<16xf32>,
        %get3A_251 = arith.index_cast %add3A_246 : i32 to index
        %get3A_252 = arith.constant 16 : index
        %get3A_253 = tpu.vector_load %arg7[%get3A_251, %get3A_252] {strides = array<i32>} : memref<512x32xf32, #tpu.memory_space<vmem>>, vector<16xf32>,
        tpu.vector_store_idx %arg8[%iota3A, %broadcast_in_dim3A_247], %get3A_250 : memref<32x513xf32, #tpu.memory_space<vmem>>[vector<16xi32>, vector<16xi32>], vector<16xf32>,
        %add3A_254 = arith.constant 16 : i32
        %add3A_255 = vector.broadcast %add3A_254 : i32 to vector<16xi32>
        %add3A_256 = arith.addi %iota3A, %add3A_255 : vector<16xi32>
        tpu.vector_store_idx %arg8[%add3A_256, %broadcast_in_dim3A_247], %get3A_253 : memref<32x513xf32, #tpu.memory_space<vmem>>[vector<16xi32>, vector<16xi32>], vector<16xf32>,
        %mul3A_257 = arith.constant 8 : i32
        %mul3A_258 = arith.muli %mul3A_257, %scan3A_174 : i32
        %add3A_259 = arith.constant 6 : i32
        %add3A_260 = arith.addi %mul3A_258, %add3A_259 : i32
        %broadcast_in_dim3A_261 = vector.broadcast %add3A_260 : i32 to vector<16xi32>
        %get3A_262 = arith.index_cast %add3A_260 : i32 to index
        %get3A_263 = arith.constant 0 : index
        %get3A_264 = tpu.vector_load %arg7[%get3A_262, %get3A_263] {strides = array<i32>} : memref<512x32xf32, #tpu.memory_space<vmem>>, vector<16xf32>,
        %get3A_265 = arith.index_cast %add3A_260 : i32 to index
        %get3A_266 = arith.constant 16 : index
        %get3A_267 = tpu.vector_load %arg7[%get3A_265, %get3A_266] {strides = array<i32>} : memref<512x32xf32, #tpu.memory_space<vmem>>, vector<16xf32>,
        tpu.vector_store_idx %arg8[%iota3A, %broadcast_in_dim3A_261], %get3A_264 : memref<32x513xf32, #tpu.memory_space<vmem>>[vector<16xi32>, vector<16xi32>], vector<16xf32>,
        %add3A_268 = arith.constant 16 : i32
        %add3A_269 = vector.broadcast %add3A_268 : i32 to vector<16xi32>
        %add3A_270 = arith.addi %iota3A, %add3A_269 : vector<16xi32>
        tpu.vector_store_idx %arg8[%add3A_270, %broadcast_in_dim3A_261], %get3A_267 : memref<32x513xf32, #tpu.memory_space<vmem>>[vector<16xi32>, vector<16xi32>], vector<16xf32>,
        %mul3A_271 = arith.constant 8 : i32
        %mul3A_272 = arith.muli %mul3A_271, %scan3A_174 : i32
        %add3A_273 = arith.constant 7 : i32
        %add3A_274 = arith.addi %mul3A_272, %add3A_273 : i32
        %broadcast_in_dim3A_275 = vector.broadcast %add3A_274 : i32 to vector<16xi32>
        %get3A_276 = arith.index_cast %add3A_274 : i32 to index
        %get3A_277 = arith.constant 0 : index
        %get3A_278 = tpu.vector_load %arg7[%get3A_276, %get3A_277] {strides = array<i32>} : memref<512x32xf32, #tpu.memory_space<vmem>>, vector<16xf32>,
        %get3A_279 = arith.index_cast %add3A_274 : i32 to index
        %get3A_280 = arith.constant 16 : index
        %get3A_281 = tpu.vector_load %arg7[%get3A_279, %get3A_280] {strides = array<i32>} : memref<512x32xf32, #tpu.memory_space<vmem>>, vector<16xf32>,
        tpu.vector_store_idx %arg8[%iota3A, %broadcast_in_dim3A_275], %get3A_278 : memref<32x513xf32, #tpu.memory_space<vmem>>[vector<16xi32>, vector<16xi32>], vector<16xf32>,
        %add3A_282 = arith.constant 16 : i32
        %add3A_283 = vector.broadcast %add3A_282 : i32 to vector<16xi32>
        %add3A_284 = arith.addi %iota3A, %add3A_283 : vector<16xi32>
        tpu.vector_store_idx %arg8[%add3A_284, %broadcast_in_dim3A_275], %get3A_281 : memref<32x513xf32, #tpu.memory_space<vmem>>[vector<16xi32>, vector<16xi32>], vector<16xf32>,
      }
      %scan3A_161 = arith.constant 64 : i32
      %scan3A_162 = arith.constant 0 : i32
      %scan3A_163 = arith.constant 0 : i32
      %scan3A_164 = arith.constant 32 : i32
      %scan3A_165 = arith.addi %scan3A_163, %scan3A_164 : i32
      %scan3A_166 = arith.constant 1 : i32
      scf.for %scan3A_174 = %scan3A_163 to %scan3A_165 step %scan3A_166  : i32 {
        %mul3A_175 = arith.constant 16 : i32
        %mul3A_176 = arith.muli %mul3A_175, %scan3A_174 : i32
        %get3A = arith.constant 0 : i32
        %get3A_177 = arith.index_cast %get3A : i32 to index
        %get3A_178 = arith.index_cast %mul3A_176 : i32 to index
        %get3A_179 = tpu.vector_load %arg8[%get3A_177, %get3A_178] {strides = array<i32>} : memref<32x513xf32, #tpu.memory_space<vmem>>, vector<16xf32>,
        %mul3A_180 = arith.constant 16 : i32
        %mul3A_181 = arith.muli %mul3A_180, %scan3A_174 : i32
        %swap3A = arith.constant 0 : i32
        %swap3A_182 = arith.index_cast %swap3A : i32 to index
        %swap3A_183 = arith.index_cast %mul3A_181 : i32 to index
        %swap3A_184 = tpu.vector_load %arg10[%swap3A_182, %swap3A_183] {strides = array<i32>} : memref<32x512xf32, #tpu.memory_space<vmem>>, vector<16xf32>,
        tpu.vector_store %arg10[%swap3A_182, %swap3A_183], %get3A_179 {strides = array<i32>} : memref<32x512xf32, #tpu.memory_space<vmem>>, vector<16xf32>,
        %mul3A_185 = arith.constant 16 : i32
        %mul3A_186 = arith.muli %mul3A_185, %scan3A_174 : i32
        %get3A_187 = arith.constant 1 : i32
        %get3A_188 = arith.index_cast %get3A_187 : i32 to index
        %get3A_189 = arith.index_cast %mul3A_186 : i32 to index
        %get3A_190 = tpu.vector_load %arg8[%get3A_188, %get3A_189] {strides = array<i32>} : memref<32x513xf32, #tpu.memory_space<vmem>>, vector<16xf32>,
        %mul3A_191 = arith.constant 16 : i32
        %mul3A_192 = arith.muli %mul3A_191, %scan3A_174 : i32
        %swap3A_193 = arith.constant 1 : i32
        %swap3A_194 = arith.index_cast %swap3A_193 : i32 to index
        %swap3A_195 = arith.index_cast %mul3A_192 : i32 to index
        %swap3A_196 = tpu.vector_load %arg10[%swap3A_194, %swap3A_195] {strides = array<i32>} : memref<32x512xf32, #tpu.memory_space<vmem>>, vector<16xf32>,
        tpu.vector_store %arg10[%swap3A_194, %swap3A_195], %get3A_190 {strides = array<i32>} : memref<32x512xf32, #tpu.memory_space<vmem>>, vector<16xf32>,
        %mul3A_197 = arith.constant 16 : i32
        %mul3A_198 = arith.muli %mul3A_197, %scan3A_174 : i32
        %get3A_199 = arith.constant 2 : i32
        %get3A_200 = arith.index_cast %get3A_199 : i32 to index
        %get3A_201 = arith.index_cast %mul3A_198 : i32 to index
        %get3A_202 = tpu.vector_load %arg8[%get3A_200, %get3A_201] {strides = array<i32>} : memref<32x513xf32, #tpu.memory_space<vmem>>, vector<16xf32>,
        %mul3A_203 = arith.constant 16 : i32
        %mul3A_204 = arith.muli %mul3A_203, %scan3A_174 : i32
        %swap3A_205 = arith.constant 2 : i32
        %swap3A_206 = arith.index_cast %swap3A_205 : i32 to index
        %swap3A_207 = arith.index_cast %mul3A_204 : i32 to index
        %swap3A_208 = tpu.vector_load %arg10[%swap3A_206, %swap3A_207] {strides = array<i32>} : memref<32x512xf32, #tpu.memory_space<vmem>>, vector<16xf32>,
        tpu.vector_store %arg10[%swap3A_206, %swap3A_207], %get3A_202 {strides = array<i32>} : memref<32x512xf32, #tpu.memory_space<vmem>>, vector<16xf32>,
        %mul3A_209 = arith.constant 16 : i32
        %mul3A_210 = arith.muli %mul3A_209, %scan3A_174 : i32
        %get3A_211 = arith.constant 3 : i32
        %get3A_212 = arith.index_cast %get3A_211 : i32 to index
        %get3A_213 = arith.index_cast %mul3A_210 : i32 to index
        %get3A_214 = tpu.vector_load %arg8[%get3A_212, %get3A_213] {strides = array<i32>} : memref<32x513xf32, #tpu.memory_space<vmem>>, vector<16xf32>,
        %mul3A_215 = arith.constant 16 : i32
        %mul3A_216 = arith.muli %mul3A_215, %scan3A_174 : i32
        %swap3A_217 = arith.constant 3 : i32
        %swap3A_218 = arith.index_cast %swap3A_217 : i32 to index
        %swap3A_219 = arith.index_cast %mul3A_216 : i32 to index
        %swap3A_220 = tpu.vector_load %arg10[%swap3A_218, %swap3A_219] {strides = array<i32>} : memref<32x512xf32, #tpu.memory_space<vmem>>, vector<16xf32>,
        tpu.vector_store %arg10[%swap3A_218, %swap3A_219], %get3A_214 {strides = array<i32>} : memref<32x512xf32, #tpu.memory_space<vmem>>, vector<16xf32>,
        %mul3A_221 = arith.constant 16 : i32
        %mul3A_222 = arith.muli %mul3A_221, %scan3A_174 : i32
        %get3A_223 = arith.constant 4 : i32
        %get3A_224 = arith.index_cast %get3A_223 : i32 to index
        %get3A_225 = arith.index_cast %mul3A_222 : i32 to index
        %get3A_226 = tpu.vector_load %arg8[%get3A_224, %get3A_225] {strides = array<i32>} : memref<32x513xf32, #tpu.memory_space<vmem>>, vector<16xf32>,
        %mul3A_227 = arith.constant 16 : i32
        %mul3A_228 = arith.muli %mul3A_227, %scan3A_174 : i32
        %swap3A_229 = arith.constant 4 : i32
        %swap3A_230 = arith.index_cast %swap3A_229 : i32 to index
        %swap3A_231 = arith.index_cast %mul3A_228 : i32 to index
        %swap3A_232 = tpu.vector_load %arg10[%swap3A_230, %swap3A_231] {strides = array<i32>} : memref<32x512xf32, #tpu.memory_space<vmem>>, vector<16xf32>,
        tpu.vector_store %arg10[%swap3A_230, %swap3A_231], %get3A_226 {strides = array<i32>} : memref<32x512xf32, #tpu.memory_space<vmem>>, vector<16xf32>,
        %mul3A_233 = arith.constant 16 : i32
        %mul3A_234 = arith.muli %mul3A_233, %scan3A_174 : i32
        %get3A_235 = arith.constant 5 : i32
        %get3A_236 = arith.index_cast %get3A_235 : i32 to index
        %get3A_237 = arith.index_cast %mul3A_234 : i32 to index
        %get3A_238 = tpu.vector_load %arg8[%get3A_236, %get3A_237] {strides = array<i32>} : memref<32x513xf32, #tpu.memory_space<vmem>>, vector<16xf32>,
        %mul3A_239 = arith.constant 16 : i32
        %mul3A_240 = arith.muli %mul3A_239, %scan3A_174 : i32
        %swap3A_241 = arith.constant 5 : i32
        %swap3A_242 = arith.index_cast %swap3A_241 : i32 to index
        %swap3A_243 = arith.index_cast %mul3A_240 : i32 to index
        %swap3A_244 = tpu.vector_load %arg10[%swap3A_242, %swap3A_243] {strides = array<i32>} : memref<32x512xf32, #tpu.memory_space<vmem>>, vector<16xf32>,
        tpu.vector_store %arg10[%swap3A_242, %swap3A_243], %get3A_238 {strides = array<i32>} : memref<32x512xf32, #tpu.memory_space<vmem>>, vector<16xf32>,
        %mul3A_245 = arith.constant 16 : i32
        %mul3A_246 = arith.muli %mul3A_245, %scan3A_174 : i32
        %get3A_247 = arith.constant 6 : i32
        %get3A_248 = arith.index_cast %get3A_247 : i32 to index
        %get3A_249 = arith.index_cast %mul3A_246 : i32 to index
        %get3A_250 = tpu.vector_load %arg8[%get3A_248, %get3A_249] {strides = array<i32>} : memref<32x513xf32, #tpu.memory_space<vmem>>, vector<16xf32>,
        %mul3A_251 = arith.constant 16 : i32
        %mul3A_252 = arith.muli %mul3A_251, %scan3A_174 : i32
        %swap3A_253 = arith.constant 6 : i32
        %swap3A_254 = arith.index_cast %swap3A_253 : i32 to index
        %swap3A_255 = arith.index_cast %mul3A_252 : i32 to index
        %swap3A_256 = tpu.vector_load %arg10[%swap3A_254, %swap3A_255] {strides = array<i32>} : memref<32x512xf32, #tpu.memory_space<vmem>>, vector<16xf32>,
        tpu.vector_store %arg10[%swap3A_254, %swap3A_255], %get3A_250 {strides = array<i32>} : memref<32x512xf32, #tpu.memory_space<vmem>>, vector<16xf32>,
        %mul3A_257 = arith.constant 16 : i32
        %mul3A_258 = arith.muli %mul3A_257, %scan3A_174 : i32
        %get3A_259 = arith.constant 7 : i32
        %get3A_260 = arith.index_cast %get3A_259 : i32 to index
        %get3A_261 = arith.index_cast %mul3A_258 : i32 to index
        %get3A_262 = tpu.vector_load %arg8[%get3A_260, %get3A_261] {strides = array<i32>} : memref<32x513xf32, #tpu.memory_space<vmem>>, vector<16xf32>,
        %mul3A_263 = arith.constant 16 : i32
        %mul3A_264 = arith.muli %mul3A_263, %scan3A_174 : i32
        %swap3A_265 = arith.constant 7 : i32
        %swap3A_266 = arith.index_cast %swap3A_265 : i32 to index
        %swap3A_267 = arith.index_cast %mul3A_264 : i32 to index
        %swap3A_268 = tpu.vector_load %arg10[%swap3A_266, %swap3A_267] {strides = array<i32>} : memref<32x512xf32, #tpu.memory_space<vmem>>, vector<16xf32>,
        tpu.vector_store %arg10[%swap3A_266, %swap3A_267], %get3A_262 {strides = array<i32>} : memref<32x512xf32, #tpu.memory_space<vmem>>, vector<16xf32>,
        %mul3A_269 = arith.constant 16 : i32
        %mul3A_270 = arith.muli %mul3A_269, %scan3A_174 : i32
        %get3A_271 = arith.constant 8 : i32
        %get3A_272 = arith.index_cast %get3A_271 : i32 to index
        %get3A_273 = arith.index_cast %mul3A_270 : i32 to index
        %get3A_274 = tpu.vector_load %arg8[%get3A_272, %get3A_273] {strides = array<i32>} : memref<32x513xf32, #tpu.memory_space<vmem>>, vector<16xf32>,
        %mul3A_275 = arith.constant 16 : i32
        %mul3A_276 = arith.muli %mul3A_275, %scan3A_174 : i32
        %swap3A_277 = arith.constant 8 : i32
        %swap3A_278 = arith.index_cast %swap3A_277 : i32 to index
        %swap3A_279 = arith.index_cast %mul3A_276 : i32 to index
        %swap3A_280 = tpu.vector_load %arg10[%swap3A_278, %swap3A_279] {strides = array<i32>} : memref<32x512xf32, #tpu.memory_space<vmem>>, vector<16xf32>,
        tpu.vector_store %arg10[%swap3A_278, %swap3A_279], %get3A_274 {strides = array<i32>} : memref<32x512xf32, #tpu.memory_space<vmem>>, vector<16xf32>,
        %mul3A_281 = arith.constant 16 : i32
        %mul3A_282 = arith.muli %mul3A_281, %scan3A_174 : i32
        %get3A_283 = arith.constant 9 : i32
        %get3A_284 = arith.index_cast %get3A_283 : i32 to index
        %get3A_285 = arith.index_cast %mul3A_282 : i32 to index
        %get3A_286 = tpu.vector_load %arg8[%get3A_284, %get3A_285] {strides = array<i32>} : memref<32x513xf32, #tpu.memory_space<vmem>>, vector<16xf32>,
        %mul3A_287 = arith.constant 16 : i32
        %mul3A_288 = arith.muli %mul3A_287, %scan3A_174 : i32
        %swap3A_289 = arith.constant 9 : i32
        %swap3A_290 = arith.index_cast %swap3A_289 : i32 to index
        %swap3A_291 = arith.index_cast %mul3A_288 : i32 to index
        %swap3A_292 = tpu.vector_load %arg10[%swap3A_290, %swap3A_291] {strides = array<i32>} : memref<32x512xf32, #tpu.memory_space<vmem>>, vector<16xf32>,
        tpu.vector_store %arg10[%swap3A_290, %swap3A_291], %get3A_286 {strides = array<i32>} : memref<32x512xf32, #tpu.memory_space<vmem>>, vector<16xf32>,
        %mul3A_293 = arith.constant 16 : i32
        %mul3A_294 = arith.muli %mul3A_293, %scan3A_174 : i32
        %get3A_295 = arith.constant 10 : i32
        %get3A_296 = arith.index_cast %get3A_295 : i32 to index
        %get3A_297 = arith.index_cast %mul3A_294 : i32 to index
        %get3A_298 = tpu.vector_load %arg8[%get3A_296, %get3A_297] {strides = array<i32>} : memref<32x513xf32, #tpu.memory_space<vmem>>, vector<16xf32>,
        %mul3A_299 = arith.constant 16 : i32
        %mul3A_300 = arith.muli %mul3A_299, %scan3A_174 : i32
        %swap3A_301 = arith.constant 10 : i32
        %swap3A_302 = arith.index_cast %swap3A_301 : i32 to index
        %swap3A_303 = arith.index_cast %mul3A_300 : i32 to index
        %swap3A_304 = tpu.vector_load %arg10[%swap3A_302, %swap3A_303] {strides = array<i32>} : memref<32x512xf32, #tpu.memory_space<vmem>>, vector<16xf32>,
        tpu.vector_store %arg10[%swap3A_302, %swap3A_303], %get3A_298 {strides = array<i32>} : memref<32x512xf32, #tpu.memory_space<vmem>>, vector<16xf32>,
        %mul3A_305 = arith.constant 16 : i32
        %mul3A_306 = arith.muli %mul3A_305, %scan3A_174 : i32
        %get3A_307 = arith.constant 11 : i32
        %get3A_308 = arith.index_cast %get3A_307 : i32 to index
        %get3A_309 = arith.index_cast %mul3A_306 : i32 to index
        %get3A_310 = tpu.vector_load %arg8[%get3A_308, %get3A_309] {strides = array<i32>} : memref<32x513xf32, #tpu.memory_space<vmem>>, vector<16xf32>,
        %mul3A_311 = arith.constant 16 : i32
        %mul3A_312 = arith.muli %mul3A_311, %scan3A_174 : i32
        %swap3A_313 = arith.constant 11 : i32
        %swap3A_314 = arith.index_cast %swap3A_313 : i32 to index
        %swap3A_315 = arith.index_cast %mul3A_312 : i32 to index
        %swap3A_316 = tpu.vector_load %arg10[%swap3A_314, %swap3A_315] {strides = array<i32>} : memref<32x512xf32, #tpu.memory_space<vmem>>, vector<16xf32>,
        tpu.vector_store %arg10[%swap3A_314, %swap3A_315], %get3A_310 {strides = array<i32>} : memref<32x512xf32, #tpu.memory_space<vmem>>, vector<16xf32>,
        %mul3A_317 = arith.constant 16 : i32
        %mul3A_318 = arith.muli %mul3A_317, %scan3A_174 : i32
        %get3A_319 = arith.constant 12 : i32
        %get3A_320 = arith.index_cast %get3A_319 : i32 to index
        %get3A_321 = arith.index_cast %mul3A_318 : i32 to index
        %get3A_322 = tpu.vector_load %arg8[%get3A_320, %get3A_321] {strides = array<i32>} : memref<32x513xf32, #tpu.memory_space<vmem>>, vector<16xf32>,
        %mul3A_323 = arith.constant 16 : i32
        %mul3A_324 = arith.muli %mul3A_323, %scan3A_174 : i32
        %swap3A_325 = arith.constant 12 : i32
        %swap3A_326 = arith.index_cast %swap3A_325 : i32 to index
        %swap3A_327 = arith.index_cast %mul3A_324 : i32 to index
        %swap3A_328 = tpu.vector_load %arg10[%swap3A_326, %swap3A_327] {strides = array<i32>} : memref<32x512xf32, #tpu.memory_space<vmem>>, vector<16xf32>,
        tpu.vector_store %arg10[%swap3A_326, %swap3A_327], %get3A_322 {strides = array<i32>} : memref<32x512xf32, #tpu.memory_space<vmem>>, vector<16xf32>,
        %mul3A_329 = arith.constant 16 : i32
        %mul3A_330 = arith.muli %mul3A_329, %scan3A_174 : i32
        %get3A_331 = arith.constant 13 : i32
        %get3A_332 = arith.index_cast %get3A_331 : i32 to index
        %get3A_333 = arith.index_cast %mul3A_330 : i32 to index
        %get3A_334 = tpu.vector_load %arg8[%get3A_332, %get3A_333] {strides = array<i32>} : memref<32x513xf32, #tpu.memory_space<vmem>>, vector<16xf32>,
        %mul3A_335 = arith.constant 16 : i32
        %mul3A_336 = arith.muli %mul3A_335, %scan3A_174 : i32
        %swap3A_337 = arith.constant 13 : i32
        %swap3A_338 = arith.index_cast %swap3A_337 : i32 to index
        %swap3A_339 = arith.index_cast %mul3A_336 : i32 to index
        %swap3A_340 = tpu.vector_load %arg10[%swap3A_338, %swap3A_339] {strides = array<i32>} : memref<32x512xf32, #tpu.memory_space<vmem>>, vector<16xf32>,
        tpu.vector_store %arg10[%swap3A_338, %swap3A_339], %get3A_334 {strides = array<i32>} : memref<32x512xf32, #tpu.memory_space<vmem>>, vector<16xf32>,
        %mul3A_341 = arith.constant 16 : i32
        %mul3A_342 = arith.muli %mul3A_341, %scan3A_174 : i32
        %get3A_343 = arith.constant 14 : i32
        %get3A_344 = arith.index_cast %get3A_343 : i32 to index
        %get3A_345 = arith.index_cast %mul3A_342 : i32 to index
        %get3A_346 = tpu.vector_load %arg8[%get3A_344, %get3A_345] {strides = array<i32>} : memref<32x513xf32, #tpu.memory_space<vmem>>, vector<16xf32>,
        %mul3A_347 = arith.constant 16 : i32
        %mul3A_348 = arith.muli %mul3A_347, %scan3A_174 : i32
        %swap3A_349 = arith.constant 14 : i32
        %swap3A_350 = arith.index_cast %swap3A_349 : i32 to index
        %swap3A_351 = arith.index_cast %mul3A_348 : i32 to index
        %swap3A_352 = tpu.vector_load %arg10[%swap3A_350, %swap3A_351] {strides = array<i32>} : memref<32x512xf32, #tpu.memory_space<vmem>>, vector<16xf32>,
        tpu.vector_store %arg10[%swap3A_350, %swap3A_351], %get3A_346 {strides = array<i32>} : memref<32x512xf32, #tpu.memory_space<vmem>>, vector<16xf32>,
        %mul3A_353 = arith.constant 16 : i32
        %mul3A_354 = arith.muli %mul3A_353, %scan3A_174 : i32
        %get3A_355 = arith.constant 15 : i32
        %get3A_356 = arith.index_cast %get3A_355 : i32 to index
        %get3A_357 = arith.index_cast %mul3A_354 : i32 to index
        %get3A_358 = tpu.vector_load %arg8[%get3A_356, %get3A_357] {strides = array<i32>} : memref<32x513xf32, #tpu.memory_space<vmem>>, vector<16xf32>,
        %mul3A_359 = arith.constant 16 : i32
        %mul3A_360 = arith.muli %mul3A_359, %scan3A_174 : i32
        %swap3A_361 = arith.constant 15 : i32
        %swap3A_362 = arith.index_cast %swap3A_361 : i32 to index
        %swap3A_363 = arith.index_cast %mul3A_360 : i32 to index
        %swap3A_364 = tpu.vector_load %arg10[%swap3A_362, %swap3A_363] {strides = array<i32>} : memref<32x512xf32, #tpu.memory_space<vmem>>, vector<16xf32>,
        tpu.vector_store %arg10[%swap3A_362, %swap3A_363], %get3A_358 {strides = array<i32>} : memref<32x512xf32, #tpu.memory_space<vmem>>, vector<16xf32>,
        %mul3A_365 = arith.constant 16 : i32
        %mul3A_366 = arith.muli %mul3A_365, %scan3A_174 : i32
        %get3A_367 = arith.constant 16 : i32
        %get3A_368 = arith.index_cast %get3A_367 : i32 to index
        %get3A_369 = arith.index_cast %mul3A_366 : i32 to index
        %get3A_370 = tpu.vector_load %arg8[%get3A_368, %get3A_369] {strides = array<i32>} : memref<32x513xf32, #tpu.memory_space<vmem>>, vector<16xf32>,
        %mul3A_371 = arith.constant 16 : i32
        %mul3A_372 = arith.muli %mul3A_371, %scan3A_174 : i32
        %swap3A_373 = arith.constant 16 : i32
        %swap3A_374 = arith.index_cast %swap3A_373 : i32 to index
        %swap3A_375 = arith.index_cast %mul3A_372 : i32 to index
        %swap3A_376 = tpu.vector_load %arg10[%swap3A_374, %swap3A_375] {strides = array<i32>} : memref<32x512xf32, #tpu.memory_space<vmem>>, vector<16xf32>,
        tpu.vector_store %arg10[%swap3A_374, %swap3A_375], %get3A_370 {strides = array<i32>} : memref<32x512xf32, #tpu.memory_space<vmem>>, vector<16xf32>,
        %mul3A_377 = arith.constant 16 : i32
        %mul3A_378 = arith.muli %mul3A_377, %scan3A_174 : i32
        %get3A_379 = arith.constant 17 : i32
        %get3A_380 = arith.index_cast %get3A_379 : i32 to index
        %get3A_381 = arith.index_cast %mul3A_378 : i32 to index
        %get3A_382 = tpu.vector_load %arg8[%get3A_380, %get3A_381] {strides = array<i32>} : memref<32x513xf32, #tpu.memory_space<vmem>>, vector<16xf32>,
        %mul3A_383 = arith.constant 16 : i32
        %mul3A_384 = arith.muli %mul3A_383, %scan3A_174 : i32
        %swap3A_385 = arith.constant 17 : i32
        %swap3A_386 = arith.index_cast %swap3A_385 : i32 to index
        %swap3A_387 = arith.index_cast %mul3A_384 : i32 to index
        %swap3A_388 = tpu.vector_load %arg10[%swap3A_386, %swap3A_387] {strides = array<i32>} : memref<32x512xf32, #tpu.memory_space<vmem>>, vector<16xf32>,
        tpu.vector_store %arg10[%swap3A_386, %swap3A_387], %get3A_382 {strides = array<i32>} : memref<32x512xf32, #tpu.memory_space<vmem>>, vector<16xf32>,
        %mul3A_389 = arith.constant 16 : i32
        %mul3A_390 = arith.muli %mul3A_389, %scan3A_174 : i32
        %get3A_391 = arith.constant 18 : i32
        %get3A_392 = arith.index_cast %get3A_391 : i32 to index
        %get3A_393 = arith.index_cast %mul3A_390 : i32 to index
        %get3A_394 = tpu.vector_load %arg8[%get3A_392, %get3A_393] {strides = array<i32>} : memref<32x513xf32, #tpu.memory_space<vmem>>, vector<16xf32>,
        %mul3A_395 = arith.constant 16 : i32
        %mul3A_396 = arith.muli %mul3A_395, %scan3A_174 : i32
        %swap3A_397 = arith.constant 18 : i32
        %swap3A_398 = arith.index_cast %swap3A_397 : i32 to index
        %swap3A_399 = arith.index_cast %mul3A_396 : i32 to index
        %swap3A_400 = tpu.vector_load %arg10[%swap3A_398, %swap3A_399] {strides = array<i32>} : memref<32x512xf32, #tpu.memory_space<vmem>>, vector<16xf32>,
        tpu.vector_store %arg10[%swap3A_398, %swap3A_399], %get3A_394 {strides = array<i32>} : memref<32x512xf32, #tpu.memory_space<vmem>>, vector<16xf32>,
        %mul3A_401 = arith.constant 16 : i32
        %mul3A_402 = arith.muli %mul3A_401, %scan3A_174 : i32
        %get3A_403 = arith.constant 19 : i32
        %get3A_404 = arith.index_cast %get3A_403 : i32 to index
        %get3A_405 = arith.index_cast %mul3A_402 : i32 to index
        %get3A_406 = tpu.vector_load %arg8[%get3A_404, %get3A_405] {strides = array<i32>} : memref<32x513xf32, #tpu.memory_space<vmem>>, vector<16xf32>,
        %mul3A_407 = arith.constant 16 : i32
        %mul3A_408 = arith.muli %mul3A_407, %scan3A_174 : i32
        %swap3A_409 = arith.constant 19 : i32
        %swap3A_410 = arith.index_cast %swap3A_409 : i32 to index
        %swap3A_411 = arith.index_cast %mul3A_408 : i32 to index
        %swap3A_412 = tpu.vector_load %arg10[%swap3A_410, %swap3A_411] {strides = array<i32>} : memref<32x512xf32, #tpu.memory_space<vmem>>, vector<16xf32>,
        tpu.vector_store %arg10[%swap3A_410, %swap3A_411], %get3A_406 {strides = array<i32>} : memref<32x512xf32, #tpu.memory_space<vmem>>, vector<16xf32>,
        %mul3A_413 = arith.constant 16 : i32
        %mul3A_414 = arith.muli %mul3A_413, %scan3A_174 : i32
        %get3A_415 = arith.constant 20 : i32
        %get3A_416 = arith.index_cast %get3A_415 : i32 to index
        %get3A_417 = arith.index_cast %mul3A_414 : i32 to index
        %get3A_418 = tpu.vector_load %arg8[%get3A_416, %get3A_417] {strides = array<i32>} : memref<32x513xf32, #tpu.memory_space<vmem>>, vector<16xf32>,
        %mul3A_419 = arith.constant 16 : i32
        %mul3A_420 = arith.muli %mul3A_419, %scan3A_174 : i32
        %swap3A_421 = arith.constant 20 : i32
        %swap3A_422 = arith.index_cast %swap3A_421 : i32 to index
        %swap3A_423 = arith.index_cast %mul3A_420 : i32 to index
        %swap3A_424 = tpu.vector_load %arg10[%swap3A_422, %swap3A_423] {strides = array<i32>} : memref<32x512xf32, #tpu.memory_space<vmem>>, vector<16xf32>,
        tpu.vector_store %arg10[%swap3A_422, %swap3A_423], %get3A_418 {strides = array<i32>} : memref<32x512xf32, #tpu.memory_space<vmem>>, vector<16xf32>,
        %mul3A_425 = arith.constant 16 : i32
        %mul3A_426 = arith.muli %mul3A_425, %scan3A_174 : i32
        %get3A_427 = arith.constant 21 : i32
        %get3A_428 = arith.index_cast %get3A_427 : i32 to index
        %get3A_429 = arith.index_cast %mul3A_426 : i32 to index
        %get3A_430 = tpu.vector_load %arg8[%get3A_428, %get3A_429] {strides = array<i32>} : memref<32x513xf32, #tpu.memory_space<vmem>>, vector<16xf32>,
        %mul3A_431 = arith.constant 16 : i32
        %mul3A_432 = arith.muli %mul3A_431, %scan3A_174 : i32
        %swap3A_433 = arith.constant 21 : i32
        %swap3A_434 = arith.index_cast %swap3A_433 : i32 to index
        %swap3A_435 = arith.index_cast %mul3A_432 : i32 to index
        %swap3A_436 = tpu.vector_load %arg10[%swap3A_434, %swap3A_435] {strides = array<i32>} : memref<32x512xf32, #tpu.memory_space<vmem>>, vector<16xf32>,
        tpu.vector_store %arg10[%swap3A_434, %swap3A_435], %get3A_430 {strides = array<i32>} : memref<32x512xf32, #tpu.memory_space<vmem>>, vector<16xf32>,
        %mul3A_437 = arith.constant 16 : i32
        %mul3A_438 = arith.muli %mul3A_437, %scan3A_174 : i32
        %get3A_439 = arith.constant 22 : i32
        %get3A_440 = arith.index_cast %get3A_439 : i32 to index
        %get3A_441 = arith.index_cast %mul3A_438 : i32 to index
        %get3A_442 = tpu.vector_load %arg8[%get3A_440, %get3A_441] {strides = array<i32>} : memref<32x513xf32, #tpu.memory_space<vmem>>, vector<16xf32>,
        %mul3A_443 = arith.constant 16 : i32
        %mul3A_444 = arith.muli %mul3A_443, %scan3A_174 : i32
        %swap3A_445 = arith.constant 22 : i32
        %swap3A_446 = arith.index_cast %swap3A_445 : i32 to index
        %swap3A_447 = arith.index_cast %mul3A_444 : i32 to index
        %swap3A_448 = tpu.vector_load %arg10[%swap3A_446, %swap3A_447] {strides = array<i32>} : memref<32x512xf32, #tpu.memory_space<vmem>>, vector<16xf32>,
        tpu.vector_store %arg10[%swap3A_446, %swap3A_447], %get3A_442 {strides = array<i32>} : memref<32x512xf32, #tpu.memory_space<vmem>>, vector<16xf32>,
        %mul3A_449 = arith.constant 16 : i32
        %mul3A_450 = arith.muli %mul3A_449, %scan3A_174 : i32
        %get3A_451 = arith.constant 23 : i32
        %get3A_452 = arith.index_cast %get3A_451 : i32 to index
        %get3A_453 = arith.index_cast %mul3A_450 : i32 to index
        %get3A_454 = tpu.vector_load %arg8[%get3A_452, %get3A_453] {strides = array<i32>} : memref<32x513xf32, #tpu.memory_space<vmem>>, vector<16xf32>,
        %mul3A_455 = arith.constant 16 : i32
        %mul3A_456 = arith.muli %mul3A_455, %scan3A_174 : i32
        %swap3A_457 = arith.constant 23 : i32
        %swap3A_458 = arith.index_cast %swap3A_457 : i32 to index
        %swap3A_459 = arith.index_cast %mul3A_456 : i32 to index
        %swap3A_460 = tpu.vector_load %arg10[%swap3A_458, %swap3A_459] {strides = array<i32>} : memref<32x512xf32, #tpu.memory_space<vmem>>, vector<16xf32>,
        tpu.vector_store %arg10[%swap3A_458, %swap3A_459], %get3A_454 {strides = array<i32>} : memref<32x512xf32, #tpu.memory_space<vmem>>, vector<16xf32>,
        %mul3A_461 = arith.constant 16 : i32
        %mul3A_462 = arith.muli %mul3A_461, %scan3A_174 : i32
        %get3A_463 = arith.constant 24 : i32
        %get3A_464 = arith.index_cast %get3A_463 : i32 to index
        %get3A_465 = arith.index_cast %mul3A_462 : i32 to index
        %get3A_466 = tpu.vector_load %arg8[%get3A_464, %get3A_465] {strides = array<i32>} : memref<32x513xf32, #tpu.memory_space<vmem>>, vector<16xf32>,
        %mul3A_467 = arith.constant 16 : i32
        %mul3A_468 = arith.muli %mul3A_467, %scan3A_174 : i32
        %swap3A_469 = arith.constant 24 : i32
        %swap3A_470 = arith.index_cast %swap3A_469 : i32 to index
        %swap3A_471 = arith.index_cast %mul3A_468 : i32 to index
        %swap3A_472 = tpu.vector_load %arg10[%swap3A_470, %swap3A_471] {strides = array<i32>} : memref<32x512xf32, #tpu.memory_space<vmem>>, vector<16xf32>,
        tpu.vector_store %arg10[%swap3A_470, %swap3A_471], %get3A_466 {strides = array<i32>} : memref<32x512xf32, #tpu.memory_space<vmem>>, vector<16xf32>,
        %mul3A_473 = arith.constant 16 : i32
        %mul3A_474 = arith.muli %mul3A_473, %scan3A_174 : i32
        %get3A_475 = arith.constant 25 : i32
        %get3A_476 = arith.index_cast %get3A_475 : i32 to index
        %get3A_477 = arith.index_cast %mul3A_474 : i32 to index
        %get3A_478 = tpu.vector_load %arg8[%get3A_476, %get3A_477] {strides = array<i32>} : memref<32x513xf32, #tpu.memory_space<vmem>>, vector<16xf32>,
        %mul3A_479 = arith.constant 16 : i32
        %mul3A_480 = arith.muli %mul3A_479, %scan3A_174 : i32
        %swap3A_481 = arith.constant 25 : i32
        %swap3A_482 = arith.index_cast %swap3A_481 : i32 to index
        %swap3A_483 = arith.index_cast %mul3A_480 : i32 to index
        %swap3A_484 = tpu.vector_load %arg10[%swap3A_482, %swap3A_483] {strides = array<i32>} : memref<32x512xf32, #tpu.memory_space<vmem>>, vector<16xf32>,
        tpu.vector_store %arg10[%swap3A_482, %swap3A_483], %get3A_478 {strides = array<i32>} : memref<32x512xf32, #tpu.memory_space<vmem>>, vector<16xf32>,
        %mul3A_485 = arith.constant 16 : i32
        %mul3A_486 = arith.muli %mul3A_485, %scan3A_174 : i32
        %get3A_487 = arith.constant 26 : i32
        %get3A_488 = arith.index_cast %get3A_487 : i32 to index
        %get3A_489 = arith.index_cast %mul3A_486 : i32 to index
        %get3A_490 = tpu.vector_load %arg8[%get3A_488, %get3A_489] {strides = array<i32>} : memref<32x513xf32, #tpu.memory_space<vmem>>, vector<16xf32>,
        %mul3A_491 = arith.constant 16 : i32
        %mul3A_492 = arith.muli %mul3A_491, %scan3A_174 : i32
        %swap3A_493 = arith.constant 26 : i32
        %swap3A_494 = arith.index_cast %swap3A_493 : i32 to index
        %swap3A_495 = arith.index_cast %mul3A_492 : i32 to index
        %swap3A_496 = tpu.vector_load %arg10[%swap3A_494, %swap3A_495] {strides = array<i32>} : memref<32x512xf32, #tpu.memory_space<vmem>>, vector<16xf32>,
        tpu.vector_store %arg10[%swap3A_494, %swap3A_495], %get3A_490 {strides = array<i32>} : memref<32x512xf32, #tpu.memory_space<vmem>>, vector<16xf32>,
        %mul3A_497 = arith.constant 16 : i32
        %mul3A_498 = arith.muli %mul3A_497, %scan3A_174 : i32
        %get3A_499 = arith.constant 27 : i32
        %get3A_500 = arith.index_cast %get3A_499 : i32 to index
        %get3A_501 = arith.index_cast %mul3A_498 : i32 to index
        %get3A_502 = tpu.vector_load %arg8[%get3A_500, %get3A_501] {strides = array<i32>} : memref<32x513xf32, #tpu.memory_space<vmem>>, vector<16xf32>,
        %mul3A_503 = arith.constant 16 : i32
        %mul3A_504 = arith.muli %mul3A_503, %scan3A_174 : i32
        %swap3A_505 = arith.constant 27 : i32
        %swap3A_506 = arith.index_cast %swap3A_505 : i32 to index
        %swap3A_507 = arith.index_cast %mul3A_504 : i32 to index
        %swap3A_508 = tpu.vector_load %arg10[%swap3A_506, %swap3A_507] {strides = array<i32>} : memref<32x512xf32, #tpu.memory_space<vmem>>, vector<16xf32>,
        tpu.vector_store %arg10[%swap3A_506, %swap3A_507], %get3A_502 {strides = array<i32>} : memref<32x512xf32, #tpu.memory_space<vmem>>, vector<16xf32>,
        %mul3A_509 = arith.constant 16 : i32
        %mul3A_510 = arith.muli %mul3A_509, %scan3A_174 : i32
        %get3A_511 = arith.constant 28 : i32
        %get3A_512 = arith.index_cast %get3A_511 : i32 to index
        %get3A_513 = arith.index_cast %mul3A_510 : i32 to index
        %get3A_514 = tpu.vector_load %arg8[%get3A_512, %get3A_513] {strides = array<i32>} : memref<32x513xf32, #tpu.memory_space<vmem>>, vector<16xf32>,
        %mul3A_515 = arith.constant 16 : i32
        %mul3A_516 = arith.muli %mul3A_515, %scan3A_174 : i32
        %swap3A_517 = arith.constant 28 : i32
        %swap3A_518 = arith.index_cast %swap3A_517 : i32 to index
        %swap3A_519 = arith.index_cast %mul3A_516 : i32 to index
        %swap3A_520 = tpu.vector_load %arg10[%swap3A_518, %swap3A_519] {strides = array<i32>} : memref<32x512xf32, #tpu.memory_space<vmem>>, vector<16xf32>,
        tpu.vector_store %arg10[%swap3A_518, %swap3A_519], %get3A_514 {strides = array<i32>} : memref<32x512xf32, #tpu.memory_space<vmem>>, vector<16xf32>,
        %mul3A_521 = arith.constant 16 : i32
        %mul3A_522 = arith.muli %mul3A_521, %scan3A_174 : i32
        %get3A_523 = arith.constant 29 : i32
        %get3A_524 = arith.index_cast %get3A_523 : i32 to index
        %get3A_525 = arith.index_cast %mul3A_522 : i32 to index
        %get3A_526 = tpu.vector_load %arg8[%get3A_524, %get3A_525] {strides = array<i32>} : memref<32x513xf32, #tpu.memory_space<vmem>>, vector<16xf32>,
        %mul3A_527 = arith.constant 16 : i32
        %mul3A_528 = arith.muli %mul3A_527, %scan3A_174 : i32
        %swap3A_529 = arith.constant 29 : i32
        %swap3A_530 = arith.index_cast %swap3A_529 : i32 to index
        %swap3A_531 = arith.index_cast %mul3A_528 : i32 to index
        %swap3A_532 = tpu.vector_load %arg10[%swap3A_530, %swap3A_531] {strides = array<i32>} : memref<32x512xf32, #tpu.memory_space<vmem>>, vector<16xf32>,
        tpu.vector_store %arg10[%swap3A_530, %swap3A_531], %get3A_526 {strides = array<i32>} : memref<32x512xf32, #tpu.memory_space<vmem>>, vector<16xf32>,
        %mul3A_533 = arith.constant 16 : i32
        %mul3A_534 = arith.muli %mul3A_533, %scan3A_174 : i32
        %get3A_535 = arith.constant 30 : i32
        %get3A_536 = arith.index_cast %get3A_535 : i32 to index
        %get3A_537 = arith.index_cast %mul3A_534 : i32 to index
        %get3A_538 = tpu.vector_load %arg8[%get3A_536, %get3A_537] {strides = array<i32>} : memref<32x513xf32, #tpu.memory_space<vmem>>, vector<16xf32>,
        %mul3A_539 = arith.constant 16 : i32
        %mul3A_540 = arith.muli %mul3A_539, %scan3A_174 : i32
        %swap3A_541 = arith.constant 30 : i32
        %swap3A_542 = arith.index_cast %swap3A_541 : i32 to index
        %swap3A_543 = arith.index_cast %mul3A_540 : i32 to index
        %swap3A_544 = tpu.vector_load %arg10[%swap3A_542, %swap3A_543] {strides = array<i32>} : memref<32x512xf32, #tpu.memory_space<vmem>>, vector<16xf32>,
        tpu.vector_store %arg10[%swap3A_542, %swap3A_543], %get3A_538 {strides = array<i32>} : memref<32x512xf32, #tpu.memory_space<vmem>>, vector<16xf32>,
        %mul3A_545 = arith.constant 16 : i32
        %mul3A_546 = arith.muli %mul3A_545, %scan3A_174 : i32
        %get3A_547 = arith.constant 31 : i32
        %get3A_548 = arith.index_cast %get3A_547 : i32 to index
        %get3A_549 = arith.index_cast %mul3A_546 : i32 to index
        %get3A_550 = tpu.vector_load %arg8[%get3A_548, %get3A_549] {strides = array<i32>} : memref<32x513xf32, #tpu.memory_space<vmem>>, vector<16xf32>,
        %mul3A_551 = arith.constant 16 : i32
        %mul3A_552 = arith.muli %mul3A_551, %scan3A_174 : i32
        %swap3A_553 = arith.constant 31 : i32
        %swap3A_554 = arith.index_cast %swap3A_553 : i32 to index
        %swap3A_555 = arith.index_cast %mul3A_552 : i32 to index
        %swap3A_556 = tpu.vector_load %arg10[%swap3A_554, %swap3A_555] {strides = array<i32>} : memref<32x512xf32, #tpu.memory_space<vmem>>, vector<16xf32>,
        tpu.vector_store %arg10[%swap3A_554, %swap3A_555], %get3A_550 {strides = array<i32>} : memref<32x512xf32, #tpu.memory_space<vmem>>, vector<16xf32>,
      }
      %scan3A_167 = arith.constant 32 : i32
      %dma_start3A_168 = arith.constant 0 : i32
      %dma_start3A_169 = tpu.memref_slice %arg4[%add3A_74, %dma_start3A_168, %mul3A_2] : memref<50x32x16384xf32, #tpu.memory_space<hbm>> -> memref<1x32x512xf32, #tpu.memory_space<hbm>>
      %dma_start3A_170 = tpu.memref_squeeze %dma_start3A_169 : memref<1x32x512xf32, #tpu.memory_space<hbm>> -> memref<32x512xf32, #tpu.memory_space<hbm>>
      %dma_start3A_171 = arith.constant 0 : i32
      %dma_start3A_172 = tpu.memref_slice %arg4[%add3A_74, %dma_start3A_171, %mul3A_2] : memref<50x32x16384xf32, #tpu.memory_space<hbm>> -> memref<1x32x512xf32, #tpu.memory_space<hbm>>
      %dma_start3A_173 = tpu.memref_squeeze %dma_start3A_172 : memref<1x32x512xf32, #tpu.memory_space<hbm>> -> memref<32x512xf32, #tpu.memory_space<hbm>>
      tpu.enqueue_dma source(%arg10 : memref<32x512xf32, #tpu.memory_space<vmem>>) target(%dma_start3A_173 : memref<32x512xf32, #tpu.memory_space<hbm>>) target_semaphore(%arg14 : memref<!tpu.dma_semaphore, #tpu.memory_space<semaphore_mem>>)
    }
    %scan3A_52 = arith.constant 25 : i32
    %dma_wait3A = arith.constant 0 : i32
    %dma_wait3A_53 = arith.constant 0 : i32
    %dma_wait3A_54 = arith.constant 0 : i32
    %dma_wait3A_55 = tpu.memref_slice %arg4[%dma_wait3A, %dma_wait3A_53, %dma_wait3A_54] : memref<50x32x16384xf32, #tpu.memory_space<hbm>> -> memref<1x32x512xf32, #tpu.memory_space<hbm>>
    %dma_wait3A_56 = tpu.memref_squeeze %dma_wait3A_55 : memref<1x32x512xf32, #tpu.memory_space<hbm>> -> memref<32x512xf32, #tpu.memory_space<hbm>>
    %dma_wait3A_57 = arith.constant 0 : i32
    %dma_wait3A_58 = arith.constant 0 : i32
    %dma_wait3A_59 = tpu.memref_slice %arg4[%dma_wait3A, %dma_wait3A_57, %dma_wait3A_58] : memref<50x32x16384xf32, #tpu.memory_space<hbm>> -> memref<1x32x512xf32, #tpu.memory_space<hbm>>
    %dma_wait3A_60 = tpu.memref_squeeze %dma_wait3A_59 : memref<1x32x512xf32, #tpu.memory_space<hbm>> -> memref<32x512xf32, #tpu.memory_space<hbm>>
    tpu.wait_dma2 semaphore(%arg13 : memref<!tpu.dma_semaphore, #tpu.memory_space<semaphore_mem>>) src(%arg9 : memref<32x512xf32, #tpu.memory_space<vmem>>) dst(%dma_wait3A_60 : memref<32x512xf32, #tpu.memory_space<hbm>>)
    %dma_wait3A_61 = arith.constant 0 : i32
    %dma_wait3A_62 = arith.constant 0 : i32
    %dma_wait3A_63 = arith.constant 0 : i32
    %dma_wait3A_64 = tpu.memref_slice %arg4[%dma_wait3A_61, %dma_wait3A_62, %dma_wait3A_63] : memref<50x32x16384xf32, #tpu.memory_space<hbm>> -> memref<1x32x512xf32, #tpu.memory_space<hbm>>
    %dma_wait3A_65 = tpu.memref_squeeze %dma_wait3A_64 : memref<1x32x512xf32, #tpu.memory_space<hbm>> -> memref<32x512xf32, #tpu.memory_space<hbm>>
    %dma_wait3A_66 = arith.constant 0 : i32
    %dma_wait3A_67 = arith.constant 0 : i32
    %dma_wait3A_68 = tpu.memref_slice %arg4[%dma_wait3A_61, %dma_wait3A_66, %dma_wait3A_67] : memref<50x32x16384xf32, #tpu.memory_space<hbm>> -> memref<1x32x512xf32, #tpu.memory_space<hbm>>
    %dma_wait3A_69 = tpu.memref_squeeze %dma_wait3A_68 : memref<1x32x512xf32, #tpu.memory_space<hbm>> -> memref<32x512xf32, #tpu.memory_space<hbm>>
    tpu.wait_dma2 semaphore(%arg14 : memref<!tpu.dma_semaphore, #tpu.memory_space<semaphore_mem>>) src(%arg10 : memref<32x512xf32, #tpu.memory_space<vmem>>) dst(%dma_wait3A_69 : memref<32x512xf32, #tpu.memory_space<hbm>>)
    return
  }
}

</mosaic_0001>

<sc_bundles>
// kernel: kernel.4.cloned.1.call-start
scs
__scs_entry_jumppad:
0x0: {  	(pc) =	sbr.rel $0x88, $3  }
0x1: {  	(tag) =	ssettag $0x0;
	lr =	simm.s32 $0x1  }
0x2: {  	[smem:$0x3F9F] =	sst lr;
	_ =	strace $0xD0000000  }
0x3: {  	_ = 	snop  }
0x4: {  	_ = 	snop  }
0x5: {  	_ = 	snop  }
0x6: {  	_ = 	snop  }
0x7: {  	_ = 	snop  }
__scs_overlays_trampoline_lowered:
0x8: {  	[smem:$0x3FAE] =	sst s0  }
0x9: {  	[smem:$0x3FAF] =	sst s1  }
0xa: {  	[smem:$0x3FB0] =	sst s2  }
0xb: {  	[smem:$0x3FB1] =	sst s3  }
0xc: {  	[smem:$0x3FB2] =	sst s4  }
0xd: {  	[smem:$0x3FB3] =	sst s5  }
0xe: {  	[smem:$0x3FB4] =	sst s6  }
0xf: {  	[smem:$0x3FB5] =	sst s7  }
0x10: {  	[smem:$0x3FB6] =	sst s8  }
0x11: {  	[smem:$0x3FB7] =	sst s9;
	s0 =	simm.s32 @!p0 $0x0  }
0x12: {  	s1 =	sld [smem:$0x3F9D];
	s0 =	simm.s32 @p0 $0x1  }
0x13: {  	[smem:$0x3FB8] =	sst s0;
	s0 =	simm.s32 @!p1 $0x0  }
0x14: {  	s2 =	sld [smem:$0x3F9C];
	s0 =	simm.s32 @p1 $0x1  }
0x15: {  	[smem:$0x3FB9] =	sst s0;
	s0 =	simm.s32 @!p2 $0x0  }
0x16: {  	s3 =	sld [smem:$0x3FDB];
	s0 =	simm.s32 @p2 $0x1  }
0x17: {  	s4 =	simm.s32 $0x1BF5;
	[smem:$0x3FBB] =	sst s0  }
0x18: {  	s0 =	sld [smem:$0x3F9E];
	_ =	swait.ge [sflag:s4], $0x0  }
0x19: {  	s7 =	sld [smem:$0x3F9F]  }
0x1a: {  	s8 =	sadd.s32 $0xFFFFE003, lr  }
0x1b: {  	s9 =	sadd.s32 $0xFFFFFEF7, lr;
	s5 =	simm.s32 $0xFFFFFFFF;
	p2 =	slt.u32 s8, $0xFFFFF086  }
0x1c: {  	p1 =	slt.u32 s9, $0xF7A;
	s5 =	simm.s32 @!p2 $0x0  }
0x1d: {  	s5 =	simm.s32 @p1 $0x1;
	p0 =	seq.s32 s7, s2  }
0x1e: {  	s7 =	smul.u32 @!p0 $0xF7A, s2;
	p2 =	seq.s32 @!p0 s5, $0x0  }
0x1f: {  	s9 =	smul.u32 $0xF7A, s1;
	s8 =	simm.s32 @!p0 $0x1BF5;
	p2 =	por !p2, p0  }
0x20: {  	[sflag:s8] =	ssyncset.s32 @!p0 $0xFFFFF086;
	s6 =	sadd.s32 @!p0 s3, s7;
	s7 =	simm.s32 @!p0 $0x108  }
0x21: {  	s3 =	sadd.s32 s3, s9;
	s6 =	sadd.s32 @!p0 $0x88, s6;
	s7 =	simm.s32 @p2 $0x1082  }
0x22: {  	[simem:s7], [sflag:s8] =	dma.local @!p0 [hbm:s6], $0xF7A  }
0x23: {  	s9 =	sor.u32 $0xD0000000, s2;
	s6 =	simm.s32 $0x108;
	_ =	swait.ge @!p0 [sflag:s8], $0x0  }
0x24: {  	s3 =	sadd.s32 $0x88, s3;
	s6 =	simm.s32 @!p1 $0x1082;
	[sflag:s4] =	ssyncset.s32 $0xFFFFF086  }
0x25: {  	[simem:s6], [sflag:s4] =	dma.local [hbm:s3], $0xF7A  }
0x26: {  	[smem:$0x3F9F] =	sst s1;
	(tag) =	ssettag s2;
	_ =	strace s9  }
0x27: {  	s1 =	sld [smem:$0x3FAF]  }
0x28: {  	s2 =	sld [smem:$0x3FB0]  }
0x29: {  	s4 =	sld [smem:$0x3FB2]  }
0x2a: {  	p0 =	seq.s32 s5, $0x0;
	s5 =	sld [smem:$0x3FB3]  }
0x2b: {  	s6 =	sld [smem:$0x3FB4]  }
0x2c: {  	s7 =	sld [smem:$0x3FB5]  }
0x2d: {  	s3 =	simm.s32 $0x108;
	s8 =	sld [smem:$0x3FB6]  }
0x2e: {  	s3 =	simm.s32 @!p0 $0x1082;
	s9 =	sld [smem:$0x3FB7]  }
0x2f: {  	lr =	sadd.s32 s0, s3;
	s0 =	sld [smem:$0x3FAE]  }
0x30: {  	s3 =	sld [smem:$0x3FB1]  }
0x31: {  	[smem:$0x3FBA] =	sst s10  }
0x32: {  	s10 =	sld [smem:$0x3FB8];
	_ =	sdelay $0x3  }
0x33: {  	p0 =	seq.s32 s10, $0x1;
	s10 =	sld [smem:$0x3FBA];
	_ =	sdelay $0x3  }
0x34: {  	[smem:$0x3FBA] =	sst s10  }
0x35: {  	s10 =	sld [smem:$0x3FB9];
	_ =	sdelay $0x3  }
0x36: {  	p1 =	seq.s32 s10, $0x1;
	s10 =	sld [smem:$0x3FBA];
	_ =	sdelay $0x3  }
0x37: {  	[smem:$0x3FBA] =	sst s10  }
0x38: {  	s10 =	sld [smem:$0x3FBB]  }
0x39: {  	_ = 	snop;
	(pc) =	sbr.ind lr, $3  }
0x3a: {  	_ = 	snop  }
0x3b: {  	_ = 	snop  }
0x3c: {  	p2 =	seq.s32 s10, $0x1;
	s10 =	sld [smem:$0x3FBA]  }
0x3d: {  	_ =	shalt  }
0x3e: {  	_ =	shalt  }
0x3f: {  	_ =	shalt  }
0x40: {  	_ =	shalt  }
0x41: {  	_ =	shalt  }
0x42: {  	_ =	shalt  }
0x43: {  	_ =	shalt  }
0x44: {  	_ =	shalt  }
0x45: {  	_ =	shalt  }
0x46: {  	_ =	shalt  }
0x47: {  	_ =	shalt  }
0x48: {  	_ =	shalt  }
0x49: {  	_ =	shalt  }
0x4a: {  	_ =	shalt  }
0x4b: {  	_ =	shalt  }
0x4c: {  	_ =	shalt  }
0x4d: {  	_ =	shalt  }
0x4e: {  	_ =	shalt  }
0x4f: {  	_ =	shalt  }
0x50: {  	_ =	shalt  }
0x51: {  	_ =	shalt  }
0x52: {  	_ =	shalt  }
0x53: {  	_ =	shalt  }
0x54: {  	_ =	shalt  }
0x55: {  	_ =	shalt  }
0x56: {  	_ =	shalt  }
0x57: {  	_ =	shalt  }
0x58: {  	_ =	shalt  }
0x59: {  	_ =	shalt  }
0x5a: {  	_ =	shalt  }
0x5b: {  	_ =	shalt  }
0x5c: {  	_ =	shalt  }
0x5d: {  	_ =	shalt  }
0x5e: {  	_ =	shalt  }
0x5f: {  	_ =	shalt  }
0x60: {  	_ =	shalt  }
0x61: {  	_ =	shalt  }
0x62: {  	_ =	shalt  }
0x63: {  	_ =	shalt  }
0x64: {  	_ =	shalt  }
0x65: {  	_ =	shalt  }
0x66: {  	_ =	shalt  }
0x67: {  	_ =	shalt  }
0x68: {  	_ =	shalt  }
0x69: {  	_ =	shalt  }
0x6a: {  	_ =	shalt  }
0x6b: {  	_ =	shalt  }
0x6c: {  	_ =	shalt  }
0x6d: {  	_ =	shalt  }
0x6e: {  	_ =	shalt  }
0x6f: {  	_ =	shalt  }
0x70: {  	_ =	shalt  }
0x71: {  	_ =	shalt  }
0x72: {  	_ =	shalt  }
0x73: {  	_ =	shalt  }
0x74: {  	_ =	shalt  }
0x75: {  	_ =	shalt  }
0x76: {  	_ =	shalt  }
0x77: {  	_ =	shalt  }
0x78: {  	_ =	shalt  }
0x79: {  	_ =	shalt  }
0x7a: {  	_ =	shalt  }
0x7b: {  	_ =	shalt  }
0x7c: {  	_ =	shalt  }
0x7d: {  	_ =	shalt  }
0x7e: {  	_ =	shalt  }
0x7f: {  	_ =	shalt  }
0x80: {  	_ =	shalt  }
0x81: {  	_ =	shalt  }
0x82: {  	_ =	shalt  }
0x83: {  	_ =	shalt  }
0x84: {  	_ =	shalt  }
0x85: {  	_ =	shalt  }
0x86: {  	_ =	shalt  }
0x87: {  	_ =	shalt  }
.Lfunc_end0:
.L_simem_size_0:
called_computation_lowered:
.L_overlay_start_0:
0x88: {  	s2 =	sld [smem:$0x3FD9]  }
0x89: {  	s3 =	sld [smem:$0x3FFE];
	_ =	sdelay $0x1  }
0x8a: {  	s1 =	srdreg.scid  }
0x8b: {  	s0 =	sand.u32 $0x1, s1  }
0x8c: {  	s18 =	sshll.u32 s0, $0xA;
	s2 =	sadd.s32 s3, s2  }
0x8d: {  	s2 =	sadd.s32 s2, s18  }
0x8e: {  	[smem:$0x3FC6] =	sst s2  }
0x8f: {  	_ = 	snop  }
0x90: {  	s2 =	sld [smem:$0x3FC9]  }
0x91: {  	s19 =	sld [smem:$0x3FD0];
	(tm) =	ssettm $0x1  }
0x92: {  	s4 =	sld [smem:$0x3FFB];
	_ =	sdelay $0x3  }
0x93: {  	_ =	strace s4  }
0x94: {  	s4 =	sld [smem:$0x3FFC];
	_ =	sdelay $0x3  }
0x95: {  	_ =	strace s4  }
0x96: {  	s4 =	sld [smem:$0x3FFD];
	_ =	sdelay $0x3  }
0x97: {  	_ =	strace s4  }
0x98: {  	_ =	strace $0x8FFFFFFF  }
0x99: {  	s20 =	sld [smem:$0x3FDB];
	_ =	sdelay $0x1  }
0x9a: {  	s5 =	simm.s32 $_scs_section_size  }
0x9b: {  	s6 =	simm.s32 $_size__tile_overlayer_lowered;
	s7 =	simm.s32 $_tile_overlayer_lowered  }
0x9c: {  	s23 =	simm.s32 $0x1BFF;
	s22 =	sshll.u32 s7, $0x1;
	s4 =	sadd.s32 s5, s20  }
0x9d: {  	s8 =	simm.s32 $0x0;
	s21 =	sshll.u32 s6, $0x1;
	s6 =	sadd.s32 s22, s4  }
0x9e: {  	[timem:s8], [sflag:s23] =	dma.local [hbm:s6], s21  }
0x9f: {  	_ =	swait.ge [sflag:s23], s21  }
0xa0: {  	s5 =	ssub.s32 $0x0, s21;
	[sflag:s23] =	ssyncset.done $0x0  }
0xa1: {  	[sflag:s23] =	ssyncadd.s32 s5;
	_ =	sdelay $0x1  }
0xa2: {  	s24 =	simm.s32 $0x1B8B  }
0xa3: {  	_ =	swait.ge [sflag:s24], $0x1  }
0xa4: {  	[sflag:s24] =	ssyncset.done $0x0  }
0xa5: {  	s25 =	simm.s32 $0x1B8E;
	[sflag:s24] =	ssyncadd.s32 $0xFFFFFFFF  }
0xa6: {  	s26 =	simm.s32 $execute0_lowered;
	[smem:$0x3FD2] =	sst s25  }
0xa7: {  	s5 =	sshll.u32 s26, $0x1;
	_ =	strace $0x80000046;
	[dreg:$0x1] =	wrdreg $0xFFFFFFFF  }
0xa8: {  	s28 =	simm.s32 $_size_execute0_lowered;
	s4 =	sadd.s32 s4, s5;
	[dreg:$0x0] =	wrdreg $0x0  }
0xa9: {  	s5 =	sshll.u32 s28, $0x1;
	[dreg:$0x2] =	wrdreg s4  }
0xaa: {  	[dreg:$0x3] =	wrdreg s5  }
0xab: {  	[dreg:$0x4] =	wrdreg $0xC0  }
0xac: {  	_ =	task [dreg:s8], $0x5FFFF  }
0xad: {  	[dreg:$0x1] =	wrdreg $0xFFFFFFFF  }
0xae: {  	[dreg:$0x0] =	wrdreg $0x60  }
0xaf: {  	[dreg:$0x2] =	wrdreg s2  }
0xb0: {  	[dreg:$0x3] =	wrdreg s19  }
0xb1: {  	[dreg:$0x4] =	wrdreg $0x9  }
0xb2: {  	_ =	task.clear_ibuf [dreg:s8], $0x5FFFF;
	_ =	strace $0x90000046  }
0xb3: {  	s29 =	simm.s32 $0x9;
	_ =	strace $0x80000048  }
0xb4: {  	_ =	swait.ge [sflag:s29], $0x1  }
0xb5: {  	[sflag:s29] =	ssyncadd.s32 $0xFFFFFFFF  }
0xb6: {  	_ =	strace $0x90000048  }
0xb7: {  	_ =	sfence  }
0xb8: {  	s30 =	sld [smem:$0x0];
	_ =	sdelay $0x2  }
0xb9: {  	s31 =	sshll.u32 s1, $0xD;
	s1 =	sshrl.u32 s1, $0x2  }
0xba: {  	s3 =	sand.u32 $0x4000, s31;
	s1 =	sadd.s32 s1, s30  }
0xbb: {  	s0 =	sor.u32 s3, s0;
	s1 =	sshll.u32 s1, $0x11  }
0xbc: {  	s0 =	sor.u32 s1, s0  }
0xbd: {  	s0 =	sadd.s32 $0x8F2B, s0  }
0xbe: {  	[sflag:s0] =	ssyncadd.remote.s32 $0x1  }
0xbf: {  	_ =	sfence.sel $0xFFFF  }
0xc0: {  	[dreg:$0x0] =	wrdreg $0xFFFFFFFF;
	(pc) =	sbr.abs _section_cstart, $3  }
0xc1: {  	[dreg:$0x1] =	wrdreg $0xFFFFFFFF  }
0xc2: {  	_ =	task.clear_ibuf [dreg:s8], $0x2FFFF;
	_ =	strace $0x9FFFFFFF  }
0xc3: {  	(tm) =	ssettm $0x7FFFFFFF  }
tec
execute0_lowered:
.L_overlay_start_1:
0x0: {  	(tag) =	ssettag $0x1  }
0x1: {  	s0 =	rddreg [dreg:$0x0]  }
0x2: {  	s1 =	srdreg.scid;
	s11 =	stileid.u32  }
0x3: {  	s2 =	rddreg [dreg:$0x1];
	s3 =	simm.s32 $0x0;
	s19 =	simm.s32 $0x400  }
0x4: {  	s20 =	simm.s32 $0x20000;
	s31 =	simm.s32 $0x2;
	s1 =	sand.u32 $0x1, s1  }
0x5: {  	s4 =	sshll.u32 s11, $0x1;
	[smem:$0x7FF] =	sst s3;
	s29 =	sshll.u32 s11, $0x8  }
0x6: {  	s5 =	sor.u32 s1, s4;
	s21 =	ssub.s32 $0x2, s1;
	_ =	strace $0x80000047  }
0x7: {  	s1 =	sshll.u32 s1, $0x7;
	s8 =	sshll.u32 s5, $0x7;
	s6 =	sshrl.u32 s21, $0x1  }
0x8: {  	s10 =	sshll.u32 s5, $0x4;
	s30 =	sor.u32 s1, s29;
	s7 =	sadd.s32 s8, s0  }
0x9: {  	s9 =	ssub.s32 s21, s6;
	s10 =	sadd.s32 s10, s2;
	s8 =	sand.u32 $0x380, s8  }
0xa: {  	s0 =	sadd.s32 s29, s0;
	[dreg:$0x3] =	wrdreg s30;
	s12 =	sadd.s32 $0x18000, s10  }
0xb: {  	s21 =	simm.s32 $0x6000;
	s22 =	sadd.s32 $0x18800, s10;
	[dreg:$0x4] =	wrdreg s12  }
0xc: {  	s4 =	sadd.s32 $0x18000, s7;
	s23 =	sadd.s32 $0x18200, s10;
	[dreg:$0x5] =	wrdreg s22  }
0xd: {  	s5 =	sadd.s32 $0x19000, s7;
	s24 =	sadd.s32 $0x18A00, s10;
	[dreg:$0x6] =	wrdreg s23  }
0xe: {  	s6 =	sadd.s32 $0x1A000, s7;
	s25 =	sadd.s32 $0x18400, s10;
	[dreg:$0x7] =	wrdreg s24  }
0xf: {  	s7 =	sadd.s32 $0x1B000, s7;
	s26 =	sadd.s32 $0x18C00, s10;
	[dreg:$0x8] =	wrdreg s25  }
0x10: {  	s28 =	sadd.s32 $0x18600, s10;
	s10 =	sadd.s32 $0x18E00, s10;
	[dreg:$0x9] =	wrdreg s26  }
0x11: {  	s17 =	smax.u32 s9, $0x1;
	s18 =	sadd.s32 s1, s0;
	[dreg:$0xa] =	wrdreg s28  }
0x12: {  	s1 =	simm.s32 $0x0;
	[dreg:$0xb] =	wrdreg s10;
	s22 =	simm.s32 $0x6400  }
0x13: {  	s23 =	simm.s32 $0x6800;
	s24 =	simm.s32 $0x6C00;
	s25 =	simm.s32 $0x1  }
.LBB2_1:
0x14: {  	s0 =	simm.s32 $0x1000;
	s9 =	simm.s32 $0x0;
	s10 =	sadd.s32 $0x0, s18  }
.LBB2_2:
0x15: {  	[tilespmem:s9], [sflag:$0x1] =	stream.linear.gather [hbm4b:s10+s3], $0x400, $0x38;
	[tilespmem:$0x7000] =	vst v63  }
0x16: {  	s10 =	smov.u32 s0;
	p0 =	sne.s32 s0, $0x17000  }
.Ltmp0:
0x17: {  	s0 =	sadd.s32 $0x1000, s0;
	(pc) =	sbr.rel @p0 .LBB2_2-.Ltmp0, $2  }
0x18: {  	_ =	sdelay $0x2  }
0x19: {  	s9 =	sshra.s32 s10, $0x2;
	s10 =	sadd.s32 s10, s18  }
0x1a: {  	[tilespmem:s9], [sflag:$0x1] =	stream.linear.gather [hbm4b:s10+s3], $0x400, $0x38;
	[tilespmem:$0x7000] =	vst v63  }
0x1b: {  	_ = 	snop  }
0x1c: {  	[tilespmem:s21], [sflag:$0x1] =	stream.strided.gather [hbm4b:s4+s19], $0x0, s20, s19, $0x38;
	[tilespmem:$0x7000] =	vst v63  }
0x1d: {  	s0 =	simm.s32 $0x0  }
0x1e: {  	[tilespmem:s21], [sflag:$0x1] =	stream.linear.gather [hbm4b:s4+s0], $0x100, $0x38;
	[tilespmem:$0x7000] =	vst v63  }
0x1f: {  	_ = 	snop  }
0x20: {  	[tilespmem:s22], [sflag:$0x1] =	stream.strided.gather [hbm4b:s5+s19], $0x0, s20, s19, $0x38;
	[tilespmem:$0x7000] =	vst v63  }
0x21: {  	_ = 	snop  }
0x22: {  	[tilespmem:s22], [sflag:$0x1] =	stream.linear.gather [hbm4b:s5+s0], $0x100, $0x38;
	[tilespmem:$0x7000] =	vst v63  }
0x23: {  	_ = 	snop  }
0x24: {  	[tilespmem:s23], [sflag:$0x1] =	stream.strided.gather [hbm4b:s6+s19], $0x0, s20, s19, $0x38;
	[tilespmem:$0x7000] =	vst v63  }
0x25: {  	_ = 	snop  }
0x26: {  	[tilespmem:s23], [sflag:$0x1] =	stream.linear.gather [hbm4b:s6+s0], $0x100, $0x38;
	[tilespmem:$0x7000] =	vst v63  }
0x27: {  	_ = 	snop  }
0x28: {  	[tilespmem:s24], [sflag:$0x1] =	stream.strided.gather [hbm4b:s7+s19], $0x0, s20, s19, $0x38;
	[tilespmem:$0x7000] =	vst v63  }
0x29: {  	_ = 	snop  }
0x2a: {  	[tilespmem:s24], [sflag:$0x1] =	stream.linear.gather [hbm4b:s7+s0], $0x100, $0x38;
	[tilespmem:$0x7000] =	vst v63  }
0x2b: {  	_ =	swait.ge [sflag:s25], $0x400  }
0x2c: {  	[sflag:s25] =	ssyncset.done $0x0  }
0x2d: {  	[sflag:s25] =	ssyncadd.s32 $0xFFFFFC00  }
0x2e: {  	_ =	swait.ge [sflag:s25], $0x400  }
0x2f: {  	[sflag:s25] =	ssyncset.done $0x0  }
0x30: {  	[sflag:s25] =	ssyncadd.s32 $0xFFFFFC00  }
0x31: {  	_ =	swait.ge [sflag:s25], $0x400  }
0x32: {  	[sflag:s25] =	ssyncset.done $0x0  }
0x33: {  	[sflag:s25] =	ssyncadd.s32 $0xFFFFFC00  }
0x34: {  	_ =	swait.ge [sflag:s25], $0x400  }
0x35: {  	[sflag:s25] =	ssyncset.done $0x0  }
0x36: {  	[sflag:s25] =	ssyncadd.s32 $0xFFFFFC00  }
0x37: {  	_ =	swait.ge [sflag:s25], $0x400  }
0x38: {  	[sflag:s25] =	ssyncset.done $0x0  }
0x39: {  	[sflag:s25] =	ssyncadd.s32 $0xFFFFFC00  }
0x3a: {  	_ =	swait.ge [sflag:s25], $0x400  }
0x3b: {  	[sflag:s25] =	ssyncset.done $0x0  }
0x3c: {  	[sflag:s25] =	ssyncadd.s32 $0xFFFFFC00  }
0x3d: {  	_ =	swait.ge [sflag:s25], $0x400  }
0x3e: {  	[sflag:s25] =	ssyncset.done $0x0  }
0x3f: {  	[sflag:s25] =	ssyncadd.s32 $0xFFFFFC00  }
0x40: {  	_ =	swait.ge [sflag:s25], $0x400  }
0x41: {  	[sflag:s25] =	ssyncset.done $0x0  }
0x42: {  	[sflag:s25] =	ssyncadd.s32 $0xFFFFFC00  }
0x43: {  	_ =	swait.ge [sflag:s25], $0x400  }
0x44: {  	[sflag:s25] =	ssyncset.done $0x0  }
0x45: {  	[sflag:s25] =	ssyncadd.s32 $0xFFFFFC00  }
0x46: {  	_ =	swait.ge [sflag:s25], $0x400  }
0x47: {  	[sflag:s25] =	ssyncset.done $0x0  }
0x48: {  	[sflag:s25] =	ssyncadd.s32 $0xFFFFFC00  }
0x49: {  	_ =	swait.ge [sflag:s25], $0x400  }
0x4a: {  	[sflag:s25] =	ssyncset.done $0x0  }
0x4b: {  	[sflag:s25] =	ssyncadd.s32 $0xFFFFFC00  }
0x4c: {  	_ =	swait.ge [sflag:s25], $0x400  }
0x4d: {  	[sflag:s25] =	ssyncset.done $0x0  }
0x4e: {  	[sflag:s25] =	ssyncadd.s32 $0xFFFFFC00  }
0x4f: {  	_ =	swait.ge [sflag:s25], $0x400  }
0x50: {  	[sflag:s25] =	ssyncset.done $0x0  }
0x51: {  	[sflag:s25] =	ssyncadd.s32 $0xFFFFFC00  }
0x52: {  	_ =	swait.ge [sflag:s25], $0x400  }
0x53: {  	[sflag:s25] =	ssyncset.done $0x0  }
0x54: {  	[sflag:s25] =	ssyncadd.s32 $0xFFFFFC00  }
0x55: {  	_ =	swait.ge [sflag:s25], $0x400  }
0x56: {  	[sflag:s25] =	ssyncset.done $0x0  }
0x57: {  	[sflag:s25] =	ssyncadd.s32 $0xFFFFFC00  }
0x58: {  	_ =	swait.ge [sflag:s25], $0x400  }
0x59: {  	[sflag:s25] =	ssyncset.done $0x0  }
0x5a: {  	[sflag:s25] =	ssyncadd.s32 $0xFFFFFC00  }
0x5b: {  	_ =	swait.ge [sflag:s25], $0x400  }
0x5c: {  	[sflag:s25] =	ssyncset.done $0x0  }
0x5d: {  	[sflag:s25] =	ssyncadd.s32 $0xFFFFFC00  }
0x5e: {  	_ =	swait.ge [sflag:s25], $0x400  }
0x5f: {  	[sflag:s25] =	ssyncset.done $0x0  }
0x60: {  	[sflag:s25] =	ssyncadd.s32 $0xFFFFFC00  }
0x61: {  	_ =	swait.ge [sflag:s25], $0x400  }
0x62: {  	[sflag:s25] =	ssyncset.done $0x0  }
0x63: {  	[sflag:s25] =	ssyncadd.s32 $0xFFFFFC00  }
0x64: {  	_ =	swait.ge [sflag:s25], $0x400  }
0x65: {  	[sflag:s25] =	ssyncset.done $0x0  }
0x66: {  	[sflag:s25] =	ssyncadd.s32 $0xFFFFFC00  }
0x67: {  	_ =	swait.ge [sflag:s25], $0x400  }
0x68: {  	[sflag:s25] =	ssyncset.done $0x0  }
0x69: {  	[sflag:s25] =	ssyncadd.s32 $0xFFFFFC00  }
0x6a: {  	_ =	swait.ge [sflag:s25], $0x400  }
0x6b: {  	[sflag:s25] =	ssyncset.done $0x0  }
0x6c: {  	[sflag:s25] =	ssyncadd.s32 $0xFFFFFC00  }
0x6d: {  	_ =	swait.ge [sflag:s25], $0x400  }
0x6e: {  	[sflag:s25] =	ssyncset.done $0x0  }
0x6f: {  	[sflag:s25] =	ssyncadd.s32 $0xFFFFFC00  }
0x70: {  	_ =	swait.ge [sflag:s25], $0x400  }
0x71: {  	[sflag:s25] =	ssyncset.done $0x0  }
0x72: {  	[sflag:s25] =	ssyncadd.s32 $0xFFFFFC00  }
0x73: {  	_ =	swait.ge [sflag:s25], $0x100  }
0x74: {  	[sflag:s25] =	ssyncset.done $0x0  }
0x75: {  	[sflag:s25] =	ssyncadd.s32 $0xFFFFFF00  }
0x76: {  	_ =	swait.ge [sflag:s25], $0x100  }
0x77: {  	[sflag:s25] =	ssyncset.done $0x0  }
0x78: {  	[sflag:s25] =	ssyncadd.s32 $0xFFFFFF00  }
0x79: {  	_ =	swait.ge [sflag:s25], $0x100  }
0x7a: {  	[sflag:s25] =	ssyncset.done $0x0  }
0x7b: {  	s12 =	simm.s32 $0x0;
	[sflag:s25] =	ssyncadd.s32 $0xFFFFFF00  }
0x7c: {  	s0 =	smul.u32 $0x1C000, s12;
	_ =	swait.ge [sflag:s25], $0x100  }
0x7d: {  	s13 =	rddreg [dreg:$0x3]  }
0x7e: {  	s0 =	sor.u32 s0, s13  }
0x7f: {  	s30 =	simm.s32 $0x100;
	s9 =	sadd.s32 $0x0, s0  }
0x80: {  	[sflag:s25] =	ssyncset.done $0x0;
	s14 =	sand.u32 $0xFFFFFC00, s9;
	s26 =	sadd.s32 $0x4000, s9  }
0x81: {  	[sflag:s25] =	ssyncadd.s32 $0xFFFFFF00;
	s10 =	sor.u32 s8, s14;
	s28 =	sand.u32 $0xFFFFFC00, s26  }
0x82: {  	s29 =	sadd.s32 $0x8000, s9;
	s10 =	sshrl.u32 s10, $0x3;
	s28 =	sor.u32 s8, s28  }
0x83: {  	s26 =	simm.s32 $0x0;
	s10 =	sadd.s32 s2, s10;
	s28 =	sshrl.u32 s28, $0x3  }
0x84: {  	[hbm4b:s10+s3] =	stream.linear.scatter [tilespmem:s26], [sflag:$0x2], $0x80, $0x38;
	[tilespmem:$0x7000] =	vst v63  }
0x85: {  	s15 =	sand.u32 $0xFFFFFC00, s29;
	s29 =	simm.s32 $0x80;
	s28 =	sadd.s32 s2, s28  }
0x86: {  	[hbm4b:s28+s3] =	stream.linear.scatter [tilespmem:s29], [sflag:$0x2], $0x80, $0x38;
	[tilespmem:$0x7000] =	vst v63  }
0x87: {  	s0 =	simm.s32 $0x1000;
	s10 =	sor.u32 s8, s15;
	s29 =	sadd.s32 $0xC000, s9  }
0x88: {  	s10 =	sshrl.u32 s10, $0x3;
	s28 =	sadd.s32 $0x10000, s9;
	s29 =	sand.u32 $0xFFFFFC00, s29  }
0x89: {  	s10 =	sadd.s32 s2, s10;
	s28 =	sand.u32 $0xFFFFFC00, s28;
	s29 =	sor.u32 s8, s29  }
0x8a: {  	[hbm4b:s10+s3] =	stream.linear.scatter [tilespmem:s30], [sflag:$0x2], $0x80, $0x38;
	[tilespmem:$0x7000] =	vst v63  }
0x8b: {  	s16 =	sadd.s32 $0x14000, s9;
	s30 =	sor.u32 s8, s28;
	s28 =	sshrl.u32 s29, $0x3  }
0x8c: {  	s10 =	sand.u32 $0xFFFFFC00, s16;
	s29 =	simm.s32 $0x180;
	s28 =	sadd.s32 s2, s28  }
0x8d: {  	[hbm4b:s28+s3] =	stream.linear.scatter [tilespmem:s29], [sflag:$0x2], $0x80, $0x38;
	[tilespmem:$0x7000] =	vst v63  }
0x8e: {  	s11 =	sadd.s32 $0x1C000, s9;
	s10 =	sor.u32 s8, s10;
	s29 =	sshrl.u32 s30, $0x3  }
0x8f: {  	s10 =	sshrl.u32 s10, $0x3;
	s30 =	simm.s32 $0x200;
	s29 =	sadd.s32 s2, s29  }
0x90: {  	[hbm4b:s29+s3] =	stream.linear.scatter [tilespmem:s30], [sflag:$0x2], $0x80, $0x38;
	[tilespmem:$0x7000] =	vst v63  }
0x91: {  	s28 =	simm.s32 $0x1;
	s29 =	sadd.s32 s2, s10;
	s30 =	sadd.s32 $0x18000, s9  }
0x92: {  	s10 =	simm.s32 $0x280;
	s9 =	sand.u32 $0xFFFFFC00, s30;
	s30 =	sand.u32 $0xFFFFFC00, s11  }
.LBB2_4:
0x93: {  	[hbm4b:s29+s3] =	stream.linear.scatter [tilespmem:s10], [sflag:$0x2], $0x80, $0x38;
	[tilespmem:$0x7000] =	vst v63  }
0x94: {  	s9 =	sor.u32 s8, s9;
	s14 =	sadd.s32 $0x300, s26;
	s11 =	sor.u32 s8, s30  }
0x95: {  	s15 =	sadd.s32 $0x380, s26;
	s29 =	sshrl.u32 s28, $0x2;
	s30 =	rddreg [dreg:$0x3]  }
0x96: {  	p0 =	sne.s32 s0, $0x17000;
	s13 =	smov.u32 s0;
	s9 =	sshrl.u32 s9, $0x3  }
0x97: {  	s0 =	sadd.s32 $0x1000, s0;
	s16 =	smul.u32 $0x1C000, s29;
	s9 =	sadd.s32 s2, s9  }
0x98: {  	[hbm4b:s9+s3] =	stream.linear.scatter [tilespmem:s14], [sflag:$0x2], $0x80, $0x38;
	[tilespmem:$0x7000] =	vst v63  }
0x99: {  	s28 =	sadd.s32 $0x1, s28;
	s11 =	sshrl.u32 s11, $0x3;
	s9 =	sor.u32 s16, s30  }
0x9a: {  	s26 =	sshra.s32 s13, $0x2;
	s12 =	sadd.s32 s2, s11;
	s9 =	sadd.s32 s9, s13  }
0x9b: {  	[hbm4b:s12+s3] =	stream.linear.scatter [tilespmem:s15], [sflag:$0x2], $0x80, $0x38;
	[tilespmem:$0x7000] =	vst v63  }
0x9c: {  	s16 =	sadd.s32 $0x80, s26;
	s13 =	sadd.s32 $0x100, s26;
	s14 =	sand.u32 $0xFFFFFC00, s9  }
0x9d: {  	s15 =	sadd.s32 $0x4000, s9;
	s29 =	sadd.s32 $0x14000, s9;
	s30 =	sadd.s32 $0x10000, s9  }
0x9e: {  	s12 =	sadd.s32 $0x8000, s9;
	s10 =	sor.u32 s8, s14;
	s11 =	sand.u32 $0xFFFFFC00, s15  }
0x9f: {  	s12 =	sand.u32 $0xFFFFFC00, s12;
	s14 =	sadd.s32 $0x200, s26;
	s15 =	sadd.s32 $0xC000, s9  }
0xa0: {  	s30 =	sand.u32 $0xFFFFFC00, s30;
	s10 =	sshrl.u32 s10, $0x3;
	s11 =	sor.u32 s8, s11  }
0xa1: {  	s12 =	sor.u32 s8, s12;
	s15 =	sand.u32 $0xFFFFFC00, s15;
	s11 =	sshrl.u32 s11, $0x3  }
0xa2: {  	s10 =	sadd.s32 s2, s10;
	s12 =	sshrl.u32 s12, $0x3;
	s11 =	sadd.s32 s2, s11  }
0xa3: {  	[hbm4b:s10+s3] =	stream.linear.scatter [tilespmem:s26], [sflag:$0x2], $0x80, $0x38;
	[tilespmem:$0x7000] =	vst v63  }
0xa4: {  	s10 =	sadd.s32 s2, s12;
	s12 =	sor.u32 s8, s15;
	s15 =	sor.u32 s8, s30  }
0xa5: {  	[hbm4b:s11+s3] =	stream.linear.scatter [tilespmem:s16], [sflag:$0x2], $0x80, $0x38;
	[tilespmem:$0x7000] =	vst v63  }
0xa6: {  	s16 =	sshrl.u32 s12, $0x3;
	s12 =	sshrl.u32 s15, $0x3;
	s15 =	sand.u32 $0xFFFFFC00, s29  }
0xa7: {  	s11 =	sadd.s32 s2, s16;
	s16 =	sadd.s32 $0x180, s26;
	s15 =	sor.u32 s8, s15  }
0xa8: {  	[hbm4b:s10+s3] =	stream.linear.scatter [tilespmem:s13], [sflag:$0x2], $0x80, $0x38;
	[tilespmem:$0x7000] =	vst v63  }
.Ltmp1:
0xa9: {  	s10 =	sadd.s32 s2, s12;
	s13 =	sshrl.u32 s15, $0x3;
	(pc) =	sbr.rel @p0 .LBB2_4-.Ltmp1, $4  }
0xaa: {  	[hbm4b:s11+s3] =	stream.linear.scatter [tilespmem:s16], [sflag:$0x2], $0x80, $0x38;
	[tilespmem:$0x7000] =	vst v63  }
0xab: {  	s15 =	sadd.s32 $0x18000, s9;
	s29 =	sadd.s32 s2, s13;
	s16 =	sadd.s32 $0x1C000, s9  }
0xac: {  	[hbm4b:s10+s3] =	stream.linear.scatter [tilespmem:s14], [sflag:$0x2], $0x80, $0x38;
	[tilespmem:$0x7000] =	vst v63  }
0xad: {  	s9 =	sand.u32 $0xFFFFFC00, s15;
	s30 =	sand.u32 $0xFFFFFC00, s16;
	s10 =	sadd.s32 $0x280, s26  }
0xae: {  	[hbm4b:s29+s3] =	stream.linear.scatter [tilespmem:s10], [sflag:$0x2], $0x80, $0x38;
	[tilespmem:$0x7000] =	vst v63  }
0xaf: {  	s0 =	sor.u32 s8, s9  }
0xb0: {  	s0 =	sshrl.u32 s0, $0x3  }
0xb1: {  	s28 =	sadd.s32 $0x300, s26;
	s29 =	sor.u32 s8, s30;
	s0 =	sadd.s32 s2, s0  }
0xb2: {  	[hbm4b:s0+s3] =	stream.linear.scatter [tilespmem:s28], [sflag:$0x2], $0x80, $0x38;
	[tilespmem:$0x7000] =	vst v63  }
0xb3: {  	s0 =	sshrl.u32 s29, $0x3  }
0xb4: {  	s30 =	sadd.s32 $0x380, s26;
	s0 =	sadd.s32 s2, s0  }
0xb5: {  	[hbm4b:s0+s3] =	stream.linear.scatter [tilespmem:s30], [sflag:$0x2], $0x80, $0x38;
	[tilespmem:$0x7000] =	vst v63  }
0xb6: {  	s9 =	rddreg [dreg:$0x4]  }
0xb7: {  	[hbm4b:s9+s3] =	stream.linear.scatter [tilespmem:s21], [sflag:$0x2], $0x80, $0x38;
	[tilespmem:$0x7000] =	vst v63  }
0xb8: {  	s10 =	rddreg [dreg:$0x5];
	s11 =	simm.s32 $0x6080  }
0xb9: {  	[hbm4b:s10+s3] =	stream.linear.scatter [tilespmem:s11], [sflag:$0x2], $0x80, $0x38;
	[tilespmem:$0x7000] =	vst v63  }
0xba: {  	s12 =	rddreg [dreg:$0x6]  }
0xbb: {  	[hbm4b:s12+s3] =	stream.linear.scatter [tilespmem:s22], [sflag:$0x2], $0x80, $0x38;
	[tilespmem:$0x7000] =	vst v63  }
0xbc: {  	s13 =	rddreg [dreg:$0x7];
	s14 =	simm.s32 $0x6480  }
0xbd: {  	[hbm4b:s13+s3] =	stream.linear.scatter [tilespmem:s14], [sflag:$0x2], $0x80, $0x38;
	[tilespmem:$0x7000] =	vst v63  }
0xbe: {  	s15 =	rddreg [dreg:$0x8]  }
0xbf: {  	[hbm4b:s15+s3] =	stream.linear.scatter [tilespmem:s23], [sflag:$0x2], $0x80, $0x38;
	[tilespmem:$0x7000] =	vst v63  }
0xc0: {  	s16 =	rddreg [dreg:$0x9];
	s26 =	simm.s32 $0x6880  }
0xc1: {  	[hbm4b:s16+s3] =	stream.linear.scatter [tilespmem:s26], [sflag:$0x2], $0x80, $0x38;
	[tilespmem:$0x7000] =	vst v63  }
0xc2: {  	s28 =	rddreg [dreg:$0xa]  }
0xc3: {  	[hbm4b:s28+s3] =	stream.linear.scatter [tilespmem:s24], [sflag:$0x2], $0x80, $0x38;
	[tilespmem:$0x7000] =	vst v63  }
0xc4: {  	s29 =	rddreg [dreg:$0xb];
	s30 =	simm.s32 $0x6C80  }
0xc5: {  	[hbm4b:s29+s3] =	stream.linear.scatter [tilespmem:s30], [sflag:$0x2], $0x80, $0x38;
	[tilespmem:$0x7000] =	vst v63  }
0xc6: {  	_ =	swait.ge [sflag:s31], $0x400  }
0xc7: {  	[sflag:s31] =	ssyncset.done $0x0  }
0xc8: {  	[sflag:s31] =	ssyncadd.s32 $0xFFFFFC00  }
0xc9: {  	_ =	swait.ge [sflag:s31], $0x400  }
0xca: {  	[sflag:s31] =	ssyncset.done $0x0  }
0xcb: {  	[sflag:s31] =	ssyncadd.s32 $0xFFFFFC00  }
0xcc: {  	_ =	swait.ge [sflag:s31], $0x400  }
0xcd: {  	[sflag:s31] =	ssyncset.done $0x0  }
0xce: {  	[sflag:s31] =	ssyncadd.s32 $0xFFFFFC00  }
0xcf: {  	_ =	swait.ge [sflag:s31], $0x400  }
0xd0: {  	[sflag:s31] =	ssyncset.done $0x0  }
0xd1: {  	[sflag:s31] =	ssyncadd.s32 $0xFFFFFC00  }
0xd2: {  	_ =	swait.ge [sflag:s31], $0x400  }
0xd3: {  	[sflag:s31] =	ssyncset.done $0x0  }
0xd4: {  	[sflag:s31] =	ssyncadd.s32 $0xFFFFFC00  }
0xd5: {  	_ =	swait.ge [sflag:s31], $0x400  }
0xd6: {  	[sflag:s31] =	ssyncset.done $0x0  }
0xd7: {  	[sflag:s31] =	ssyncadd.s32 $0xFFFFFC00  }
0xd8: {  	_ =	swait.ge [sflag:s31], $0x400  }
0xd9: {  	[sflag:s31] =	ssyncset.done $0x0  }
0xda: {  	[sflag:s31] =	ssyncadd.s32 $0xFFFFFC00  }
0xdb: {  	_ =	swait.ge [sflag:s31], $0x400  }
0xdc: {  	[sflag:s31] =	ssyncset.done $0x0  }
0xdd: {  	[sflag:s31] =	ssyncadd.s32 $0xFFFFFC00  }
0xde: {  	_ =	swait.ge [sflag:s31], $0x400  }
0xdf: {  	[sflag:s31] =	ssyncset.done $0x0  }
0xe0: {  	[sflag:s31] =	ssyncadd.s32 $0xFFFFFC00  }
0xe1: {  	_ =	swait.ge [sflag:s31], $0x400  }
0xe2: {  	[sflag:s31] =	ssyncset.done $0x0  }
0xe3: {  	[sflag:s31] =	ssyncadd.s32 $0xFFFFFC00  }
0xe4: {  	_ =	swait.ge [sflag:s31], $0x400  }
0xe5: {  	[sflag:s31] =	ssyncset.done $0x0  }
0xe6: {  	[sflag:s31] =	ssyncadd.s32 $0xFFFFFC00  }
0xe7: {  	_ =	swait.ge [sflag:s31], $0x400  }
0xe8: {  	[sflag:s31] =	ssyncset.done $0x0  }
0xe9: {  	[sflag:s31] =	ssyncadd.s32 $0xFFFFFC00  }
0xea: {  	_ =	swait.ge [sflag:s31], $0x400  }
0xeb: {  	[sflag:s31] =	ssyncset.done $0x0  }
0xec: {  	[sflag:s31] =	ssyncadd.s32 $0xFFFFFC00  }
0xed: {  	_ =	swait.ge [sflag:s31], $0x400  }
0xee: {  	[sflag:s31] =	ssyncset.done $0x0  }
0xef: {  	[sflag:s31] =	ssyncadd.s32 $0xFFFFFC00  }
0xf0: {  	_ =	swait.ge [sflag:s31], $0x400  }
0xf1: {  	[sflag:s31] =	ssyncset.done $0x0  }
0xf2: {  	[sflag:s31] =	ssyncadd.s32 $0xFFFFFC00  }
0xf3: {  	_ =	swait.ge [sflag:s31], $0x400  }
0xf4: {  	[sflag:s31] =	ssyncset.done $0x0  }
0xf5: {  	[sflag:s31] =	ssyncadd.s32 $0xFFFFFC00  }
0xf6: {  	_ =	swait.ge [sflag:s31], $0x400  }
0xf7: {  	[sflag:s31] =	ssyncset.done $0x0  }
0xf8: {  	[sflag:s31] =	ssyncadd.s32 $0xFFFFFC00  }
0xf9: {  	_ =	swait.ge [sflag:s31], $0x400  }
0xfa: {  	[sflag:s31] =	ssyncset.done $0x0  }
0xfb: {  	[sflag:s31] =	ssyncadd.s32 $0xFFFFFC00  }
0xfc: {  	_ =	swait.ge [sflag:s31], $0x400  }
0xfd: {  	[sflag:s31] =	ssyncset.done $0x0  }
0xfe: {  	[sflag:s31] =	ssyncadd.s32 $0xFFFFFC00  }
0xff: {  	_ =	swait.ge [sflag:s31], $0x400  }
0x100: {  	[sflag:s31] =	ssyncset.done $0x0  }
0x101: {  	[sflag:s31] =	ssyncadd.s32 $0xFFFFFC00  }
0x102: {  	_ =	swait.ge [sflag:s31], $0x400  }
0x103: {  	[sflag:s31] =	ssyncset.done $0x0  }
0x104: {  	[sflag:s31] =	ssyncadd.s32 $0xFFFFFC00  }
0x105: {  	_ =	swait.ge [sflag:s31], $0x400  }
0x106: {  	[sflag:s31] =	ssyncset.done $0x0  }
0x107: {  	[sflag:s31] =	ssyncadd.s32 $0xFFFFFC00  }
0x108: {  	_ =	swait.ge [sflag:s31], $0x400  }
0x109: {  	[sflag:s31] =	ssyncset.done $0x0  }
0x10a: {  	[sflag:s31] =	ssyncadd.s32 $0xFFFFFC00  }
0x10b: {  	_ =	swait.ge [sflag:s31], $0x400  }
0x10c: {  	[sflag:s31] =	ssyncset.done $0x0  }
0x10d: {  	[sflag:s31] =	ssyncadd.s32 $0xFFFFFC00  }
0x10e: {  	_ =	swait.ge [sflag:s31], $0x100  }
0x10f: {  	[sflag:s31] =	ssyncset.done $0x0  }
0x110: {  	[sflag:s31] =	ssyncadd.s32 $0xFFFFFF00  }
0x111: {  	_ =	swait.ge [sflag:s31], $0x100  }
0x112: {  	[sflag:s31] =	ssyncset.done $0x0  }
0x113: {  	s1 =	sadd.s32 $0x1, s1;
	[sflag:s31] =	ssyncadd.s32 $0xFFFFFF00  }
0x114: {  	p0 =	sne.s32 s1, s17;
	_ =	swait.ge [sflag:s31], $0x100  }
.Ltmp2:
0x115: {  	[sflag:s31] =	ssyncset.done $0x0;
	(pc) =	sbr.rel @p0 .LBB2_1-.Ltmp2, $4  }
0x116: {  	[sflag:s31] =	ssyncadd.s32 $0xFFFFFF00  }
0x117: {  	_ =	swait.ge [sflag:s31], $0x100  }
0x118: {  	[sflag:s31] =	ssyncset.done $0x0  }
0x119: {  	[sflag:s31] =	ssyncadd.s32 $0xFFFFFF00  }
0x11a: {  	_ =	sfence.sel $0x180000  }
0x11b: {  	[bflag:$0x0] =	sbarrier.arrive $0xFFFF  }
0x11c: {  	_ =	strace $0x90000047  }
0x11d: {  	s0 =	stileid.u32;
	[bflag:$0x2] =	sbarrier.arrive $0xFFFF  }
0x11e: {  	p0 =	sne.s32 s0, $0x0;
	s0 =	rddreg [dreg:$0x2]  }
0x11f: {  	s0 =	sadd.s32 @!p0 $0x100000, s0  }
0x120: {  	[sflag:s0] =	ssyncadd.tile.s32 @!p0 $0x1;
	_ =	shalt  }
.Lfunc_end2:
_tile_overlayer_lowered:
.L_overlay_start_2:
0x121: {  	(tag) =	ssettag $0x2  }
0x122: {  	s0 =	rddreg [dreg:$0x0];
	s2 =	stileid.u32  }
0x123: {  	s1 =	rddreg [dreg:$0x1];
	p0 =	sne.s32 s2, $0x0  }
0x124: {  	s3 =	rddreg [dreg:$0x2];
	[bflag:$0x3] =	sbarrier.arrive $0xFFFF;
	s2 =	simm.s32 @!p0 $0x1C03  }
0x125: {  	[timem:s3], [sflag:s2] =	dma.local @!p0 [hbm:s0], s1  }
0x126: {  	s0 =	simm.s32 @!p0 $0x3  }
0x127: {  	_ =	swait.ge @!p0 [sflag:s0], s1  }
0x128: {  	s1 =	ssub.s32 @!p0 $0x0, s1;
	[sflag:s0] =	ssyncset.done @!p0 $0x0  }
0x129: {  	[sflag:s0] =	ssyncadd.s32 @!p0 s1  }
0x12a: {  	[bflag:$0x3] =	sbarrier.arrive $0xFFFF  }
0x12b: {  	_ =	shalt  }

// kernel: kernel.7.cloned.1.call-start
scs
__scs_entry_jumppad:
0x0: {  	(pc) =	sbr.rel $0x88, $3  }
0x1: {  	(tag) =	ssettag $0x0;
	lr =	simm.s32 $0x1  }
0x2: {  	[smem:$0x3F9F] =	sst lr;
	_ =	strace $0xD0000000  }
0x3: {  	_ = 	snop  }
0x4: {  	_ = 	snop  }
0x5: {  	_ = 	snop  }
0x6: {  	_ = 	snop  }
0x7: {  	_ = 	snop  }
__scs_overlays_trampoline_lowered:
0x8: {  	[smem:$0x3FAE] =	sst s0  }
0x9: {  	[smem:$0x3FAF] =	sst s1  }
0xa: {  	[smem:$0x3FB0] =	sst s2  }
0xb: {  	[smem:$0x3FB1] =	sst s3  }
0xc: {  	[smem:$0x3FB2] =	sst s4  }
0xd: {  	[smem:$0x3FB3] =	sst s5  }
0xe: {  	[smem:$0x3FB4] =	sst s6  }
0xf: {  	[smem:$0x3FB5] =	sst s7  }
0x10: {  	[smem:$0x3FB6] =	sst s8  }
0x11: {  	[smem:$0x3FB7] =	sst s9;
	s0 =	simm.s32 @!p0 $0x0  }
0x12: {  	s1 =	sld [smem:$0x3F9D];
	s0 =	simm.s32 @p0 $0x1  }
0x13: {  	[smem:$0x3FB8] =	sst s0;
	s0 =	simm.s32 @!p1 $0x0  }
0x14: {  	s2 =	sld [smem:$0x3F9C];
	s0 =	simm.s32 @p1 $0x1  }
0x15: {  	[smem:$0x3FB9] =	sst s0;
	s0 =	simm.s32 @!p2 $0x0  }
0x16: {  	s3 =	sld [smem:$0x3FDB];
	s0 =	simm.s32 @p2 $0x1  }
0x17: {  	s4 =	simm.s32 $0x1BF5;
	[smem:$0x3FBB] =	sst s0  }
0x18: {  	s0 =	sld [smem:$0x3F9E];
	_ =	swait.ge [sflag:s4], $0x0  }
0x19: {  	s7 =	sld [smem:$0x3F9F]  }
0x1a: {  	s8 =	sadd.s32 $0xFFFFE003, lr  }
0x1b: {  	s9 =	sadd.s32 $0xFFFFFEF7, lr;
	s5 =	simm.s32 $0xFFFFFFFF;
	p2 =	slt.u32 s8, $0xFFFFF086  }
0x1c: {  	p1 =	slt.u32 s9, $0xF7A;
	s5 =	simm.s32 @!p2 $0x0  }
0x1d: {  	s5 =	simm.s32 @p1 $0x1;
	p0 =	seq.s32 s7, s2  }
0x1e: {  	s7 =	smul.u32 @!p0 $0xF7A, s2;
	p2 =	seq.s32 @!p0 s5, $0x0  }
0x1f: {  	s9 =	smul.u32 $0xF7A, s1;
	s8 =	simm.s32 @!p0 $0x1BF5;
	p2 =	por !p2, p0  }
0x20: {  	[sflag:s8] =	ssyncset.s32 @!p0 $0xFFFFF086;
	s6 =	sadd.s32 @!p0 s3, s7;
	s7 =	simm.s32 @!p0 $0x108  }
0x21: {  	s3 =	sadd.s32 s3, s9;
	s6 =	sadd.s32 @!p0 $0x88, s6;
	s7 =	simm.s32 @p2 $0x1082  }
0x22: {  	[simem:s7], [sflag:s8] =	dma.local @!p0 [hbm:s6], $0xF7A  }
0x23: {  	s9 =	sor.u32 $0xD0000000, s2;
	s6 =	simm.s32 $0x108;
	_ =	swait.ge @!p0 [sflag:s8], $0x0  }
0x24: {  	s3 =	sadd.s32 $0x88, s3;
	s6 =	simm.s32 @!p1 $0x1082;
	[sflag:s4] =	ssyncset.s32 $0xFFFFF086  }
0x25: {  	[simem:s6], [sflag:s4] =	dma.local [hbm:s3], $0xF7A  }
0x26: {  	[smem:$0x3F9F] =	sst s1;
	(tag) =	ssettag s2;
	_ =	strace s9  }
0x27: {  	s1 =	sld [smem:$0x3FAF]  }
0x28: {  	s2 =	sld [smem:$0x3FB0]  }
0x29: {  	s4 =	sld [smem:$0x3FB2]  }
0x2a: {  	p0 =	seq.s32 s5, $0x0;
	s5 =	sld [smem:$0x3FB3]  }
0x2b: {  	s6 =	sld [smem:$0x3FB4]  }
0x2c: {  	s7 =	sld [smem:$0x3FB5]  }
0x2d: {  	s3 =	simm.s32 $0x108;
	s8 =	sld [smem:$0x3FB6]  }
0x2e: {  	s3 =	simm.s32 @!p0 $0x1082;
	s9 =	sld [smem:$0x3FB7]  }
0x2f: {  	lr =	sadd.s32 s0, s3;
	s0 =	sld [smem:$0x3FAE]  }
0x30: {  	s3 =	sld [smem:$0x3FB1]  }
0x31: {  	[smem:$0x3FBA] =	sst s10  }
0x32: {  	s10 =	sld [smem:$0x3FB8];
	_ =	sdelay $0x3  }
0x33: {  	p0 =	seq.s32 s10, $0x1;
	s10 =	sld [smem:$0x3FBA];
	_ =	sdelay $0x3  }
0x34: {  	[smem:$0x3FBA] =	sst s10  }
0x35: {  	s10 =	sld [smem:$0x3FB9];
	_ =	sdelay $0x3  }
0x36: {  	p1 =	seq.s32 s10, $0x1;
	s10 =	sld [smem:$0x3FBA];
	_ =	sdelay $0x3  }
0x37: {  	[smem:$0x3FBA] =	sst s10  }
0x38: {  	s10 =	sld [smem:$0x3FBB]  }
0x39: {  	_ = 	snop;
	(pc) =	sbr.ind lr, $3  }
0x3a: {  	_ = 	snop  }
0x3b: {  	_ = 	snop  }
0x3c: {  	p2 =	seq.s32 s10, $0x1;
	s10 =	sld [smem:$0x3FBA]  }
0x3d: {  	_ =	shalt  }
0x3e: {  	_ =	shalt  }
0x3f: {  	_ =	shalt  }
0x40: {  	_ =	shalt  }
0x41: {  	_ =	shalt  }
0x42: {  	_ =	shalt  }
0x43: {  	_ =	shalt  }
0x44: {  	_ =	shalt  }
0x45: {  	_ =	shalt  }
0x46: {  	_ =	shalt  }
0x47: {  	_ =	shalt  }
0x48: {  	_ =	shalt  }
0x49: {  	_ =	shalt  }
0x4a: {  	_ =	shalt  }
0x4b: {  	_ =	shalt  }
0x4c: {  	_ =	shalt  }
0x4d: {  	_ =	shalt  }
0x4e: {  	_ =	shalt  }
0x4f: {  	_ =	shalt  }
0x50: {  	_ =	shalt  }
0x51: {  	_ =	shalt  }
0x52: {  	_ =	shalt  }
0x53: {  	_ =	shalt  }
0x54: {  	_ =	shalt  }
0x55: {  	_ =	shalt  }
0x56: {  	_ =	shalt  }
0x57: {  	_ =	shalt  }
0x58: {  	_ =	shalt  }
0x59: {  	_ =	shalt  }
0x5a: {  	_ =	shalt  }
0x5b: {  	_ =	shalt  }
0x5c: {  	_ =	shalt  }
0x5d: {  	_ =	shalt  }
0x5e: {  	_ =	shalt  }
0x5f: {  	_ =	shalt  }
0x60: {  	_ =	shalt  }
0x61: {  	_ =	shalt  }
0x62: {  	_ =	shalt  }
0x63: {  	_ =	shalt  }
0x64: {  	_ =	shalt  }
0x65: {  	_ =	shalt  }
0x66: {  	_ =	shalt  }
0x67: {  	_ =	shalt  }
0x68: {  	_ =	shalt  }
0x69: {  	_ =	shalt  }
0x6a: {  	_ =	shalt  }
0x6b: {  	_ =	shalt  }
0x6c: {  	_ =	shalt  }
0x6d: {  	_ =	shalt  }
0x6e: {  	_ =	shalt  }
0x6f: {  	_ =	shalt  }
0x70: {  	_ =	shalt  }
0x71: {  	_ =	shalt  }
0x72: {  	_ =	shalt  }
0x73: {  	_ =	shalt  }
0x74: {  	_ =	shalt  }
0x75: {  	_ =	shalt  }
0x76: {  	_ =	shalt  }
0x77: {  	_ =	shalt  }
0x78: {  	_ =	shalt  }
0x79: {  	_ =	shalt  }
0x7a: {  	_ =	shalt  }
0x7b: {  	_ =	shalt  }
0x7c: {  	_ =	shalt  }
0x7d: {  	_ =	shalt  }
0x7e: {  	_ =	shalt  }
0x7f: {  	_ =	shalt  }
0x80: {  	_ =	shalt  }
0x81: {  	_ =	shalt  }
0x82: {  	_ =	shalt  }
0x83: {  	_ =	shalt  }
0x84: {  	_ =	shalt  }
0x85: {  	_ =	shalt  }
0x86: {  	_ =	shalt  }
0x87: {  	_ =	shalt  }
.Lfunc_end0:
.L_simem_size_0:
called_computation.1_lowered:
.L_overlay_start_0:
0x88: {  	s2 =	sld [smem:$0x3FD9]  }
0x89: {  	s3 =	sld [smem:$0x3FFE];
	_ =	sdelay $0x1  }
0x8a: {  	s1 =	srdreg.scid  }
0x8b: {  	s0 =	sand.u32 $0x1, s1  }
0x8c: {  	s17 =	sshll.u32 s0, $0xA;
	s2 =	sadd.s32 s3, s2  }
0x8d: {  	s2 =	sadd.s32 s2, s17  }
0x8e: {  	[smem:$0x3FC6] =	sst s2  }
0x8f: {  	_ = 	snop  }
0x90: {  	s2 =	sld [smem:$0x3FD0];
	(tm) =	ssettm $0x1  }
0x91: {  	s18 =	sld [smem:$0x3FFB];
	_ =	sdelay $0x3  }
0x92: {  	_ =	strace s18  }
0x93: {  	s3 =	sld [smem:$0x3FFC];
	_ =	sdelay $0x3  }
0x94: {  	_ =	strace s3  }
0x95: {  	s3 =	sld [smem:$0x3FFD];
	_ =	sdelay $0x3  }
0x96: {  	_ =	strace s3  }
0x97: {  	_ =	strace $0x8FFFFFFF  }
0x98: {  	s19 =	sld [smem:$0x3FDB];
	_ =	sdelay $0x1  }
0x99: {  	s4 =	simm.s32 $_scs_section_size  }
0x9a: {  	s5 =	simm.s32 $_size__tile_overlayer_lowered;
	s6 =	simm.s32 $_tile_overlayer_lowered  }
0x9b: {  	s22 =	simm.s32 $0x1BFF;
	s21 =	sshll.u32 s6, $0x1;
	s3 =	sadd.s32 s4, s19  }
0x9c: {  	s7 =	simm.s32 $0x0;
	s20 =	sshll.u32 s5, $0x1;
	s5 =	sadd.s32 s21, s3  }
0x9d: {  	[timem:s7], [sflag:s22] =	dma.local [hbm:s5], s20  }
0x9e: {  	_ =	swait.ge [sflag:s22], s20  }
0x9f: {  	s4 =	ssub.s32 $0x0, s20;
	[sflag:s22] =	ssyncset.done $0x0  }
0xa0: {  	[sflag:s22] =	ssyncadd.s32 s4;
	_ =	sdelay $0x1  }
0xa1: {  	s23 =	simm.s32 $0x1B8B  }
0xa2: {  	_ =	swait.ge [sflag:s23], $0x1  }
0xa3: {  	[sflag:s23] =	ssyncset.done $0x0  }
0xa4: {  	s25 =	simm.s32 $0x1B8E;
	s24 =	sld [smem:$0x3FFE];
	[sflag:s23] =	ssyncadd.s32 $0xFFFFFFFF  }
0xa5: {  	s26 =	simm.s32 $execute0_lowered;
	[smem:$0x3FD2] =	sst s25  }
0xa6: {  	s5 =	sshll.u32 s26, $0x1;
	_ =	strace $0x80000049;
	[dreg:$0x1] =	wrdreg $0xFFFFFFFF  }
0xa7: {  	s28 =	simm.s32 $_size_execute0_lowered;
	s3 =	sadd.s32 s3, s5;
	[dreg:$0x0] =	wrdreg $0x0  }
0xa8: {  	s5 =	sshll.u32 s28, $0x1;
	[dreg:$0x2] =	wrdreg s3  }
0xa9: {  	[dreg:$0x3] =	wrdreg s5  }
0xaa: {  	[dreg:$0x4] =	wrdreg $0xC0  }
0xab: {  	_ =	task [dreg:s7], $0x5FFFF  }
0xac: {  	[dreg:$0x1] =	wrdreg $0xFFFFFFFF  }
0xad: {  	[dreg:$0x0] =	wrdreg $0x60  }
0xae: {  	[dreg:$0x2] =	wrdreg s2  }
0xaf: {  	[dreg:$0x3] =	wrdreg s24  }
0xb0: {  	[dreg:$0x4] =	wrdreg $0x9  }
0xb1: {  	_ =	task.clear_ibuf [dreg:s7], $0x5FFFF;
	_ =	strace $0x90000049  }
0xb2: {  	s29 =	simm.s32 $0x9;
	_ =	strace $0x8000004B  }
0xb3: {  	_ =	swait.ge [sflag:s29], $0x1  }
0xb4: {  	[sflag:s29] =	ssyncadd.s32 $0xFFFFFFFF  }
0xb5: {  	_ =	strace $0x9000004B  }
0xb6: {  	_ =	sfence  }
0xb7: {  	s30 =	sld [smem:$0x0];
	_ =	sdelay $0x2  }
0xb8: {  	s31 =	sshll.u32 s1, $0xD;
	s1 =	sshrl.u32 s1, $0x2  }
0xb9: {  	s3 =	sand.u32 $0x4000, s31;
	s1 =	sadd.s32 s1, s30  }
0xba: {  	s0 =	sor.u32 s3, s0;
	s1 =	sshll.u32 s1, $0x11  }
0xbb: {  	s0 =	sor.u32 s1, s0  }
0xbc: {  	s0 =	sadd.s32 $0x8F2B, s0  }
0xbd: {  	[sflag:s0] =	ssyncadd.remote.s32 $0x1  }
0xbe: {  	_ =	sfence.sel $0xFFFF  }
0xbf: {  	[dreg:$0x0] =	wrdreg $0xFFFFFFFF;
	(pc) =	sbr.abs _section_cstart, $3  }
0xc0: {  	[dreg:$0x1] =	wrdreg $0xFFFFFFFF  }
0xc1: {  	_ =	task.clear_ibuf [dreg:s7], $0x2FFFF;
	_ =	strace $0x9FFFFFFF  }
0xc2: {  	(tm) =	ssettm $0x7FFFFFFF  }
0xc3: {  	_ =	shalt  }
tec
execute0_lowered:
.L_overlay_start_1:
0x0: {  	(tag) =	ssettag $0x1  }
0x1: {  	s0 =	rddreg [dreg:$0x0]  }
0x2: {  	s1 =	rddreg [dreg:$0x1];
	s2 =	simm.s32 $0x0;
	s3 =	srdreg.scid  }
0x3: {  	s4 =	stileid.u32;
	s9 =	simm.s32 $0x4000;
	s10 =	simm.s32 $0x5  }
0x4: {  	s11 =	simm.s32 $0x80;
	s16 =	simm.s32 $0x180;
	s17 =	simm.s32 $0x9400  }
0x5: {  	s18 =	simm.s32 $0x1;
	s19 =	simm.s32 $0xA400;
	s20 =	simm.s32 $0xB400  }
0x6: {  	v0 =	vlaneseq.u32;
	s21 =	simm.s32 $0xC400;
	s22 =	simm.s32 $0xD400;
	s23 =	simm.s32 $0xE400  }
0x7: {  	v1 =	vimm.s32 $0x0;
	vm0 =	vcmask $0x300;
	s24 =	simm.s32 $0x12500;
	s25 =	simm.s32 $0x2;
	s26 =	simm.s32 $0x16500;
	v0 =	vmul.u32 $0x208, v0  }
0x8: {  	s28 =	simm.s32 $0x3;
	s29 =	simm.s32 $0x4;
	s30 =	simm.s32 $0x0;
	v1 =	vsel vm0, $0x3, v1  }
0x9: {  	[smem:$0x7FF] =	sst s2;
	s3 =	sand.u32 $0x1, s3;
	s4 =	sshll.u32 s4, $0x1;
	v2 =	vadd.s32 $0x2080, v0;
	v3 =	vor.u32 $0x1, v0;
	v4 =	vadd.s32 $0x2081, v0  }
0xa: {  	_ =	strace $0x8000004A;
	s5 =	ssub.s32 $0x2, s3;
	s6 =	sor.u32 s3, s4;
	v5 =	vor.u32 $0x2, v0;
	v6 =	vadd.s32 $0x2082, v0;
	v7 =	vor.u32 $0x3, v0  }
0xb: {  	s3 =	sadd.s32 $0xF42C00, s1;
	s4 =	sadd.s32 $0x800, s1;
	s7 =	sshrl.u32 s5, $0x1;
	v8 =	vadd.s32 $0x2083, v0;
	v9 =	vor.u32 $0x4, v0;
	v10 =	vadd.s32 $0x2084, v0  }
0xc: {  	s8 =	sshll.u32 s6, $0x6;
	s6 =	sshll.u32 s6, $0x9;
	v11 =	vor.u32 $0x5, v0;
	v12 =	vadd.s32 $0x2085, v0;
	v13 =	vor.u32 $0x6, v0;
	s31 =	ssub.s32 s5, s7  }
0xd: {  	v14 =	vadd.s32 $0x2086, v0;
	v15 =	vor.u32 $0x7, v0;
	v16 =	vadd.s32 $0x2087, v0;
	s5 =	sadd.s32 s0, s8;
	s8 =	simm.s32 $0x200;
	s7 =	smax.u32 s31, $0x1  }
.LBB2_1:
0xe: {  	[tilespmem:s2], [sflag:$0x5] =	stream.strided.gather [hbm4b:s5+s8], $0x6400, s9, s8, $0x38;
	[tilespmem:$0x1A500] =	vst v63  }
0xf: {  	_ =	swait.ge [sflag:s10], $0x6400  }
0x10: {  	[sflag:s10] =	ssyncset.done $0x0  }
0x11: {  	s0 =	simm.s32 $0x6400;
	[sflag:s10] =	ssyncadd.s32 $0xFFFF9C00  }
0x12: {  	[tilespmem:s0], [sflag:$0x1] =	stream.indirect.gather [hbm4b:s3+s11], $0x20, s2, s11, $0xb8;
	[tilespmem:$0x1A500] =	vst v63  }
0x13: {  	s14 =	simm.s32 $0x7400  }
0x14: {  	[tilespmem:s14], [sflag:$0x1] =	stream.indirect.gather [hbm4b:s3+s11], $0x20, s11, s11, $0xb8;
	[tilespmem:$0x1A500] =	vst v63  }
0x15: {  	s15 =	simm.s32 $0x100;
	s1 =	simm.s32 $0x8400  }
0x16: {  	[tilespmem:s1], [sflag:$0x1] =	stream.indirect.gather [hbm4b:s3+s11], $0x20, s15, s11, $0xb8;
	[tilespmem:$0x1A500] =	vst v63  }
0x17: {  	s31 =	simm.s32 $0x0  }
0x18: {  	[tilespmem:s17], [sflag:$0x1] =	stream.indirect.gather [hbm4b:s3+s11], $0x20, s16, s11, $0xb8;
	[tilespmem:$0x1A500] =	vst v63  }
.LBB2_2:
0x19: {  	s0 =	sshllo.u32 s31, $0x1;
	_ =	swait.ge [sflag:s18], $0x4000  }
0x1a: {  	[sflag:s18] =	ssyncset.done $0x0;
	s1 =	sshll.u32 s0, $0x9  }
0x1b: {  	[sflag:s18] =	ssyncadd.s32 $0xFFFFC000;
	s1 =	sand.u32 $0x3FFFFE00, s1  }
0x1c: {  	[tilespmem:s19], [sflag:$0x2] =	stream.indirect.gather [hbm4b:s3+s11], $0x20, s1, s11, $0xb8;
	[tilespmem:$0x1A500] =	vst v63  }
0x1d: {  	s12 =	sor.u32 $0x80, s1  }
0x1e: {  	[tilespmem:s20], [sflag:$0x2] =	stream.indirect.gather [hbm4b:s3+s11], $0x20, s12, s11, $0xb8;
	[tilespmem:$0x1A500] =	vst v63  }
0x1f: {  	s15 =	sor.u32 $0x100, s1  }
0x20: {  	[tilespmem:s21], [sflag:$0x2] =	stream.indirect.gather [hbm4b:s3+s11], $0x20, s15, s11, $0xb8;
	[tilespmem:$0x1A500] =	vst v63  }
0x21: {  	s13 =	simm.s32 $0x0;
	p0 =	seq.s32 s31, $0x0;
	s1 =	sor.u32 $0x180, s1  }
0x22: {  	v17 =	vmov s13;
	[tilespmem:s22], [sflag:$0x2] =	stream.indirect.gather [hbm4b:s3+s11], $0x20, s1, s11, $0xb8;
	[tilespmem:$0x1A500] =	vst v63  }
0x23: {  	v17 =	vshrl.u32 v17, $0x3;
	s1 =	simm.s32 @!p0 $0x3  }
0x24: {  	v17 =	vshll.u32 v17, v1;
	_ =	swait.ge @!p0 [sflag:s1], $0x4000  }
0x25: {  	v17 =	vbroadcast v17, $0x0;
	[sflag:s1] =	ssyncset.done @!p0 $0x0  }
0x26: {  	[sflag:s1] =	ssyncadd.s32 @!p0 $0xFFFFC000;
	s1 =	simm.s32 $0x6480  }
0x27: {  	v19 =	vadd.s32 v0, v17;
	v18 =	vld [tilespmem:s1+$0xFFFFFF80]  }
0x28: {  	s14 =	simm.s32 $0x1;
	v17 =	vadd.s32 v2, v17;
	v20 =	vld [tilespmem:s1+$0xFFFFFF90]  }
0x29: {  	v21 =	vmov s14  }
0x2a: {  	v21 =	vshrl.u32 v21, $0x3  }
0x2b: {  	v21 =	vshll.u32 v21, v1  }
0x2c: {  	[tilespmem:v19+s23+$0x0] =	vst.idx.msk $0xffff, v18;
	v18 =	vbroadcast v21, $0x0  }
0x2d: {  	[tilespmem:v17+s23+$0x0] =	vst.idx.msk $0xffff, v20  }
0x2e: {  	v17 =	vld [tilespmem:s1+$0xFFFFFFA0];
	v19 =	vadd.s32 v3, v18  }
0x2f: {  	s15 =	simm.s32 $0x2;
	v20 =	vld [tilespmem:s1+$0xFFFFFFB0];
	v18 =	vadd.s32 v4, v18  }
0x30: {  	v58 =	vmov s15  }
0x31: {  	v21 =	vshrl.u32 v58, $0x3  }
0x32: {  	v21 =	vshll.u32 v21, v1  }
0x33: {  	[tilespmem:v19+s23+$0x0] =	vst.idx.msk $0xffff, v17;
	v17 =	vbroadcast v21, $0x0  }
0x34: {  	[tilespmem:v18+s23+$0x0] =	vst.idx.msk $0xffff, v20  }
0x35: {  	v18 =	vld [tilespmem:s1+$0xFFFFFFC0];
	v19 =	vadd.s32 v5, v17  }
0x36: {  	s13 =	simm.s32 $0x3;
	v20 =	vld [tilespmem:s1+$0xFFFFFFD0];
	v17 =	vadd.s32 v6, v17  }
0x37: {  	v59 =	vmov s13  }
0x38: {  	v21 =	vshrl.u32 v59, $0x3  }
0x39: {  	v21 =	vshll.u32 v21, v1  }
0x3a: {  	[tilespmem:v19+s23+$0x0] =	vst.idx.msk $0xffff, v18;
	v18 =	vbroadcast v21, $0x0  }
0x3b: {  	[tilespmem:v17+s23+$0x0] =	vst.idx.msk $0xffff, v20  }
0x3c: {  	v17 =	vld [tilespmem:s1+$0xFFFFFFE0];
	v19 =	vadd.s32 v7, v18  }
0x3d: {  	s14 =	simm.s32 $0x4;
	v20 =	vld [tilespmem:s1+$0xFFFFFFF0];
	v18 =	vadd.s32 v8, v18  }
0x3e: {  	v60 =	vmov s14  }
0x3f: {  	v21 =	vshrl.u32 v60, $0x3  }
0x40: {  	v21 =	vshll.u32 v21, v1  }
0x41: {  	[tilespmem:v19+s23+$0x0] =	vst.idx.msk $0xffff, v17;
	v17 =	vbroadcast v21, $0x0  }
0x42: {  	[tilespmem:v18+s23+$0x0] =	vst.idx.msk $0xffff, v20  }
0x43: {  	v18 =	vld [tilespmem:s1+$0x0];
	v19 =	vadd.s32 v9, v17  }
0x44: {  	s15 =	simm.s32 $0x5;
	v20 =	vld [tilespmem:s1+$0x10];
	v17 =	vadd.s32 v10, v17  }
0x45: {  	v61 =	vmov s15  }
0x46: {  	v21 =	vshrl.u32 v61, $0x3  }
0x47: {  	v21 =	vshll.u32 v21, v1  }
0x48: {  	[tilespmem:v19+s23+$0x0] =	vst.idx.msk $0xffff, v18;
	v18 =	vbroadcast v21, $0x0  }
0x49: {  	[tilespmem:v17+s23+$0x0] =	vst.idx.msk $0xffff, v20  }
0x4a: {  	v17 =	vld [tilespmem:s1+$0x20];
	v19 =	vadd.s32 v11, v18  }
0x4b: {  	s13 =	simm.s32 $0x6;
	v20 =	vld [tilespmem:s1+$0x30];
	v18 =	vadd.s32 v12, v18  }
0x4c: {  	v62 =	vmov s13  }
0x4d: {  	v21 =	vshrl.u32 v62, $0x3  }
0x4e: {  	v21 =	vshll.u32 v21, v1  }
0x4f: {  	[tilespmem:v19+s23+$0x0] =	vst.idx.msk $0xffff, v17;
	v17 =	vbroadcast v21, $0x0  }
0x50: {  	[tilespmem:v18+s23+$0x0] =	vst.idx.msk $0xffff, v20  }
0x51: {  	v18 =	vld [tilespmem:s1+$0x40];
	v19 =	vadd.s32 v13, v17  }
0x52: {  	s14 =	simm.s32 $0x7;
	v20 =	vld [tilespmem:s1+$0x50];
	v17 =	vadd.s32 v14, v17  }
0x53: {  	v63 =	vmov s14  }
0x54: {  	v21 =	vshrl.u32 v63, $0x3  }
0x55: {  	v21 =	vshll.u32 v21, v1  }
0x56: {  	[tilespmem:v19+s23+$0x0] =	vst.idx.msk $0xffff, v18;
	v18 =	vbroadcast v21, $0x0  }
0x57: {  	s15 =	simm.s32 $0x8;
	[tilespmem:v17+s23+$0x0] =	vst.idx.msk $0xffff, v20  }
0x58: {  	v17 =	vmov s15;
	v20 =	vld [tilespmem:s1+$0x60];
	v21 =	vadd.s32 v15, v18  }
0x59: {  	v19 =	vshrl.u32 v17, $0x3  }
0x5a: {  	v17 =	vld [tilespmem:s1+$0x70];
	v22 =	vshll.u32 v19, v1;
	v19 =	vadd.s32 v16, v18;
	_ =	sdelay $0x2  }
0x5b: {  	s13 =	simm.s32 $0x17;
	s12 =	simm.s32 $0xF;
	v18 =	vbroadcast v22, $0x0;
	[tilespmem:v21+s23+$0x0] =	vst.idx.msk $0xffff, v20  }
.LBB2_3:
0x5c: {  	p0 =	sne.s32 s13, $0x1FF  }
0x5d: {  	[tilespmem:v19+s23+$0x0] =	vst.idx.msk $0xffff, v17;
	s1 =	sadd.s32 $0x100, s1;
	s14 =	smov.u32 s13;
	s13 =	sadd.s32 $0x8, s13  }
0x5e: {  	v17 =	vld [tilespmem:s1+$0xFFFFFF80];
	v19 =	vadd.s32 v0, v18  }
0x5f: {  	s15 =	sadd.s32 $0xFFFFFFFA, s12;
	v18 =	vadd.s32 v2, v18;
	v20 =	vld [tilespmem:s1+$0xFFFFFF90]  }
0x60: {  	v21 =	vmov s15  }
0x61: {  	v21 =	vshrl.u32 v21, $0x3  }
0x62: {  	v21 =	vshll.u32 v21, v1  }
0x63: {  	[tilespmem:v19+s23+$0x0] =	vst.idx.msk $0xffff, v17;
	v17 =	vbroadcast v21, $0x0  }
0x64: {  	[tilespmem:v18+s23+$0x0] =	vst.idx.msk $0xffff, v20  }
0x65: {  	v18 =	vld [tilespmem:s1+$0xFFFFFFA0];
	v19 =	vadd.s32 v3, v17  }
0x66: {  	s15 =	sadd.s32 $0xFFFFFFFB, s12;
	v17 =	vadd.s32 v4, v17;
	v20 =	vld [tilespmem:s1+$0xFFFFFFB0]  }
0x67: {  	v21 =	vmov s15  }
0x68: {  	v21 =	vshrl.u32 v21, $0x3  }
0x69: {  	v21 =	vshll.u32 v21, v1  }
0x6a: {  	[tilespmem:v19+s23+$0x0] =	vst.idx.msk $0xffff, v18;
	v18 =	vbroadcast v21, $0x0  }
0x6b: {  	[tilespmem:v17+s23+$0x0] =	vst.idx.msk $0xffff, v20  }
0x6c: {  	v17 =	vld [tilespmem:s1+$0xFFFFFFC0];
	v19 =	vadd.s32 v5, v18  }
0x6d: {  	s15 =	sadd.s32 $0xFFFFFFFC, s12;
	v18 =	vadd.s32 v6, v18;
	v20 =	vld [tilespmem:s1+$0xFFFFFFD0]  }
0x6e: {  	v21 =	vmov s15  }
0x6f: {  	v21 =	vshrl.u32 v21, $0x3  }
0x70: {  	v21 =	vshll.u32 v21, v1  }
0x71: {  	[tilespmem:v19+s23+$0x0] =	vst.idx.msk $0xffff, v17;
	v17 =	vbroadcast v21, $0x0  }
0x72: {  	[tilespmem:v18+s23+$0x0] =	vst.idx.msk $0xffff, v20  }
0x73: {  	v18 =	vld [tilespmem:s1+$0xFFFFFFE0];
	v19 =	vadd.s32 v7, v17  }
0x74: {  	s15 =	sadd.s32 $0xFFFFFFFD, s12;
	v17 =	vadd.s32 v8, v17;
	v20 =	vld [tilespmem:s1+$0xFFFFFFF0]  }
0x75: {  	v21 =	vmov s15  }
0x76: {  	v21 =	vshrl.u32 v21, $0x3  }
0x77: {  	v21 =	vshll.u32 v21, v1  }
0x78: {  	[tilespmem:v19+s23+$0x0] =	vst.idx.msk $0xffff, v18;
	v18 =	vbroadcast v21, $0x0  }
0x79: {  	[tilespmem:v17+s23+$0x0] =	vst.idx.msk $0xffff, v20  }
0x7a: {  	v17 =	vld [tilespmem:s1+$0x0];
	v19 =	vadd.s32 v9, v18  }
0x7b: {  	s15 =	sadd.s32 $0xFFFFFFFE, s12;
	v18 =	vadd.s32 v10, v18;
	v20 =	vld [tilespmem:s1+$0x10]  }
0x7c: {  	v21 =	vmov s15  }
0x7d: {  	v21 =	vshrl.u32 v21, $0x3  }
0x7e: {  	v21 =	vshll.u32 v21, v1  }
0x7f: {  	[tilespmem:v19+s23+$0x0] =	vst.idx.msk $0xffff, v17;
	v17 =	vbroadcast v21, $0x0  }
0x80: {  	[tilespmem:v18+s23+$0x0] =	vst.idx.msk $0xffff, v20  }
0x81: {  	v18 =	vld [tilespmem:s1+$0x20];
	v19 =	vadd.s32 v11, v17  }
0x82: {  	s15 =	sadd.s32 $0xFFFFFFFF, s12;
	v17 =	vadd.s32 v12, v17;
	v20 =	vld [tilespmem:s1+$0x30]  }
0x83: {  	v21 =	vmov s15  }
0x84: {  	v21 =	vshrl.u32 v21, $0x3  }
0x85: {  	v21 =	vshll.u32 v21, v1  }
0x86: {  	[tilespmem:v19+s23+$0x0] =	vst.idx.msk $0xffff, v18;
	v18 =	vbroadcast v21, $0x0  }
0x87: {  	[tilespmem:v17+s23+$0x0] =	vst.idx.msk $0xffff, v20  }
0x88: {  	v17 =	vld [tilespmem:s1+$0x40];
	v19 =	vadd.s32 v13, v18  }
0x89: {  	v18 =	vadd.s32 v14, v18;
	v20 =	vld [tilespmem:s1+$0x50]  }
0x8a: {  	v21 =	vmov s12;
	s12 =	smov.u32 s14  }
0x8b: {  	v21 =	vshrl.u32 v21, $0x3  }
0x8c: {  	v21 =	vshll.u32 v21, v1  }
0x8d: {  	[tilespmem:v19+s23+$0x0] =	vst.idx.msk $0xffff, v17;
	v19 =	vbroadcast v21, $0x0  }
0x8e: {  	[tilespmem:v18+s23+$0x0] =	vst.idx.msk $0xffff, v20  }
0x8f: {  	v20 =	vld [tilespmem:s1+$0x60];
	v21 =	vadd.s32 v15, v19  }
.Ltmp0:
0x90: {  	s14 =	sadd.s32 $0xFFFFFFF9, s12;
	v19 =	vadd.s32 v16, v19;
	v17 =	vld [tilespmem:s1+$0x70];
	(pc) =	sbr.rel @p0 .LBB2_3-.Ltmp0, $4  }
0x91: {  	v18 =	vmov s14  }
0x92: {  	v18 =	vshrl.u32 v18, $0x3  }
0x93: {  	v18 =	vshll.u32 v18, v1  }
0x94: {  	v18 =	vbroadcast v18, $0x0;
	[tilespmem:v21+s23+$0x0] =	vst.idx.msk $0xffff, v20  }
0x95: {  	_ =	sdelay $0x3  }
0x96: {  	[tilespmem:v19+s23+$0x0] =	vst.idx.msk $0xffff, v17;
	s1 =	sadd.s32 $0x100, s1  }
0x97: {  	v17 =	vld [tilespmem:s1+$0xFFFFFF80];
	v19 =	vadd.s32 v0, v18  }
0x98: {  	s13 =	sadd.s32 $0xFFFFFFFA, s12;
	v20 =	vld [tilespmem:s1+$0xFFFFFF90];
	v18 =	vadd.s32 v2, v18  }
0x99: {  	v21 =	vmov s13  }
0x9a: {  	v21 =	vshrl.u32 v21, $0x3  }
0x9b: {  	v21 =	vshll.u32 v21, v1  }
0x9c: {  	[tilespmem:v19+s23+$0x0] =	vst.idx.msk $0xffff, v17;
	v17 =	vbroadcast v21, $0x0  }
0x9d: {  	[tilespmem:v18+s23+$0x0] =	vst.idx.msk $0xffff, v20  }
0x9e: {  	v18 =	vld [tilespmem:s1+$0xFFFFFFA0];
	v19 =	vadd.s32 v3, v17  }
0x9f: {  	s15 =	sadd.s32 $0xFFFFFFFB, s12;
	v20 =	vld [tilespmem:s1+$0xFFFFFFB0];
	v17 =	vadd.s32 v4, v17  }
0xa0: {  	v21 =	vmov s15  }
0xa1: {  	v21 =	vshrl.u32 v21, $0x3  }
0xa2: {  	v21 =	vshll.u32 v21, v1  }
0xa3: {  	[tilespmem:v19+s23+$0x0] =	vst.idx.msk $0xffff, v18;
	v18 =	vbroadcast v21, $0x0  }
0xa4: {  	[tilespmem:v17+s23+$0x0] =	vst.idx.msk $0xffff, v20  }
0xa5: {  	v17 =	vld [tilespmem:s1+$0xFFFFFFC0];
	v19 =	vadd.s32 v5, v18  }
0xa6: {  	s14 =	sadd.s32 $0xFFFFFFFC, s12;
	v20 =	vld [tilespmem:s1+$0xFFFFFFD0];
	v18 =	vadd.s32 v6, v18  }
0xa7: {  	v21 =	vmov s14  }
0xa8: {  	v21 =	vshrl.u32 v21, $0x3  }
0xa9: {  	v21 =	vshll.u32 v21, v1  }
0xaa: {  	[tilespmem:v19+s23+$0x0] =	vst.idx.msk $0xffff, v17;
	v17 =	vbroadcast v21, $0x0  }
0xab: {  	[tilespmem:v18+s23+$0x0] =	vst.idx.msk $0xffff, v20  }
0xac: {  	v18 =	vld [tilespmem:s1+$0xFFFFFFE0];
	v19 =	vadd.s32 v7, v17  }
0xad: {  	s15 =	sadd.s32 $0xFFFFFFFD, s12;
	v20 =	vld [tilespmem:s1+$0xFFFFFFF0];
	v17 =	vadd.s32 v8, v17  }
0xae: {  	v21 =	vmov s15  }
0xaf: {  	v21 =	vshrl.u32 v21, $0x3  }
0xb0: {  	v21 =	vshll.u32 v21, v1  }
0xb1: {  	[tilespmem:v19+s23+$0x0] =	vst.idx.msk $0xffff, v18;
	v18 =	vbroadcast v21, $0x0  }
0xb2: {  	[tilespmem:v17+s23+$0x0] =	vst.idx.msk $0xffff, v20  }
0xb3: {  	v17 =	vld [tilespmem:s1+$0x0];
	v19 =	vadd.s32 v9, v18  }
0xb4: {  	s14 =	sadd.s32 $0xFFFFFFFE, s12;
	v20 =	vld [tilespmem:s1+$0x10];
	v18 =	vadd.s32 v10, v18  }
0xb5: {  	v21 =	vmov s14  }
0xb6: {  	v21 =	vshrl.u32 v21, $0x3  }
0xb7: {  	v21 =	vshll.u32 v21, v1  }
0xb8: {  	[tilespmem:v19+s23+$0x0] =	vst.idx.msk $0xffff, v17;
	v17 =	vbroadcast v21, $0x0  }
0xb9: {  	[tilespmem:v18+s23+$0x0] =	vst.idx.msk $0xffff, v20  }
0xba: {  	v18 =	vld [tilespmem:s1+$0x20];
	v19 =	vadd.s32 v11, v17  }
0xbb: {  	s15 =	sadd.s32 $0xFFFFFFFF, s12;
	v20 =	vld [tilespmem:s1+$0x30];
	v17 =	vadd.s32 v12, v17  }
0xbc: {  	v21 =	vmov s15  }
0xbd: {  	v21 =	vshrl.u32 v21, $0x3  }
0xbe: {  	v21 =	vshll.u32 v21, v1  }
0xbf: {  	[tilespmem:v19+s23+$0x0] =	vst.idx.msk $0xffff, v18;
	v18 =	vbroadcast v21, $0x0  }
0xc0: {  	[tilespmem:v17+s23+$0x0] =	vst.idx.msk $0xffff, v20  }
0xc1: {  	v17 =	vld [tilespmem:s1+$0x40];
	v19 =	vadd.s32 v13, v18  }
0xc2: {  	v20 =	vld [tilespmem:s1+$0x50];
	v18 =	vadd.s32 v14, v18  }
0xc3: {  	v21 =	vmov s12  }
0xc4: {  	v21 =	vshrl.u32 v21, $0x3  }
0xc5: {  	v21 =	vshll.u32 v21, v1  }
0xc6: {  	[tilespmem:v19+s23+$0x0] =	vst.idx.msk $0xffff, v17;
	v17 =	vbroadcast v21, $0x0  }
0xc7: {  	[tilespmem:v18+s23+$0x0] =	vst.idx.msk $0xffff, v20  }
0xc8: {  	v18 =	vld [tilespmem:s1+$0x60];
	v19 =	vadd.s32 v15, v17  }
0xc9: {  	v20 =	vld [tilespmem:s1+$0x70];
	v17 =	vadd.s32 v16, v17;
	_ =	sdelay $0x3  }
0xca: {  	[tilespmem:v19+s23+$0x0] =	vst.idx.msk $0xffff, v18  }
0xcb: {  	s1 =	simm.s32 $0x0;
	[tilespmem:v17+s23+$0x0] =	vst.idx.msk $0xffff, v20  }
0xcc: {  	v17 =	vld [tilespmem:s1+$0x122F8]  }
0xcd: {  	v18 =	vld [tilespmem:s1+$0xE400]  }
0xce: {  	v19 =	vld [tilespmem:s1+$0xE608]  }
0xcf: {  	v20 =	vld [tilespmem:s1+$0xE810]  }
0xd0: {  	v21 =	vld [tilespmem:s1+$0xEA18]  }
0xd1: {  	v22 =	vld [tilespmem:s1+$0xEC20];
	[tilespmem:s1+$0x16300] =	vst v17  }
0xd2: {  	[tilespmem:s1+$0x12500] =	vst v18;
	v17 =	vld [tilespmem:s1+$0xEE28]  }
0xd3: {  	[tilespmem:s1+$0x12700] =	vst v19;
	v18 =	vld [tilespmem:s1+$0xF030]  }
0xd4: {  	[tilespmem:s1+$0x12900] =	vst v20;
	v19 =	vld [tilespmem:s1+$0xF238]  }
0xd5: {  	[tilespmem:s1+$0x12B00] =	vst v21;
	v20 =	vld [tilespmem:s1+$0xF440]  }
0xd6: {  	[tilespmem:s1+$0x12D00] =	vst v22;
	v21 =	vld [tilespmem:s1+$0xF648]  }
0xd7: {  	v22 =	vld [tilespmem:s1+$0x116C8];
	[tilespmem:s1+$0x12F00] =	vst v17  }
0xd8: {  	v17 =	vld [tilespmem:s1+$0xF850];
	[tilespmem:s1+$0x13100] =	vst v18  }
0xd9: {  	v18 =	vld [tilespmem:s1+$0xFA58];
	[tilespmem:s1+$0x13300] =	vst v19  }
0xda: {  	v19 =	vld [tilespmem:s1+$0xFC60];
	[tilespmem:s1+$0x13500] =	vst v20  }
0xdb: {  	v20 =	vld [tilespmem:s1+$0xFE68];
	[tilespmem:s1+$0x13700] =	vst v21  }
0xdc: {  	v21 =	vld [tilespmem:s1+$0x10070];
	[tilespmem:s1+$0x15700] =	vst v22  }
0xdd: {  	[tilespmem:s1+$0x13900] =	vst v17;
	v17 =	vld [tilespmem:s1+$0x10278]  }
0xde: {  	[tilespmem:s1+$0x13B00] =	vst v18;
	v18 =	vld [tilespmem:s1+$0x10480]  }
0xdf: {  	[tilespmem:s1+$0x13D00] =	vst v19;
	v19 =	vld [tilespmem:s1+$0x10688]  }
0xe0: {  	[tilespmem:s1+$0x13F00] =	vst v20;
	v20 =	vld [tilespmem:s1+$0x10890]  }
0xe1: {  	[tilespmem:s1+$0x14100] =	vst v21;
	v21 =	vld [tilespmem:s1+$0x10A98]  }
0xe2: {  	[tilespmem:s1+$0x14300] =	vst v17;
	v17 =	vld [tilespmem:s1+$0x10CA0]  }
0xe3: {  	[tilespmem:s1+$0x14500] =	vst v18;
	v18 =	vld [tilespmem:s1+$0x10EA8]  }
0xe4: {  	[tilespmem:s1+$0x14700] =	vst v19;
	v19 =	vld [tilespmem:s1+$0x110B0]  }
0xe5: {  	[tilespmem:s1+$0x14900] =	vst v20;
	v20 =	vld [tilespmem:s1+$0x112B8]  }
0xe6: {  	[tilespmem:s1+$0x14B00] =	vst v21;
	v21 =	vld [tilespmem:s1+$0x114C0]  }
0xe7: {  	[tilespmem:s1+$0x14D00] =	vst v17;
	v17 =	vld [tilespmem:s1+$0x118D0]  }
0xe8: {  	[tilespmem:s1+$0x14F00] =	vst v18;
	v18 =	vld [tilespmem:s1+$0x11AD8]  }
0xe9: {  	[tilespmem:s1+$0x15100] =	vst v19;
	v19 =	vld [tilespmem:s1+$0x11CE0]  }
0xea: {  	[tilespmem:s1+$0x15300] =	vst v20;
	v20 =	vld [tilespmem:s1+$0x11EE8]  }
0xeb: {  	s13 =	simm.s32 $0x10;
	s12 =	simm.s32 $0x80;
	[tilespmem:s1+$0x15500] =	vst v21;
	v21 =	vld [tilespmem:s1+$0x120F0]  }
.LBB2_5:
0xec: {  	p0 =	sne.s32 s12, $0x7C0;
	v22 =	vld [tilespmem:s13+$0x122F8];
	[tilespmem:s1+$0x15900] =	vst v17  }
0xed: {  	v17 =	vld [tilespmem:s13+$0xE400];
	[tilespmem:s1+$0x15B00] =	vst v18  }
0xee: {  	v18 =	vld [tilespmem:s13+$0xE608];
	[tilespmem:s1+$0x15D00] =	vst v19  }
0xef: {  	v19 =	vld [tilespmem:s13+$0xE810];
	[tilespmem:s1+$0x15F00] =	vst v20  }
0xf0: {  	v20 =	vld [tilespmem:s13+$0xEA18];
	[tilespmem:s1+$0x16100] =	vst v21;
	s1 =	smov.u32 s13  }
0xf1: {  	v21 =	vld [tilespmem:s1+$0xEC20];
	[tilespmem:s1+$0x16300] =	vst v22  }
0xf2: {  	[tilespmem:s1+$0x12500] =	vst v17;
	v17 =	vld [tilespmem:s1+$0xEE28]  }
0xf3: {  	[tilespmem:s1+$0x12700] =	vst v18;
	v18 =	vld [tilespmem:s1+$0xF030]  }
0xf4: {  	[tilespmem:s1+$0x12900] =	vst v19;
	v19 =	vld [tilespmem:s1+$0xF238]  }
0xf5: {  	[tilespmem:s1+$0x12B00] =	vst v20;
	v20 =	vld [tilespmem:s1+$0xF440]  }
0xf6: {  	[tilespmem:s1+$0x12D00] =	vst v21;
	v21 =	vld [tilespmem:s1+$0xF648]  }
0xf7: {  	[tilespmem:s1+$0x12F00] =	vst v17;
	v17 =	vld [tilespmem:s1+$0xF850]  }
0xf8: {  	[tilespmem:s1+$0x13100] =	vst v18;
	v18 =	vld [tilespmem:s1+$0xFA58]  }
0xf9: {  	[tilespmem:s1+$0x13300] =	vst v19;
	v19 =	vld [tilespmem:s1+$0xFC60]  }
0xfa: {  	[tilespmem:s1+$0x13500] =	vst v20;
	v20 =	vld [tilespmem:s1+$0xFE68]  }
0xfb: {  	[tilespmem:s1+$0x13700] =	vst v21;
	v21 =	vld [tilespmem:s1+$0x10070]  }
0xfc: {  	[tilespmem:s1+$0x13900] =	vst v17;
	v17 =	vld [tilespmem:s1+$0x10278]  }
0xfd: {  	[tilespmem:s1+$0x13B00] =	vst v18;
	v18 =	vld [tilespmem:s1+$0x10480]  }
0xfe: {  	[tilespmem:s1+$0x13D00] =	vst v19;
	v19 =	vld [tilespmem:s1+$0x10688]  }
0xff: {  	[tilespmem:s1+$0x13F00] =	vst v20;
	v20 =	vld [tilespmem:s1+$0x10890]  }
0x100: {  	[tilespmem:s1+$0x14100] =	vst v21;
	v21 =	vld [tilespmem:s1+$0x10A98]  }
0x101: {  	[tilespmem:s1+$0x14300] =	vst v17;
	v17 =	vld [tilespmem:s1+$0x10CA0]  }
0x102: {  	[tilespmem:s1+$0x14500] =	vst v18;
	v18 =	vld [tilespmem:s1+$0x10EA8]  }
0x103: {  	[tilespmem:s1+$0x14700] =	vst v19;
	v19 =	vld [tilespmem:s1+$0x110B0]  }
0x104: {  	[tilespmem:s1+$0x14900] =	vst v20;
	v20 =	vld [tilespmem:s1+$0x112B8]  }
0x105: {  	[tilespmem:s1+$0x14B00] =	vst v21;
	v21 =	vld [tilespmem:s1+$0x114C0]  }
0x106: {  	[tilespmem:s1+$0x14D00] =	vst v17;
	v22 =	vld [tilespmem:s1+$0x116C8]  }
.Ltmp1:
0x107: {  	[tilespmem:s1+$0x14F00] =	vst v18;
	v17 =	vld [tilespmem:s1+$0x118D0];
	(pc) =	sbr.rel @p0 .LBB2_5-.Ltmp1, $4  }
0x108: {  	[tilespmem:s1+$0x15100] =	vst v19;
	v18 =	vld [tilespmem:s1+$0x11AD8]  }
0x109: {  	[tilespmem:s1+$0x15300] =	vst v20;
	v19 =	vld [tilespmem:s1+$0x11CE0]  }
0x10a: {  	[tilespmem:s1+$0x15500] =	vst v21;
	v20 =	vld [tilespmem:s1+$0x11EE8]  }
0x10b: {  	s13 =	sshra.s32 s12, $0x2;
	s12 =	sadd.s32 $0x40, s12;
	[tilespmem:s1+$0x15700] =	vst v22;
	v21 =	vld [tilespmem:s1+$0x120F0]  }
0x10c: {  	v22 =	vld [tilespmem:s13+$0x122F8];
	[tilespmem:s1+$0x15900] =	vst v17  }
0x10d: {  	v17 =	vld [tilespmem:s13+$0xE400];
	[tilespmem:s1+$0x15B00] =	vst v18  }
0x10e: {  	v18 =	vld [tilespmem:s13+$0xE608];
	[tilespmem:s1+$0x15D00] =	vst v19  }
0x10f: {  	v19 =	vld [tilespmem:s13+$0xE810];
	[tilespmem:s1+$0x15F00] =	vst v20  }
0x110: {  	v20 =	vld [tilespmem:s13+$0xEA18];
	[tilespmem:s1+$0x16100] =	vst v21  }
0x111: {  	v21 =	vld [tilespmem:s13+$0xEC20];
	[tilespmem:s13+$0x16300] =	vst v22  }
0x112: {  	[tilespmem:s13+$0x12500] =	vst v17;
	v17 =	vld [tilespmem:s13+$0xEE28]  }
0x113: {  	v51 =	vld [tilespmem:s13+$0xF648];
	[tilespmem:s13+$0x12700] =	vst v18  }
0x114: {  	v18 =	vld [tilespmem:s13+$0xF030];
	[tilespmem:s13+$0x12900] =	vst v19  }
0x115: {  	v19 =	vld [tilespmem:s13+$0xF238];
	[tilespmem:s13+$0x12B00] =	vst v20  }
0x116: {  	v20 =	vld [tilespmem:s13+$0xF440];
	[tilespmem:s13+$0x12D00] =	vst v21  }
0x117: {  	[tilespmem:s13+$0x12F00] =	vst v17;
	v17 =	vld [tilespmem:s13+$0xF850]  }
0x118: {  	v52 =	vld [tilespmem:s13+$0x10070];
	[tilespmem:s13+$0x13700] =	vst v51  }
0x119: {  	[tilespmem:s13+$0x13100] =	vst v18;
	v18 =	vld [tilespmem:s13+$0xFA58]  }
0x11a: {  	[tilespmem:s13+$0x13300] =	vst v19;
	v19 =	vld [tilespmem:s13+$0xFC60]  }
0x11b: {  	[tilespmem:s13+$0x13500] =	vst v20;
	v20 =	vld [tilespmem:s13+$0xFE68]  }
0x11c: {  	[tilespmem:s13+$0x13900] =	vst v17;
	v17 =	vld [tilespmem:s13+$0x10278]  }
0x11d: {  	v53 =	vld [tilespmem:s13+$0x10A98];
	[tilespmem:s13+$0x14100] =	vst v52  }
0x11e: {  	[tilespmem:s13+$0x13B00] =	vst v18;
	v18 =	vld [tilespmem:s13+$0x10480]  }
0x11f: {  	[tilespmem:s13+$0x13D00] =	vst v19;
	v19 =	vld [tilespmem:s13+$0x10688]  }
0x120: {  	[tilespmem:s13+$0x13F00] =	vst v20;
	v20 =	vld [tilespmem:s13+$0x10890]  }
0x121: {  	[tilespmem:s13+$0x14300] =	vst v17;
	v17 =	vld [tilespmem:s13+$0x10CA0]  }
0x122: {  	v54 =	vld [tilespmem:s13+$0x114C0];
	[tilespmem:s13+$0x14B00] =	vst v53  }
0x123: {  	[tilespmem:s13+$0x14500] =	vst v18;
	v18 =	vld [tilespmem:s13+$0x10EA8]  }
0x124: {  	[tilespmem:s13+$0x14700] =	vst v19;
	v19 =	vld [tilespmem:s13+$0x110B0]  }
0x125: {  	[tilespmem:s13+$0x14900] =	vst v20;
	v20 =	vld [tilespmem:s13+$0x112B8]  }
0x126: {  	[tilespmem:s13+$0x14D00] =	vst v17;
	v17 =	vld [tilespmem:s13+$0x116C8]  }
0x127: {  	v55 =	vld [tilespmem:s13+$0x11EE8];
	[tilespmem:s13+$0x15500] =	vst v54  }
0x128: {  	[tilespmem:s13+$0x14F00] =	vst v18;
	v18 =	vld [tilespmem:s13+$0x118D0]  }
0x129: {  	[tilespmem:s13+$0x15100] =	vst v19;
	v19 =	vld [tilespmem:s13+$0x11AD8]  }
0x12a: {  	[tilespmem:s13+$0x15300] =	vst v20;
	v20 =	vld [tilespmem:s13+$0x11CE0]  }
0x12b: {  	[tilespmem:s13+$0x15700] =	vst v17;
	v17 =	vld [tilespmem:s13+$0x120F0]  }
0x12c: {  	[tilespmem:s13+$0x15F00] =	vst v55  }
0x12d: {  	s12 =	sshll.u32 s31, $0x14;
	[tilespmem:s13+$0x15900] =	vst v18  }
0x12e: {  	s1 =	sor.u32 s6, s12;
	[tilespmem:s13+$0x15B00] =	vst v19  }
0x12f: {  	s1 =	sshrl.u32 s1, $0x3;
	[tilespmem:s13+$0x15D00] =	vst v20  }
0x130: {  	p0 =	seq.s32 s31, $0x18;
	s1 =	sadd.s32 s4, s1;
	[tilespmem:s13+$0x16100] =	vst v17  }
0x131: {  	[hbm4b:s1+s8] =	stream.strided.scatter [tilespmem:s24], [sflag:$0x3], $0x4000, s9, s8, $0x38;
	[tilespmem:$0x1A500] =	vst v63  }
0x132: {  	s1 =	sshll.u32 @!p0 s31, $0xA;
	_ =	swait.ge [sflag:s25], $0x4000  }
0x133: {  	s14 =	simm.s32 @!p0 $0x6400;
	s1 =	sand.u32 @!p0 $0x3FFFFC00, s1;
	[sflag:s25] =	ssyncset.done $0x0  }
0x134: {  	s13 =	simm.s32 @!p0 $0x80;
	s12 =	sadd.s32 @!p0 $0x400, s1;
	[sflag:s25] =	ssyncadd.s32 $0xFFFFC000  }
0x135: {  	[tilespmem:s14], [sflag:$0x1] =	stream.indirect.gather @!p0 [hbm4b:s3+s13], $0x20, s12, s13, $0xb8;
	[tilespmem:$0x1A500] =	vst v63  }
0x136: {  	s12 =	sadd.s32 @!p0 $0x480, s1;
	s14 =	simm.s32 @!p0 $0x7400  }
0x137: {  	[tilespmem:s14], [sflag:$0x1] =	stream.indirect.gather @!p0 [hbm4b:s3+s13], $0x20, s12, s13, $0xb8;
	[tilespmem:$0x1A500] =	vst v63  }
0x138: {  	s12 =	sadd.s32 @!p0 $0x500, s1;
	s14 =	simm.s32 @!p0 $0x8400  }
0x139: {  	[tilespmem:s14], [sflag:$0x1] =	stream.indirect.gather @!p0 [hbm4b:s3+s13], $0x20, s12, s13, $0xb8;
	[tilespmem:$0x1A500] =	vst v63  }
0x13a: {  	s1 =	sadd.s32 @!p0 $0x580, s1;
	s12 =	simm.s32 @!p0 $0x9400  }
0x13b: {  	[tilespmem:s12], [sflag:$0x1] =	stream.indirect.gather @!p0 [hbm4b:s3+s13], $0x20, s1, s13, $0xb8;
	[tilespmem:$0x1A500] =	vst v63  }
0x13c: {  	s13 =	simm.s32 $0x0  }
0x13d: {  	p1 =	seq.s32 @!p0 s31, $0x0;
	v17 =	vmov s13  }
0x13e: {  	p0 =	por p0, !p1;
	v17 =	vshrl.u32 v17, $0x3  }
0x13f: {  	_ =	swait.ge @p0 [sflag:s29], $0x4000;
	v17 =	vshll.u32 v17, v1  }
0x140: {  	[sflag:s29] =	ssyncset.done @p0 $0x0;
	v17 =	vbroadcast v17, $0x0  }
0x141: {  	s1 =	simm.s32 $0xA480;
	[sflag:s29] =	ssyncadd.s32 @p0 $0xFFFFC000  }
0x142: {  	v18 =	vld [tilespmem:s1+$0xFFFFFF80];
	v19 =	vadd.s32 v0, v17  }
0x143: {  	s14 =	simm.s32 $0x1;
	v20 =	vld [tilespmem:s1+$0xFFFFFF90];
	v17 =	vadd.s32 v2, v17  }
0x144: {  	v56 =	vmov s14  }
0x145: {  	v21 =	vshrl.u32 v56, $0x3  }
0x146: {  	v21 =	vshll.u32 v21, v1  }
0x147: {  	[tilespmem:v19+s23+$0x0] =	vst.idx.msk $0xffff, v18;
	v18 =	vbroadcast v21, $0x0  }
0x148: {  	[tilespmem:v17+s23+$0x0] =	vst.idx.msk $0xffff, v20  }
0x149: {  	v17 =	vld [tilespmem:s1+$0xFFFFFFA0];
	v19 =	vadd.s32 v3, v18  }
0x14a: {  	s15 =	simm.s32 $0x2;
	v20 =	vld [tilespmem:s1+$0xFFFFFFB0];
	v18 =	vadd.s32 v4, v18  }
0x14b: {  	v57 =	vmov s15  }
0x14c: {  	v21 =	vshrl.u32 v57, $0x3  }
0x14d: {  	v21 =	vshll.u32 v21, v1  }
0x14e: {  	[tilespmem:v19+s23+$0x0] =	vst.idx.msk $0xffff, v17;
	v17 =	vbroadcast v21, $0x0  }
0x14f: {  	[tilespmem:v18+s23+$0x0] =	vst.idx.msk $0xffff, v20  }
0x150: {  	v18 =	vld [tilespmem:s1+$0xFFFFFFC0];
	v19 =	vadd.s32 v5, v17  }
0x151: {  	s13 =	simm.s32 $0x3;
	v20 =	vld [tilespmem:s1+$0xFFFFFFD0];
	v17 =	vadd.s32 v6, v17  }
0x152: {  	v58 =	vmov s13  }
0x153: {  	v21 =	vshrl.u32 v58, $0x3  }
0x154: {  	v21 =	vshll.u32 v21, v1  }
0x155: {  	[tilespmem:v19+s23+$0x0] =	vst.idx.msk $0xffff, v18;
	v18 =	vbroadcast v21, $0x0  }
0x156: {  	[tilespmem:v17+s23+$0x0] =	vst.idx.msk $0xffff, v20  }
0x157: {  	v17 =	vld [tilespmem:s1+$0xFFFFFFE0];
	v19 =	vadd.s32 v7, v18  }
0x158: {  	s14 =	simm.s32 $0x4;
	v20 =	vld [tilespmem:s1+$0xFFFFFFF0];
	v18 =	vadd.s32 v8, v18  }
0x159: {  	v59 =	vmov s14  }
0x15a: {  	v21 =	vshrl.u32 v59, $0x3  }
0x15b: {  	v21 =	vshll.u32 v21, v1  }
0x15c: {  	[tilespmem:v19+s23+$0x0] =	vst.idx.msk $0xffff, v17;
	v17 =	vbroadcast v21, $0x0  }
0x15d: {  	[tilespmem:v18+s23+$0x0] =	vst.idx.msk $0xffff, v20  }
0x15e: {  	v18 =	vld [tilespmem:s1+$0x0];
	v19 =	vadd.s32 v9, v17  }
0x15f: {  	s15 =	simm.s32 $0x5;
	v20 =	vld [tilespmem:s1+$0x10];
	v17 =	vadd.s32 v10, v17  }
0x160: {  	v60 =	vmov s15  }
0x161: {  	v21 =	vshrl.u32 v60, $0x3  }
0x162: {  	v21 =	vshll.u32 v21, v1  }
0x163: {  	[tilespmem:v19+s23+$0x0] =	vst.idx.msk $0xffff, v18;
	v18 =	vbroadcast v21, $0x0  }
0x164: {  	[tilespmem:v17+s23+$0x0] =	vst.idx.msk $0xffff, v20  }
0x165: {  	v17 =	vld [tilespmem:s1+$0x20];
	v19 =	vadd.s32 v11, v18  }
0x166: {  	s13 =	simm.s32 $0x6;
	v20 =	vld [tilespmem:s1+$0x30];
	v18 =	vadd.s32 v12, v18  }
0x167: {  	v61 =	vmov s13  }
0x168: {  	v21 =	vshrl.u32 v61, $0x3  }
0x169: {  	v21 =	vshll.u32 v21, v1  }
0x16a: {  	[tilespmem:v19+s23+$0x0] =	vst.idx.msk $0xffff, v17;
	v17 =	vbroadcast v21, $0x0  }
0x16b: {  	[tilespmem:v18+s23+$0x0] =	vst.idx.msk $0xffff, v20  }
0x16c: {  	v18 =	vld [tilespmem:s1+$0x40];
	v19 =	vadd.s32 v13, v17  }
0x16d: {  	s14 =	simm.s32 $0x7;
	v20 =	vld [tilespmem:s1+$0x50];
	v17 =	vadd.s32 v14, v17  }
0x16e: {  	v62 =	vmov s14  }
0x16f: {  	v21 =	vshrl.u32 v62, $0x3  }
0x170: {  	v21 =	vshll.u32 v21, v1  }
0x171: {  	[tilespmem:v19+s23+$0x0] =	vst.idx.msk $0xffff, v18;
	v18 =	vbroadcast v21, $0x0  }
0x172: {  	s15 =	simm.s32 $0x8;
	[tilespmem:v17+s23+$0x0] =	vst.idx.msk $0xffff, v20  }
0x173: {  	v17 =	vmov s15;
	v20 =	vld [tilespmem:s1+$0x60];
	v21 =	vadd.s32 v15, v18  }
0x174: {  	v19 =	vshrl.u32 v17, $0x3  }
0x175: {  	v17 =	vld [tilespmem:s1+$0x70];
	v63 =	vshll.u32 v19, v1;
	v19 =	vadd.s32 v16, v18;
	_ =	sdelay $0x2  }
0x176: {  	s12 =	simm.s32 $0xF;
	s13 =	simm.s32 $0x17;
	v18 =	vbroadcast v63, $0x0;
	[tilespmem:v21+s23+$0x0] =	vst.idx.msk $0xffff, v20  }
.LBB2_7:
0x177: {  	p0 =	sne.s32 s13, $0x1FF  }
0x178: {  	[tilespmem:v19+s23+$0x0] =	vst.idx.msk $0xffff, v17;
	s1 =	sadd.s32 $0x100, s1;
	s14 =	smov.u32 s13;
	s13 =	sadd.s32 $0x8, s13  }
0x179: {  	v17 =	vld [tilespmem:s1+$0xFFFFFF80];
	v19 =	vadd.s32 v0, v18  }
0x17a: {  	s15 =	sadd.s32 $0xFFFFFFFA, s12;
	v18 =	vadd.s32 v2, v18;
	v20 =	vld [tilespmem:s1+$0xFFFFFF90]  }
0x17b: {  	v21 =	vmov s15  }
0x17c: {  	v21 =	vshrl.u32 v21, $0x3  }
0x17d: {  	v21 =	vshll.u32 v21, v1  }
0x17e: {  	[tilespmem:v19+s23+$0x0] =	vst.idx.msk $0xffff, v17;
	v17 =	vbroadcast v21, $0x0  }
0x17f: {  	[tilespmem:v18+s23+$0x0] =	vst.idx.msk $0xffff, v20  }
0x180: {  	v18 =	vld [tilespmem:s1+$0xFFFFFFA0];
	v19 =	vadd.s32 v3, v17  }
0x181: {  	s15 =	sadd.s32 $0xFFFFFFFB, s12;
	v17 =	vadd.s32 v4, v17;
	v20 =	vld [tilespmem:s1+$0xFFFFFFB0]  }
0x182: {  	v21 =	vmov s15  }
0x183: {  	v21 =	vshrl.u32 v21, $0x3  }
0x184: {  	v21 =	vshll.u32 v21, v1  }
0x185: {  	[tilespmem:v19+s23+$0x0] =	vst.idx.msk $0xffff, v18;
	v18 =	vbroadcast v21, $0x0  }
0x186: {  	[tilespmem:v17+s23+$0x0] =	vst.idx.msk $0xffff, v20  }
0x187: {  	v17 =	vld [tilespmem:s1+$0xFFFFFFC0];
	v19 =	vadd.s32 v5, v18  }
0x188: {  	s15 =	sadd.s32 $0xFFFFFFFC, s12;
	v18 =	vadd.s32 v6, v18;
	v20 =	vld [tilespmem:s1+$0xFFFFFFD0]  }
0x189: {  	v21 =	vmov s15  }
0x18a: {  	v21 =	vshrl.u32 v21, $0x3  }
0x18b: {  	v21 =	vshll.u32 v21, v1  }
0x18c: {  	[tilespmem:v19+s23+$0x0] =	vst.idx.msk $0xffff, v17;
	v17 =	vbroadcast v21, $0x0  }
0x18d: {  	[tilespmem:v18+s23+$0x0] =	vst.idx.msk $0xffff, v20  }
0x18e: {  	v18 =	vld [tilespmem:s1+$0xFFFFFFE0];
	v19 =	vadd.s32 v7, v17  }
0x18f: {  	s15 =	sadd.s32 $0xFFFFFFFD, s12;
	v17 =	vadd.s32 v8, v17;
	v20 =	vld [tilespmem:s1+$0xFFFFFFF0]  }
0x190: {  	v21 =	vmov s15  }
0x191: {  	v21 =	vshrl.u32 v21, $0x3  }
0x192: {  	v21 =	vshll.u32 v21, v1  }
0x193: {  	[tilespmem:v19+s23+$0x0] =	vst.idx.msk $0xffff, v18;
	v18 =	vbroadcast v21, $0x0  }
0x194: {  	[tilespmem:v17+s23+$0x0] =	vst.idx.msk $0xffff, v20  }
0x195: {  	v17 =	vld [tilespmem:s1+$0x0];
	v19 =	vadd.s32 v9, v18  }
0x196: {  	s15 =	sadd.s32 $0xFFFFFFFE, s12;
	v18 =	vadd.s32 v10, v18;
	v20 =	vld [tilespmem:s1+$0x10]  }
0x197: {  	v21 =	vmov s15  }
0x198: {  	v21 =	vshrl.u32 v21, $0x3  }
0x199: {  	v21 =	vshll.u32 v21, v1  }
0x19a: {  	[tilespmem:v19+s23+$0x0] =	vst.idx.msk $0xffff, v17;
	v17 =	vbroadcast v21, $0x0  }
0x19b: {  	[tilespmem:v18+s23+$0x0] =	vst.idx.msk $0xffff, v20  }
0x19c: {  	v18 =	vld [tilespmem:s1+$0x20];
	v19 =	vadd.s32 v11, v17  }
0x19d: {  	s15 =	sadd.s32 $0xFFFFFFFF, s12;
	v17 =	vadd.s32 v12, v17;
	v20 =	vld [tilespmem:s1+$0x30]  }
0x19e: {  	v21 =	vmov s15  }
0x19f: {  	v21 =	vshrl.u32 v21, $0x3  }
0x1a0: {  	v21 =	vshll.u32 v21, v1  }
0x1a1: {  	[tilespmem:v19+s23+$0x0] =	vst.idx.msk $0xffff, v18;
	v18 =	vbroadcast v21, $0x0  }
0x1a2: {  	[tilespmem:v17+s23+$0x0] =	vst.idx.msk $0xffff, v20  }
0x1a3: {  	v17 =	vld [tilespmem:s1+$0x40];
	v19 =	vadd.s32 v13, v18  }
0x1a4: {  	v18 =	vadd.s32 v14, v18;
	v20 =	vld [tilespmem:s1+$0x50]  }
0x1a5: {  	v21 =	vmov s12;
	s12 =	smov.u32 s14  }
0x1a6: {  	v21 =	vshrl.u32 v21, $0x3  }
0x1a7: {  	v21 =	vshll.u32 v21, v1  }
0x1a8: {  	[tilespmem:v19+s23+$0x0] =	vst.idx.msk $0xffff, v17;
	v19 =	vbroadcast v21, $0x0  }
0x1a9: {  	[tilespmem:v18+s23+$0x0] =	vst.idx.msk $0xffff, v20  }
0x1aa: {  	v20 =	vld [tilespmem:s1+$0x60];
	v21 =	vadd.s32 v15, v19  }
.Ltmp2:
0x1ab: {  	s14 =	sadd.s32 $0xFFFFFFF9, s12;
	v19 =	vadd.s32 v16, v19;
	v17 =	vld [tilespmem:s1+$0x70];
	(pc) =	sbr.rel @p0 .LBB2_7-.Ltmp2, $4  }
0x1ac: {  	v18 =	vmov s14  }
0x1ad: {  	v18 =	vshrl.u32 v18, $0x3  }
0x1ae: {  	v18 =	vshll.u32 v18, v1  }
0x1af: {  	v18 =	vbroadcast v18, $0x0;
	[tilespmem:v21+s23+$0x0] =	vst.idx.msk $0xffff, v20  }
0x1b0: {  	_ =	sdelay $0x3  }
0x1b1: {  	[tilespmem:v19+s23+$0x0] =	vst.idx.msk $0xffff, v17;
	s1 =	sadd.s32 $0x100, s1  }
0x1b2: {  	v17 =	vld [tilespmem:s1+$0xFFFFFF80];
	v19 =	vadd.s32 v0, v18  }
0x1b3: {  	s13 =	sadd.s32 $0xFFFFFFFA, s12;
	v20 =	vld [tilespmem:s1+$0xFFFFFF90];
	v18 =	vadd.s32 v2, v18  }
0x1b4: {  	v21 =	vmov s13  }
0x1b5: {  	v21 =	vshrl.u32 v21, $0x3  }
0x1b6: {  	v21 =	vshll.u32 v21, v1  }
0x1b7: {  	[tilespmem:v19+s23+$0x0] =	vst.idx.msk $0xffff, v17;
	v17 =	vbroadcast v21, $0x0  }
0x1b8: {  	[tilespmem:v18+s23+$0x0] =	vst.idx.msk $0xffff, v20  }
0x1b9: {  	v18 =	vld [tilespmem:s1+$0xFFFFFFA0];
	v19 =	vadd.s32 v3, v17  }
0x1ba: {  	s15 =	sadd.s32 $0xFFFFFFFB, s12;
	v20 =	vld [tilespmem:s1+$0xFFFFFFB0];
	v17 =	vadd.s32 v4, v17  }
0x1bb: {  	v21 =	vmov s15  }
0x1bc: {  	v21 =	vshrl.u32 v21, $0x3  }
0x1bd: {  	v21 =	vshll.u32 v21, v1  }
0x1be: {  	[tilespmem:v19+s23+$0x0] =	vst.idx.msk $0xffff, v18;
	v18 =	vbroadcast v21, $0x0  }
0x1bf: {  	[tilespmem:v17+s23+$0x0] =	vst.idx.msk $0xffff, v20  }
0x1c0: {  	v17 =	vld [tilespmem:s1+$0xFFFFFFC0];
	v19 =	vadd.s32 v5, v18  }
0x1c1: {  	s14 =	sadd.s32 $0xFFFFFFFC, s12;
	v20 =	vld [tilespmem:s1+$0xFFFFFFD0];
	v18 =	vadd.s32 v6, v18  }
0x1c2: {  	v21 =	vmov s14  }
0x1c3: {  	v21 =	vshrl.u32 v21, $0x3  }
0x1c4: {  	v21 =	vshll.u32 v21, v1  }
0x1c5: {  	[tilespmem:v19+s23+$0x0] =	vst.idx.msk $0xffff, v17;
	v17 =	vbroadcast v21, $0x0  }
0x1c6: {  	[tilespmem:v18+s23+$0x0] =	vst.idx.msk $0xffff, v20  }
0x1c7: {  	v18 =	vld [tilespmem:s1+$0xFFFFFFE0];
	v19 =	vadd.s32 v7, v17  }
0x1c8: {  	s15 =	sadd.s32 $0xFFFFFFFD, s12;
	v20 =	vld [tilespmem:s1+$0xFFFFFFF0];
	v17 =	vadd.s32 v8, v17  }
0x1c9: {  	v21 =	vmov s15  }
0x1ca: {  	v21 =	vshrl.u32 v21, $0x3  }
0x1cb: {  	v21 =	vshll.u32 v21, v1  }
0x1cc: {  	[tilespmem:v19+s23+$0x0] =	vst.idx.msk $0xffff, v18;
	v18 =	vbroadcast v21, $0x0  }
0x1cd: {  	[tilespmem:v17+s23+$0x0] =	vst.idx.msk $0xffff, v20  }
0x1ce: {  	v17 =	vld [tilespmem:s1+$0x0];
	v19 =	vadd.s32 v9, v18  }
0x1cf: {  	s14 =	sadd.s32 $0xFFFFFFFE, s12;
	v20 =	vld [tilespmem:s1+$0x10];
	v18 =	vadd.s32 v10, v18  }
0x1d0: {  	v21 =	vmov s14  }
0x1d1: {  	v21 =	vshrl.u32 v21, $0x3  }
0x1d2: {  	v21 =	vshll.u32 v21, v1  }
0x1d3: {  	[tilespmem:v19+s23+$0x0] =	vst.idx.msk $0xffff, v17;
	v17 =	vbroadcast v21, $0x0  }
0x1d4: {  	[tilespmem:v18+s23+$0x0] =	vst.idx.msk $0xffff, v20  }
0x1d5: {  	v18 =	vld [tilespmem:s1+$0x20];
	v19 =	vadd.s32 v11, v17  }
0x1d6: {  	s15 =	sadd.s32 $0xFFFFFFFF, s12;
	v20 =	vld [tilespmem:s1+$0x30];
	v17 =	vadd.s32 v12, v17  }
0x1d7: {  	v21 =	vmov s15  }
0x1d8: {  	v21 =	vshrl.u32 v21, $0x3  }
0x1d9: {  	v21 =	vshll.u32 v21, v1  }
0x1da: {  	[tilespmem:v19+s23+$0x0] =	vst.idx.msk $0xffff, v18;
	v18 =	vbroadcast v21, $0x0  }
0x1db: {  	[tilespmem:v17+s23+$0x0] =	vst.idx.msk $0xffff, v20  }
0x1dc: {  	v17 =	vld [tilespmem:s1+$0x40];
	v19 =	vadd.s32 v13, v18  }
0x1dd: {  	v20 =	vld [tilespmem:s1+$0x50];
	v18 =	vadd.s32 v14, v18  }
0x1de: {  	v21 =	vmov s12  }
0x1df: {  	v21 =	vshrl.u32 v21, $0x3  }
0x1e0: {  	v21 =	vshll.u32 v21, v1  }
0x1e1: {  	[tilespmem:v19+s23+$0x0] =	vst.idx.msk $0xffff, v17;
	v17 =	vbroadcast v21, $0x0  }
0x1e2: {  	[tilespmem:v18+s23+$0x0] =	vst.idx.msk $0xffff, v20  }
0x1e3: {  	v18 =	vld [tilespmem:s1+$0x60];
	v19 =	vadd.s32 v15, v17  }
0x1e4: {  	v20 =	vld [tilespmem:s1+$0x70];
	v17 =	vadd.s32 v16, v17;
	_ =	sdelay $0x3  }
0x1e5: {  	[tilespmem:v19+s23+$0x0] =	vst.idx.msk $0xffff, v18  }
0x1e6: {  	s1 =	simm.s32 $0x0;
	[tilespmem:v17+s23+$0x0] =	vst.idx.msk $0xffff, v20  }
0x1e7: {  	v17 =	vld [tilespmem:s1+$0x122F8]  }
0x1e8: {  	v18 =	vld [tilespmem:s1+$0xE400]  }
0x1e9: {  	v19 =	vld [tilespmem:s1+$0xE608]  }
0x1ea: {  	v20 =	vld [tilespmem:s1+$0xE810]  }
0x1eb: {  	v21 =	vld [tilespmem:s1+$0xEA18]  }
0x1ec: {  	v22 =	vld [tilespmem:s1+$0xEC20];
	[tilespmem:s1+$0x1A300] =	vst v17  }
0x1ed: {  	[tilespmem:s1+$0x16500] =	vst v18;
	v17 =	vld [tilespmem:s1+$0xEE28]  }
0x1ee: {  	[tilespmem:s1+$0x16700] =	vst v19;
	v18 =	vld [tilespmem:s1+$0xF030]  }
0x1ef: {  	[tilespmem:s1+$0x16900] =	vst v20;
	v19 =	vld [tilespmem:s1+$0xF238]  }
0x1f0: {  	[tilespmem:s1+$0x16B00] =	vst v21;
	v20 =	vld [tilespmem:s1+$0xF440]  }
0x1f1: {  	[tilespmem:s1+$0x16D00] =	vst v22;
	v21 =	vld [tilespmem:s1+$0xF648]  }
0x1f2: {  	v22 =	vld [tilespmem:s1+$0x116C8];
	[tilespmem:s1+$0x16F00] =	vst v17  }
0x1f3: {  	v17 =	vld [tilespmem:s1+$0xF850];
	[tilespmem:s1+$0x17100] =	vst v18  }
0x1f4: {  	v18 =	vld [tilespmem:s1+$0xFA58];
	[tilespmem:s1+$0x17300] =	vst v19  }
0x1f5: {  	v19 =	vld [tilespmem:s1+$0xFC60];
	[tilespmem:s1+$0x17500] =	vst v20  }
0x1f6: {  	v20 =	vld [tilespmem:s1+$0xFE68];
	[tilespmem:s1+$0x17700] =	vst v21  }
0x1f7: {  	v21 =	vld [tilespmem:s1+$0x10070];
	[tilespmem:s1+$0x19700] =	vst v22  }
0x1f8: {  	[tilespmem:s1+$0x17900] =	vst v17;
	v17 =	vld [tilespmem:s1+$0x10278]  }
0x1f9: {  	[tilespmem:s1+$0x17B00] =	vst v18;
	v18 =	vld [tilespmem:s1+$0x10480]  }
0x1fa: {  	[tilespmem:s1+$0x17D00] =	vst v19;
	v19 =	vld [tilespmem:s1+$0x10688]  }
0x1fb: {  	[tilespmem:s1+$0x17F00] =	vst v20;
	v20 =	vld [tilespmem:s1+$0x10890]  }
0x1fc: {  	[tilespmem:s1+$0x18100] =	vst v21;
	v21 =	vld [tilespmem:s1+$0x10A98]  }
0x1fd: {  	[tilespmem:s1+$0x18300] =	vst v17;
	v17 =	vld [tilespmem:s1+$0x10CA0]  }
0x1fe: {  	[tilespmem:s1+$0x18500] =	vst v18;
	v18 =	vld [tilespmem:s1+$0x10EA8]  }
0x1ff: {  	[tilespmem:s1+$0x18700] =	vst v19;
	v19 =	vld [tilespmem:s1+$0x110B0]  }
0x200: {  	[tilespmem:s1+$0x18900] =	vst v20;
	v20 =	vld [tilespmem:s1+$0x112B8]  }
0x201: {  	[tilespmem:s1+$0x18B00] =	vst v21;
	v21 =	vld [tilespmem:s1+$0x114C0]  }
0x202: {  	[tilespmem:s1+$0x18D00] =	vst v17;
	v17 =	vld [tilespmem:s1+$0x118D0]  }
0x203: {  	[tilespmem:s1+$0x18F00] =	vst v18;
	v18 =	vld [tilespmem:s1+$0x11AD8]  }
0x204: {  	[tilespmem:s1+$0x19100] =	vst v19;
	v19 =	vld [tilespmem:s1+$0x11CE0]  }
0x205: {  	[tilespmem:s1+$0x19300] =	vst v20;
	v20 =	vld [tilespmem:s1+$0x11EE8]  }
0x206: {  	s13 =	simm.s32 $0x10;
	s12 =	simm.s32 $0x80;
	[tilespmem:s1+$0x19500] =	vst v21;
	v21 =	vld [tilespmem:s1+$0x120F0]  }
.LBB2_9:
0x207: {  	p0 =	sne.s32 s12, $0x7C0;
	v22 =	vld [tilespmem:s13+$0x122F8];
	[tilespmem:s1+$0x19900] =	vst v17  }
0x208: {  	v17 =	vld [tilespmem:s13+$0xE400];
	[tilespmem:s1+$0x19B00] =	vst v18  }
0x209: {  	v18 =	vld [tilespmem:s13+$0xE608];
	[tilespmem:s1+$0x19D00] =	vst v19  }
0x20a: {  	v19 =	vld [tilespmem:s13+$0xE810];
	[tilespmem:s1+$0x19F00] =	vst v20  }
0x20b: {  	v20 =	vld [tilespmem:s13+$0xEA18];
	[tilespmem:s1+$0x1A100] =	vst v21;
	s1 =	smov.u32 s13  }
0x20c: {  	v21 =	vld [tilespmem:s1+$0xEC20];
	[tilespmem:s1+$0x1A300] =	vst v22  }
0x20d: {  	[tilespmem:s1+$0x16500] =	vst v17;
	v17 =	vld [tilespmem:s1+$0xEE28]  }
0x20e: {  	[tilespmem:s1+$0x16700] =	vst v18;
	v18 =	vld [tilespmem:s1+$0xF030]  }
0x20f: {  	[tilespmem:s1+$0x16900] =	vst v19;
	v19 =	vld [tilespmem:s1+$0xF238]  }
0x210: {  	[tilespmem:s1+$0x16B00] =	vst v20;
	v20 =	vld [tilespmem:s1+$0xF440]  }
0x211: {  	[tilespmem:s1+$0x16D00] =	vst v21;
	v21 =	vld [tilespmem:s1+$0xF648]  }
0x212: {  	[tilespmem:s1+$0x16F00] =	vst v17;
	v17 =	vld [tilespmem:s1+$0xF850]  }
0x213: {  	[tilespmem:s1+$0x17100] =	vst v18;
	v18 =	vld [tilespmem:s1+$0xFA58]  }
0x214: {  	[tilespmem:s1+$0x17300] =	vst v19;
	v19 =	vld [tilespmem:s1+$0xFC60]  }
0x215: {  	[tilespmem:s1+$0x17500] =	vst v20;
	v20 =	vld [tilespmem:s1+$0xFE68]  }
0x216: {  	[tilespmem:s1+$0x17700] =	vst v21;
	v21 =	vld [tilespmem:s1+$0x10070]  }
0x217: {  	[tilespmem:s1+$0x17900] =	vst v17;
	v17 =	vld [tilespmem:s1+$0x10278]  }
0x218: {  	[tilespmem:s1+$0x17B00] =	vst v18;
	v18 =	vld [tilespmem:s1+$0x10480]  }
0x219: {  	[tilespmem:s1+$0x17D00] =	vst v19;
	v19 =	vld [tilespmem:s1+$0x10688]  }
0x21a: {  	[tilespmem:s1+$0x17F00] =	vst v20;
	v20 =	vld [tilespmem:s1+$0x10890]  }
0x21b: {  	[tilespmem:s1+$0x18100] =	vst v21;
	v21 =	vld [tilespmem:s1+$0x10A98]  }
0x21c: {  	[tilespmem:s1+$0x18300] =	vst v17;
	v17 =	vld [tilespmem:s1+$0x10CA0]  }
0x21d: {  	[tilespmem:s1+$0x18500] =	vst v18;
	v18 =	vld [tilespmem:s1+$0x10EA8]  }
0x21e: {  	[tilespmem:s1+$0x18700] =	vst v19;
	v19 =	vld [tilespmem:s1+$0x110B0]  }
0x21f: {  	[tilespmem:s1+$0x18900] =	vst v20;
	v20 =	vld [tilespmem:s1+$0x112B8]  }
0x220: {  	[tilespmem:s1+$0x18B00] =	vst v21;
	v21 =	vld [tilespmem:s1+$0x114C0]  }
0x221: {  	[tilespmem:s1+$0x18D00] =	vst v17;
	v22 =	vld [tilespmem:s1+$0x116C8]  }
.Ltmp3:
0x222: {  	[tilespmem:s1+$0x18F00] =	vst v18;
	v17 =	vld [tilespmem:s1+$0x118D0];
	(pc) =	sbr.rel @p0 .LBB2_9-.Ltmp3, $4  }
0x223: {  	[tilespmem:s1+$0x19100] =	vst v19;
	v18 =	vld [tilespmem:s1+$0x11AD8]  }
0x224: {  	[tilespmem:s1+$0x19300] =	vst v20;
	v19 =	vld [tilespmem:s1+$0x11CE0]  }
0x225: {  	[tilespmem:s1+$0x19500] =	vst v21;
	v20 =	vld [tilespmem:s1+$0x11EE8]  }
0x226: {  	s13 =	sshra.s32 s12, $0x2;
	s12 =	sadd.s32 $0x40, s12;
	[tilespmem:s1+$0x19700] =	vst v22;
	v21 =	vld [tilespmem:s1+$0x120F0]  }
0x227: {  	v22 =	vld [tilespmem:s13+$0x122F8];
	[tilespmem:s1+$0x19900] =	vst v17  }
0x228: {  	v17 =	vld [tilespmem:s13+$0xE400];
	[tilespmem:s1+$0x19B00] =	vst v18  }
0x229: {  	v18 =	vld [tilespmem:s13+$0xE608];
	[tilespmem:s1+$0x19D00] =	vst v19  }
0x22a: {  	v19 =	vld [tilespmem:s13+$0xE810];
	[tilespmem:s1+$0x19F00] =	vst v20  }
0x22b: {  	v20 =	vld [tilespmem:s13+$0xEA18];
	[tilespmem:s1+$0x1A100] =	vst v21  }
0x22c: {  	v21 =	vld [tilespmem:s13+$0xEC20];
	[tilespmem:s13+$0x1A300] =	vst v22  }
0x22d: {  	[tilespmem:s13+$0x16500] =	vst v17;
	v17 =	vld [tilespmem:s13+$0xEE28]  }
0x22e: {  	v54 =	vld [tilespmem:s13+$0xF440];
	[tilespmem:s13+$0x16700] =	vst v18  }
0x22f: {  	v55 =	vld [tilespmem:s13+$0xF648];
	[tilespmem:s13+$0x16900] =	vst v19  }
0x230: {  	v18 =	vld [tilespmem:s13+$0xF030];
	[tilespmem:s13+$0x16B00] =	vst v20  }
0x231: {  	v19 =	vld [tilespmem:s13+$0xF238];
	[tilespmem:s13+$0x16D00] =	vst v21  }
0x232: {  	[tilespmem:s13+$0x16F00] =	vst v17;
	v17 =	vld [tilespmem:s13+$0xF850]  }
0x233: {  	v56 =	vld [tilespmem:s13+$0xFE68];
	[tilespmem:s13+$0x17500] =	vst v54  }
0x234: {  	v57 =	vld [tilespmem:s13+$0x10070];
	[tilespmem:s13+$0x17700] =	vst v55  }
0x235: {  	[tilespmem:s13+$0x17100] =	vst v18;
	v18 =	vld [tilespmem:s13+$0xFA58]  }
0x236: {  	[tilespmem:s13+$0x17300] =	vst v19;
	v19 =	vld [tilespmem:s13+$0xFC60]  }
0x237: {  	[tilespmem:s13+$0x17900] =	vst v17;
	v17 =	vld [tilespmem:s13+$0x10278]  }
0x238: {  	v58 =	vld [tilespmem:s13+$0x10890];
	[tilespmem:s13+$0x17F00] =	vst v56  }
0x239: {  	v59 =	vld [tilespmem:s13+$0x10A98];
	[tilespmem:s13+$0x18100] =	vst v57  }
0x23a: {  	[tilespmem:s13+$0x17B00] =	vst v18;
	v18 =	vld [tilespmem:s13+$0x10480]  }
0x23b: {  	[tilespmem:s13+$0x17D00] =	vst v19;
	v19 =	vld [tilespmem:s13+$0x10688]  }
0x23c: {  	[tilespmem:s13+$0x18300] =	vst v17;
	v17 =	vld [tilespmem:s13+$0x10CA0]  }
0x23d: {  	v60 =	vld [tilespmem:s13+$0x112B8];
	[tilespmem:s13+$0x18900] =	vst v58  }
0x23e: {  	v61 =	vld [tilespmem:s13+$0x114C0];
	[tilespmem:s13+$0x18B00] =	vst v59  }
0x23f: {  	[tilespmem:s13+$0x18500] =	vst v18;
	v18 =	vld [tilespmem:s13+$0x10EA8]  }
0x240: {  	[tilespmem:s13+$0x18700] =	vst v19;
	v19 =	vld [tilespmem:s13+$0x110B0]  }
0x241: {  	[tilespmem:s13+$0x18D00] =	vst v17;
	v17 =	vld [tilespmem:s13+$0x116C8]  }
0x242: {  	v62 =	vld [tilespmem:s13+$0x11CE0];
	[tilespmem:s13+$0x19300] =	vst v60  }
0x243: {  	v63 =	vld [tilespmem:s13+$0x11EE8];
	[tilespmem:s13+$0x19500] =	vst v61  }
0x244: {  	[tilespmem:s13+$0x18F00] =	vst v18;
	v18 =	vld [tilespmem:s13+$0x118D0]  }
0x245: {  	[tilespmem:s13+$0x19100] =	vst v19;
	v19 =	vld [tilespmem:s13+$0x11AD8]  }
0x246: {  	s31 =	sadd.s32 $0x1, s31;
	[tilespmem:s13+$0x19700] =	vst v17;
	v17 =	vld [tilespmem:s13+$0x120F0]  }
0x247: {  	p0 =	sne.s32 s31, $0x19;
	[tilespmem:s13+$0x19D00] =	vst v62  }
.Ltmp4:
0x248: {  	s0 =	sshll.u32 s0, $0x13;
	[tilespmem:s13+$0x19F00] =	vst v63;
	(pc) =	sbr.rel @p0 .LBB2_2-.Ltmp4, $4  }
0x249: {  	s0 =	sor.u32 s6, s0;
	[tilespmem:s13+$0x19900] =	vst v18  }
0x24a: {  	s0 =	sshrl.u32 s0, $0x3;
	[tilespmem:s13+$0x19B00] =	vst v19  }
0x24b: {  	s0 =	sadd.s32 s4, s0;
	[tilespmem:s13+$0x1A100] =	vst v17  }
0x24c: {  	[hbm4b:s0+s8] =	stream.strided.scatter [tilespmem:s26], [sflag:$0x4], $0x4000, s9, s8, $0x38;
	[tilespmem:$0x1A500] =	vst v63  }
0x24d: {  	s30 =	sadd.s32 $0x1, s30  }
0x24e: {  	_ =	swait.ge [sflag:s28], $0x4000;
	p0 =	sne.s32 s30, s7  }
.Ltmp5:
0x24f: {  	[sflag:s28] =	ssyncset.done $0x0;
	(pc) =	sbr.rel @p0 .LBB2_1-.Ltmp5, $4  }
0x250: {  	[sflag:s28] =	ssyncadd.s32 $0xFFFFC000  }
0x251: {  	_ =	swait.ge [sflag:s29], $0x4000  }
0x252: {  	[sflag:s29] =	ssyncset.done $0x0  }
0x253: {  	[sflag:s29] =	ssyncadd.s32 $0xFFFFC000  }
0x254: {  	_ =	sfence.sel $0x180000  }
0x255: {  	[bflag:$0x0] =	sbarrier.arrive $0xFFFF  }
0x256: {  	_ =	strace $0x9000004A  }
0x257: {  	s0 =	stileid.u32;
	[bflag:$0x2] =	sbarrier.arrive $0xFFFF  }
0x258: {  	p0 =	sne.s32 s0, $0x0;
	s0 =	rddreg [dreg:$0x2]  }
0x259: {  	s0 =	sadd.s32 @!p0 $0x100000, s0  }
0x25a: {  	[sflag:s0] =	ssyncadd.tile.s32 @!p0 $0x1;
	_ =	shalt  }
.Lfunc_end2:
_tile_overlayer_lowered:
.L_overlay_start_2:
0x25b: {  	(tag) =	ssettag $0x2  }
0x25c: {  	s0 =	rddreg [dreg:$0x0];
	s2 =	stileid.u32  }
0x25d: {  	s1 =	rddreg [dreg:$0x1];
	p0 =	sne.s32 s2, $0x0  }
0x25e: {  	s3 =	rddreg [dreg:$0x2];
	[bflag:$0x3] =	sbarrier.arrive $0xFFFF;
	s2 =	simm.s32 @!p0 $0x1C05  }
0x25f: {  	[timem:s3], [sflag:s2] =	dma.local @!p0 [hbm:s0], s1  }
0x260: {  	s0 =	simm.s32 @!p0 $0x5  }
0x261: {  	_ =	swait.ge @!p0 [sflag:s0], s1  }
0x262: {  	s1 =	ssub.s32 @!p0 $0x0, s1;
	[sflag:s0] =	ssyncset.done @!p0 $0x0  }
0x263: {  	[sflag:s0] =	ssyncadd.s32 @!p0 s1  }
0x264: {  	[bflag:$0x3] =	sbarrier.arrive $0xFFFF  }
0x265: {  	_ =	shalt  }

</sc_bundles>
